<compile_context>
chip_gen: v7x
topology: tpu7x:2x2x1
jax: 0.10.2.dev20260603
libtpu: 0.0.44.dev20260713+nightly
codegen_flags: <defaults>
</compile_context>

<pallas_src>
import functools

import jax
import jax.numpy as jnp
from jax import lax
from jax.experimental import pallas as pl
from jax.experimental.pallas import tpu as pltpu
from jax.experimental.pallas import tpu_sc as plsc

N_NODES = 10000
N_EDGES = 320000
D = 128
NUM_RELS = 200

_NC = 2
_NS = 16
_NW = _NC * _NS
_EW = N_EDGES // _NW
_CHUNK = 80
_NSTEP = _EW // _CHUNK
_N_PAD = 10240
_ROWS_PER_TILE = _N_PAD // _NS
_MSG_BLK = 4000


def _tables_body(emb_h, w_h, rel_wt_p, emb_e_p, w_e, tn_out, tr_out):
    tn_out[...] = jnp.dot(emb_h[...], w_h[...], preferred_element_type=jnp.float32)
    re = jnp.dot(rel_wt_p[...], emb_e_p[...], preferred_element_type=jnp.float32)
    tr_out[...] = jnp.dot(re, w_e[...], preferred_element_type=jnp.float32)


_tables_call = pl.pallas_call(
    _tables_body,
    out_shape=[
        jax.ShapeDtypeStruct((N_NODES, D), jnp.float32),
        jax.ShapeDtypeStruct((NUM_RELS, D), jnp.float32),
    ],
)


def _sc_gather_body(tn_hbm, tr_hbm, src_hbm, rel_hbm, s_out,
                    src_all, rel_all, srows, rrows, sem_a, sem_b):
    c = lax.axis_index("c")
    s = lax.axis_index("s")
    wid = s * _NC + c
    base = wid * _EW

    pltpu.sync_copy(src_hbm.at[pl.ds(base, _EW)], src_all)
    pltpu.sync_copy(rel_hbm.at[pl.ds(base, _EW)], rel_all)

    def _fire(g, b):
        pltpu.async_copy(tn_hbm.at[src_all.at[pl.ds(g * _CHUNK, _CHUNK)]],
                         srows.at[b], sem_a)
        pltpu.async_copy(tr_hbm.at[rel_all.at[pl.ds(g * _CHUNK, _CHUNK)]],
                         rrows.at[b], sem_b)

    def _wait(b):
        pltpu.make_async_copy(tn_hbm.at[src_all.at[pl.ds(0, _CHUNK)]],
                              srows.at[b], sem_a).wait()
        pltpu.make_async_copy(tr_hbm.at[rel_all.at[pl.ds(0, _CHUNK)]],
                              rrows.at[b], sem_b).wait()

    def _consume(g, b):
        def _row(i, carry2):
            for j in range(D // 16):
                sl = pl.ds(j * 16, 16)
                srows[b, i, sl] = srows[b, i, sl] + rrows[b, i, sl]
            return carry2

        lax.fori_loop(0, _CHUNK, _row, 0)
        pltpu.sync_copy(srows.at[b], s_out.at[pl.ds(base + g * _CHUNK, _CHUNK)])

    _fire(0, 0)

    def _pair(k, carry):
        g0 = 2 * k
        _fire(g0 + 1, 1)
        _wait(0)
        _consume(g0, 0)
        _fire(g0 + 2, 0)
        _wait(1)
        _consume(g0 + 1, 1)
        return carry

    lax.fori_loop(0, (_NSTEP - 1) // 2, _pair, 0)
    _wait(0)
    _consume(_NSTEP - 1, 0)


_sc_gather_call = functools.partial(
    pl.kernel,
    mesh=plsc.VectorSubcoreMesh(core_axis_name="c", subcore_axis_name="s"),
    out_type=[jax.ShapeDtypeStruct((N_EDGES, D), jnp.float32)],
    scratch_types=[
        pltpu.VMEM((_EW,), jnp.int32),
        pltpu.VMEM((_EW,), jnp.int32),
        pltpu.VMEM((2, _CHUNK, D), jnp.float32),
        pltpu.VMEM((2, _CHUNK, D), jnp.float32),
        pltpu.SemaphoreType.DMA,
        pltpu.SemaphoreType.DMA,
    ],
)(_sc_gather_body)


def _msg_body(s_ref, w_ref, b_ref, o_ref):
    o_ref[...] = jnp.maximum(
        jnp.dot(s_ref[...], w_ref[...], preferred_element_type=jnp.float32)
        + b_ref[...],
        0.0,
    )


_msg_call = pl.pallas_call(
    _msg_body,
    grid=(N_EDGES // _MSG_BLK,),
    in_specs=[
        pl.BlockSpec((_MSG_BLK, D), lambda i: (i, 0)),
        pl.BlockSpec((D, D), lambda i: (0, 0)),
        pl.BlockSpec((1, D), lambda i: (0, 0)),
    ],
    out_specs=pl.BlockSpec((_MSG_BLK, D), lambda i: (i, 0)),
    out_shape=jax.ShapeDtypeStruct((N_EDGES, D), jnp.float32),
)


def _sc_scatter_body(msg_hbm, dst_hbm, agg_out, cnt_out,
                     dst_all, iota_idx, mrows, cnt_local, agg_sh, sem_a):
    c = lax.axis_index("c")
    s = lax.axis_index("s")
    row0 = s * _ROWS_PER_TILE
    n_sub = _ROWS_PER_TILE // _CHUNK
    out_row0 = c * _N_PAD + row0
    lanes = lax.iota(jnp.int32, 16)

    def _zero_body(i, carry):
        for j in range(D // 16):
            mrows[0, i, pl.ds(j * 16, 16)] = jnp.zeros((16,), jnp.float32)
        return carry

    lax.fori_loop(0, _CHUNK, _zero_body, 0)

    def _zero_cnt(i, carry):
        cnt_local[pl.ds(i * 16, 16)] = jnp.zeros((16,), jnp.float32)
        return carry

    lax.fori_loop(0, _N_PAD // 16, _zero_cnt, 0)

    def _fill_idx(buf, base):
        def _g(j, carry):
            buf[pl.ds(j * 16, 16)] = base + j * 16 + lanes
            return carry

        lax.fori_loop(0, _CHUNK // 16, _g, 0)

    def _zcopy(k, carry):
        _fill_idx(iota_idx, row0 + k * _CHUNK)
        pltpu.sync_copy(mrows.at[0], agg_sh.at[iota_idx])
        return carry

    lax.fori_loop(0, n_sub, _zcopy, 0)

    wid = s * _NC + c
    base = wid * _EW
    pltpu.sync_copy(dst_hbm.at[pl.ds(base, _EW)], dst_all)

    plsc.subcore_barrier()

    e0 = jnp.where(lanes == 0, 1.0, 0.0).astype(jnp.float32)

    def _fire(g, b):
        pltpu.async_copy(msg_hbm.at[pl.ds(base + g * _CHUNK, _CHUNK)],
                         mrows.at[b], sem_a)

    def _consume(g, b):
        def _cnt_blk(ib, carry2):
            dvec = dst_all[pl.ds(g * _CHUNK + ib * 16, 16)]
            iota_idx[pl.ds(ib * 16, 16)] = dvec
            for l in range(16):
                d = dvec[l]
                w = pl.ds(d, 16)
                cnt_local[w] = cnt_local[w] + e0
            return carry2

        lax.fori_loop(0, _CHUNK // 16, _cnt_blk, 0)

        pltpu.make_async_copy(msg_hbm.at[pl.ds(base, _CHUNK)],
                              mrows.at[b], sem_a).wait()
        pltpu.sync_copy(mrows.at[b], agg_sh.at[iota_idx], add=True)

    _fire(0, 0)

    def _pair(k, carry):
        g0 = 2 * k
        _fire(g0 + 1, 1)
        _consume(g0, 0)
        _fire(g0 + 2, 0)
        _consume(g0 + 1, 1)
        return carry

    lax.fori_loop(0, (_NSTEP - 1) // 2, _pair, 0)
    _consume(_NSTEP - 1, 0)

    plsc.subcore_barrier()

    def _pub(k, carry):
        _fill_idx(iota_idx, row0 + k * _CHUNK)
        pltpu.async_copy(agg_sh.at[iota_idx], mrows.at[0], sem_a).wait()
        pltpu.sync_copy(mrows.at[0], agg_out.at[pl.ds(out_row0 + k * _CHUNK, _CHUNK)])
        return carry

    lax.fori_loop(0, n_sub, _pub, 0)

    pltpu.sync_copy(cnt_local, cnt_out.at[wid])


_sc_scatter_call = functools.partial(
    pl.kernel,
    mesh=plsc.VectorSubcoreMesh(core_axis_name="c", subcore_axis_name="s"),
    out_type=[
        jax.ShapeDtypeStruct((_NC * _N_PAD, D), jnp.float32),
        jax.ShapeDtypeStruct((_NW, _N_PAD), jnp.float32),
    ],
    scratch_types=[
        pltpu.VMEM((_EW,), jnp.int32),
        pltpu.VMEM((_CHUNK,), jnp.int32),
        pltpu.VMEM((2, _CHUNK, D), jnp.float32),
        pltpu.VMEM((_N_PAD,), jnp.float32),
        pltpu.VMEM_SHARED((_N_PAD, D), jnp.float32),
        pltpu.SemaphoreType.DMA,
    ],
)(_sc_scatter_body)


def _bn(x, g, b):
    mu = jnp.mean(x, axis=0, keepdims=True)
    var = jnp.mean((x - mu) ** 2, axis=0, keepdims=True)
    return (x - mu) / jnp.sqrt(var + 1e-5) * g + b


def _tail_body(agg_part, cnt_part, w_op, b_op, bn_op_g, bn_op_b,
               w_concat, b_concat, bn_cell_g, bn_cell_b, bn_final_g, bn_final_b,
               w_c1, b_c1, w_c2, b_c2, w_c3, b_c3, out):
    agg = agg_part[0:N_NODES, :] + agg_part[_N_PAD:_N_PAD + N_NODES, :]
    cnt = jnp.sum(cnt_part[...], axis=0)[0:N_NODES].reshape(N_NODES, 1)
    h = agg / jnp.maximum(cnt, 1.0)
    h = jnp.dot(h, w_op[...], preferred_element_type=jnp.float32) + b_op[...]
    h = _bn(h, bn_op_g[...], bn_op_b[...])
    h = jnp.maximum(h, 0.0)
    h = jnp.dot(h, w_concat[...], preferred_element_type=jnp.float32) + b_concat[...]
    h = _bn(h, bn_cell_g[...], bn_cell_b[...])
    h = jnp.maximum(h, 0.0)
    h = _bn(h, bn_final_g[...], bn_final_b[...])
    h = jnp.maximum(h, 0.0)
    y = jnp.maximum(jnp.dot(h, w_c1[...], preferred_element_type=jnp.float32) + b_c1[...], 0.0)
    y = jnp.maximum(jnp.dot(y, w_c2[...], preferred_element_type=jnp.float32) + b_c2[...], 0.0)
    out[...] = jnp.dot(y, w_c3[...], preferred_element_type=jnp.float32) + b_c3[...]


_tail_call = pl.pallas_call(
    _tail_body,
    out_shape=jax.ShapeDtypeStruct((N_NODES, D), jnp.float32),
)


def _pad2(a, rows, cols):
    return jnp.zeros((rows, cols), a.dtype).at[: a.shape[0], : a.shape[1]].set(a)


def kernel(trip_index, edge_type, params):
    p = params
    src = jnp.asarray(trip_index[:, 1], jnp.int32)
    dst = jnp.asarray(trip_index[:, 2], jnp.int32)
    rel = jnp.asarray(edge_type, jnp.int32)

    rel_wt_p = _pad2(p["rel_wt"], NUM_RELS, D)
    emb_e_p = _pad2(p["emb_e"], D, D)
    tn, tr = _tables_call(p["emb_h"], p["W_h_init"], rel_wt_p, emb_e_p, p["W_e_init"])

    s_edges, = _sc_gather_call(tn, tr, src, rel)
    msg = _msg_call(s_edges, p["W_agg"], p["b_agg"].reshape(1, D))
    agg_part, cnt_part = _sc_scatter_call(msg, dst)

    w_c1 = _pad2(p["W_c1"], D, D)
    b_c1 = _pad2(p["b_c1"].reshape(1, -1), 1, D)
    w_c2 = _pad2(p["W_c2"], D, D)
    b_c2 = _pad2(p["b_c2"].reshape(1, -1), 1, D)
    w_c3 = _pad2(p["W_c3"], D, D)
    b_c3 = _pad2(p["b_c3"].reshape(1, -1), 1, D)

    logits_p = _tail_call(
        agg_part, cnt_part, p["W_op"], p["b_op"].reshape(1, D),
        p["bn_op_g"].reshape(1, D), p["bn_op_b"].reshape(1, D),
        p["W_concat"], p["b_concat"].reshape(1, D),
        p["bn_cell_g"].reshape(1, D), p["bn_cell_b"].reshape(1, D),
        p["bn_final_g"].reshape(1, D), p["bn_final_b"].reshape(1, D),
        w_c1, b_c1, w_c2, b_c2, w_c3, b_c3,
    )
    return logits_p[:, :100]

# --- scband reference (transcript-rebuilt; emitter-appended) ---
"""Pipeline reference for scband-network-6631429505473 (READ-ONLY COPY).

The authoritative reference and input builder live on the scoring server;
editing this copy changes nothing except your own understanding.
"""

import jax, jax.numpy as jnp
import numpy as np

N_NODES = 10000
N_EDGES = 320000
D = 128
INIT_D = 128
NUM_RELS = 200
NUM_BASE_R = 20
NUM_CLASSES = 100


def _batchnorm(x, g, b):
    mu = jnp.mean(x, axis=0, keepdims=True)
    var = jnp.var(x, axis=0, keepdims=True)
    return (x - mu) / jnp.sqrt(var + 1e-5) * g + b


def setup_inputs(seed: int = 0) -> dict:
    key = jax.random.key(seed)
    ks = jax.random.split(key, 32)
    trip_index = jax.random.randint(ks[0], (N_EDGES, 3), 0, N_NODES, dtype=jnp.int32)
    edge_type = jax.random.randint(ks[1], (N_EDGES,), 0, NUM_RELS, dtype=jnp.int32)
    s = 0.05
    params = {
        "emb_h": jax.random.normal(ks[2], (N_NODES, INIT_D), jnp.float32) * 0.02,
        "emb_e": jax.random.normal(ks[3], (NUM_BASE_R, INIT_D), jnp.float32) * 0.02,
        "rel_wt": jax.random.normal(ks[4], (NUM_RELS, NUM_BASE_R), jnp.float32) * 0.1,
        "W_h_init": jax.random.normal(ks[5], (INIT_D, D), jnp.float32) * s,
        "W_e_init": jax.random.normal(ks[6], (INIT_D, D), jnp.float32) * s,
        "W_agg": jax.random.normal(ks[7], (D, D), jnp.float32) * s,
        "b_agg": jnp.zeros((D,), jnp.float32),
        "W_op": jax.random.normal(ks[8], (D, D), jnp.float32) * s,
        "b_op": jnp.zeros((D,), jnp.float32),
        "bn_op_g": jnp.ones((D,), jnp.float32),
        "bn_op_b": jnp.zeros((D,), jnp.float32),
        "W_concat": jax.random.normal(ks[9], (D, D), jnp.float32) * s,
        "b_concat": jnp.zeros((D,), jnp.float32),
        "bn_cell_g": jnp.ones((D,), jnp.float32),
        "bn_cell_b": jnp.zeros((D,), jnp.float32),
        "bn_final_g": jnp.ones((D,), jnp.float32),
        "bn_final_b": jnp.zeros((D,), jnp.float32),
        "W_c1": jax.random.normal(ks[10], (D, D // 2), jnp.float32) * s,
        "b_c1": jnp.zeros((D // 2,), jnp.float32),
        "W_c2": jax.random.normal(ks[11], (D // 2, D // 4), jnp.float32) * s,
        "b_c2": jnp.zeros((D // 4,), jnp.float32),
        "W_c3": jax.random.normal(ks[12], (D // 4, NUM_CLASSES), jnp.float32) * s,
        "b_c3": jnp.zeros((NUM_CLASSES,), jnp.float32),
    }
    return {"trip_index": trip_index, "edge_type": edge_type, "params": params}


def _forward(trip_index, edge_type, p):
    src = trip_index[:, 1]
    dst = trip_index[:, 2]
    # embedding_h lookup + init projection (per-edge source embeddings)
    src_embed = jnp.take(p["emb_h"], src, axis=0) @ p["W_h_init"]  # [E, D]
    # basis-decomposed relation embeddings: rel_wt[etype] @ embedding_e(rel_num)
    rel_emb = jnp.take(p["rel_wt"], edge_type, axis=0) @ p["emb_e"]  # [E, INIT_D]
    edges_embed = rel_emb @ p["W_e_init"]  # [E, D]
    # OpModule: mixed op (message passing, mean aggregation over dst)
    msg = jax.nn.relu((src_embed + edges_embed) @ p["W_agg"] + p["b_agg"])  # [E, D]
    agg = jax.ops.segment_sum(msg, dst, num_segments=N_NODES)
    cnt = jax.ops.segment_sum(jnp.ones((msg.shape[0], 1), msg.dtype), dst, num_segments=N_NODES)
    h = agg / jnp.clip(cnt, 1.0, None)  # mean reduce -> [N, D]
    h = h @ p["W_op"] + p["b_op"]
    h = _batchnorm(h, p["bn_op_g"], p["bn_op_b"])
    zero_out = jax.nn.relu(h)
    # Cell: concat over selected intermediate nodes (single node) + linear + bn + relu
    h = zero_out @ p["W_concat"] + p["b_concat"]
    h = _batchnorm(h, p["bn_cell_g"], p["bn_cell_b"])
    node_embed = jax.nn.relu(h)
    # Network-level batchnorm + relu
    h = _batchnorm(node_embed, p["bn_final_g"], p["bn_final_b"])
    h = jax.nn.relu(h)
    # MLPClassifier: D -> D/2 -> D/4 -> num_classes
    y = jax.nn.relu(h @ p["W_c1"] + p["b_c1"])
    y = jax.nn.relu(y @ p["W_c2"] + p["b_c2"])
    logits = y @ p["W_c3"] + p["b_c3"]
    return logits


def reference(trip_index, edge_type, params):
    return _forward(trip_index, edge_type, params)

if __name__ == "__main__":
    import jax
    _d = setup_inputs()
    print(jax.jit(kernel)(*tuple(_d.values())))

</pallas_src>

<mosaic_0001>
#map = affine_map<(d0, d1) -> (0, 0)>
#map1 = affine_map<(d0, d1) -> (0)>
module attributes {stable_mosaic.version = 14 : i64} {
  func.func @_sc_scatter_body(%arg0: i32, %arg1: i32, %arg2: memref<320000x128xf32, #tpu.memory_space<hbm>>, %arg3: memref<320000xi32, #tpu.memory_space<hbm>>, %arg4: memref<20480x128xf32, #tpu.memory_space<hbm>>, %arg5: memref<32x10240xf32, #tpu.memory_space<hbm>>, %arg6: memref<10000xi32, #tpu.memory_space<vmem>>, %arg7: memref<80xi32, #tpu.memory_space<vmem>>, %arg8: memref<2x80x128xf32, #tpu.memory_space<vmem>>, %arg9: memref<10240xf32, #tpu.memory_space<vmem>>, %arg10: memref<10240x128xf32, #tpu.memory_space<vmem_shared>>, %arg11: memref<!tpu.dma_semaphore, #tpu.memory_space<semaphore_mem>>) attributes {dimension_semantics = [#tpu.dimension_semantics<core_parallel>, #tpu.dimension_semantics<subcore_parallel>], iteration_bounds = array<i64: 2, 16>, scalar_prefetch = 0 : i64, scratch_operands = 6 : i64, tpu.core_type = #tpu.core_type<sc_vector_subcore>, window_params = [{transform_indices = #map}, {transform_indices = #map1}, {transform_indices = #map}, {transform_indices = #map}]} {
    %mul3A = arith.constant 640 : i32
    %mul3A_0 = arith.muli %arg1, %mul3A : i32
    %mul3A_1 = arith.constant 10240 : i32
    %mul3A_2 = arith.muli %arg0, %mul3A_1 : i32
    %add3A = arith.addi %mul3A_2, %mul3A_0 : i32
    %iota3A = tpu.iota {dimensions = array<i32: 0>} : vector<16xi32>
    %scan3A = arith.constant 0 : i32
    %scan3A_3 = arith.constant 0 : i32
    %scan3A_4 = arith.constant 80 : i32
    %scan3A_5 = arith.addi %scan3A_3, %scan3A_4 : i32
    %scan3A_6 = arith.constant 1 : i32
    scf.for %scan3A_74 = %scan3A_3 to %scan3A_5 step %scan3A_6  : i32 {
      %broadcast_in_dim3A_75 = arith.constant 0.000000e+00 : f32
      %broadcast_in_dim3A_76 = vector.broadcast %broadcast_in_dim3A_75 : f32 to vector<16xf32>
      %swap3A = arith.constant 0 : i32
      %swap3A_77 = arith.index_cast %swap3A : i32 to index
      %swap3A_78 = arith.index_cast %scan3A_74 : i32 to index
      %swap3A_79 = arith.constant 0 : index
      %swap3A_80 = tpu.vector_load %arg8[%swap3A_77, %swap3A_78, %swap3A_79] {strides = array<i32>} : memref<2x80x128xf32, #tpu.memory_space<vmem>>, vector<1x1x16xf32>,
      %swap3A_81 = vector.shape_cast %swap3A_80 : vector<1x1x16xf32> to vector<16xf32>
      %swap3A_82 = vector.shape_cast %broadcast_in_dim3A_76 : vector<16xf32> to vector<1x1x16xf32>
      tpu.vector_store %arg8[%swap3A_77, %swap3A_78, %swap3A_79], %swap3A_82 {strides = array<i32>} : memref<2x80x128xf32, #tpu.memory_space<vmem>>, vector<1x1x16xf32>,
      %broadcast_in_dim3A_83 = arith.constant 0.000000e+00 : f32
      %broadcast_in_dim3A_84 = vector.broadcast %broadcast_in_dim3A_83 : f32 to vector<16xf32>
      %swap3A_85 = arith.constant 0 : i32
      %swap3A_86 = arith.index_cast %swap3A_85 : i32 to index
      %swap3A_87 = arith.index_cast %scan3A_74 : i32 to index
      %swap3A_88 = arith.constant 16 : index
      %swap3A_89 = tpu.vector_load %arg8[%swap3A_86, %swap3A_87, %swap3A_88] {strides = array<i32>} : memref<2x80x128xf32, #tpu.memory_space<vmem>>, vector<1x1x16xf32>,
      %swap3A_90 = vector.shape_cast %swap3A_89 : vector<1x1x16xf32> to vector<16xf32>
      %swap3A_91 = vector.shape_cast %broadcast_in_dim3A_84 : vector<16xf32> to vector<1x1x16xf32>
      tpu.vector_store %arg8[%swap3A_86, %swap3A_87, %swap3A_88], %swap3A_91 {strides = array<i32>} : memref<2x80x128xf32, #tpu.memory_space<vmem>>, vector<1x1x16xf32>,
      %broadcast_in_dim3A_92 = arith.constant 0.000000e+00 : f32
      %broadcast_in_dim3A_93 = vector.broadcast %broadcast_in_dim3A_92 : f32 to vector<16xf32>
      %swap3A_94 = arith.constant 0 : i32
      %swap3A_95 = arith.index_cast %swap3A_94 : i32 to index
      %swap3A_96 = arith.index_cast %scan3A_74 : i32 to index
      %swap3A_97 = arith.constant 32 : index
      %swap3A_98 = tpu.vector_load %arg8[%swap3A_95, %swap3A_96, %swap3A_97] {strides = array<i32>} : memref<2x80x128xf32, #tpu.memory_space<vmem>>, vector<1x1x16xf32>,
      %swap3A_99 = vector.shape_cast %swap3A_98 : vector<1x1x16xf32> to vector<16xf32>
      %swap3A_100 = vector.shape_cast %broadcast_in_dim3A_93 : vector<16xf32> to vector<1x1x16xf32>
      tpu.vector_store %arg8[%swap3A_95, %swap3A_96, %swap3A_97], %swap3A_100 {strides = array<i32>} : memref<2x80x128xf32, #tpu.memory_space<vmem>>, vector<1x1x16xf32>,
      %broadcast_in_dim3A_101 = arith.constant 0.000000e+00 : f32
      %broadcast_in_dim3A_102 = vector.broadcast %broadcast_in_dim3A_101 : f32 to vector<16xf32>
      %swap3A_103 = arith.constant 0 : i32
      %swap3A_104 = arith.index_cast %swap3A_103 : i32 to index
      %swap3A_105 = arith.index_cast %scan3A_74 : i32 to index
      %swap3A_106 = arith.constant 48 : index
      %swap3A_107 = tpu.vector_load %arg8[%swap3A_104, %swap3A_105, %swap3A_106] {strides = array<i32>} : memref<2x80x128xf32, #tpu.memory_space<vmem>>, vector<1x1x16xf32>,
      %swap3A_108 = vector.shape_cast %swap3A_107 : vector<1x1x16xf32> to vector<16xf32>
      %swap3A_109 = vector.shape_cast %broadcast_in_dim3A_102 : vector<16xf32> to vector<1x1x16xf32>
      tpu.vector_store %arg8[%swap3A_104, %swap3A_105, %swap3A_106], %swap3A_109 {strides = array<i32>} : memref<2x80x128xf32, #tpu.memory_space<vmem>>, vector<1x1x16xf32>,
      %broadcast_in_dim3A_110 = arith.constant 0.000000e+00 : f32
      %broadcast_in_dim3A_111 = vector.broadcast %broadcast_in_dim3A_110 : f32 to vector<16xf32>
      %swap3A_112 = arith.constant 0 : i32
      %swap3A_113 = arith.index_cast %swap3A_112 : i32 to index
      %swap3A_114 = arith.index_cast %scan3A_74 : i32 to index
      %swap3A_115 = arith.constant 64 : index
      %swap3A_116 = tpu.vector_load %arg8[%swap3A_113, %swap3A_114, %swap3A_115] {strides = array<i32>} : memref<2x80x128xf32, #tpu.memory_space<vmem>>, vector<1x1x16xf32>,
      %swap3A_117 = vector.shape_cast %swap3A_116 : vector<1x1x16xf32> to vector<16xf32>
      %swap3A_118 = vector.shape_cast %broadcast_in_dim3A_111 : vector<16xf32> to vector<1x1x16xf32>
      tpu.vector_store %arg8[%swap3A_113, %swap3A_114, %swap3A_115], %swap3A_118 {strides = array<i32>} : memref<2x80x128xf32, #tpu.memory_space<vmem>>, vector<1x1x16xf32>,
      %broadcast_in_dim3A_119 = arith.constant 0.000000e+00 : f32
      %broadcast_in_dim3A_120 = vector.broadcast %broadcast_in_dim3A_119 : f32 to vector<16xf32>
      %swap3A_121 = arith.constant 0 : i32
      %swap3A_122 = arith.index_cast %swap3A_121 : i32 to index
      %swap3A_123 = arith.index_cast %scan3A_74 : i32 to index
      %swap3A_124 = arith.constant 80 : index
      %swap3A_125 = tpu.vector_load %arg8[%swap3A_122, %swap3A_123, %swap3A_124] {strides = array<i32>} : memref<2x80x128xf32, #tpu.memory_space<vmem>>, vector<1x1x16xf32>,
      %swap3A_126 = vector.shape_cast %swap3A_125 : vector<1x1x16xf32> to vector<16xf32>
      %swap3A_127 = vector.shape_cast %broadcast_in_dim3A_120 : vector<16xf32> to vector<1x1x16xf32>
      tpu.vector_store %arg8[%swap3A_122, %swap3A_123, %swap3A_124], %swap3A_127 {strides = array<i32>} : memref<2x80x128xf32, #tpu.memory_space<vmem>>, vector<1x1x16xf32>,
      %broadcast_in_dim3A_128 = arith.constant 0.000000e+00 : f32
      %broadcast_in_dim3A_129 = vector.broadcast %broadcast_in_dim3A_128 : f32 to vector<16xf32>
      %swap3A_130 = arith.constant 0 : i32
      %swap3A_131 = arith.index_cast %swap3A_130 : i32 to index
      %swap3A_132 = arith.index_cast %scan3A_74 : i32 to index
      %swap3A_133 = arith.constant 96 : index
      %swap3A_134 = tpu.vector_load %arg8[%swap3A_131, %swap3A_132, %swap3A_133] {strides = array<i32>} : memref<2x80x128xf32, #tpu.memory_space<vmem>>, vector<1x1x16xf32>,
      %swap3A_135 = vector.shape_cast %swap3A_134 : vector<1x1x16xf32> to vector<16xf32>
      %swap3A_136 = vector.shape_cast %broadcast_in_dim3A_129 : vector<16xf32> to vector<1x1x16xf32>
      tpu.vector_store %arg8[%swap3A_131, %swap3A_132, %swap3A_133], %swap3A_136 {strides = array<i32>} : memref<2x80x128xf32, #tpu.memory_space<vmem>>, vector<1x1x16xf32>,
      %broadcast_in_dim3A_137 = arith.constant 0.000000e+00 : f32
      %broadcast_in_dim3A_138 = vector.broadcast %broadcast_in_dim3A_137 : f32 to vector<16xf32>
      %swap3A_139 = arith.constant 0 : i32
      %swap3A_140 = arith.index_cast %swap3A_139 : i32 to index
      %swap3A_141 = arith.index_cast %scan3A_74 : i32 to index
      %swap3A_142 = arith.constant 112 : index
      %swap3A_143 = tpu.vector_load %arg8[%swap3A_140, %swap3A_141, %swap3A_142] {strides = array<i32>} : memref<2x80x128xf32, #tpu.memory_space<vmem>>, vector<1x1x16xf32>,
      %swap3A_144 = vector.shape_cast %swap3A_143 : vector<1x1x16xf32> to vector<16xf32>
      %swap3A_145 = vector.shape_cast %broadcast_in_dim3A_138 : vector<16xf32> to vector<1x1x16xf32>
      tpu.vector_store %arg8[%swap3A_140, %swap3A_141, %swap3A_142], %swap3A_145 {strides = array<i32>} : memref<2x80x128xf32, #tpu.memory_space<vmem>>, vector<1x1x16xf32>,
    }
    %scan3A_7 = arith.constant 80 : i32
    %scan3A_8 = arith.constant 0 : i32
    %scan3A_9 = arith.constant 0 : i32
    %scan3A_10 = arith.constant 640 : i32
    %scan3A_11 = arith.addi %scan3A_9, %scan3A_10 : i32
    %scan3A_12 = arith.constant 1 : i32
    scf.for %scan3A_74 = %scan3A_9 to %scan3A_11 step %scan3A_12  : i32 {
      %broadcast_in_dim3A_75 = arith.constant 0.000000e+00 : f32
      %broadcast_in_dim3A_76 = vector.broadcast %broadcast_in_dim3A_75 : f32 to vector<16xf32>
      %mul3A_77 = arith.constant 16 : i32
      %mul3A_78 = arith.muli %scan3A_74, %mul3A_77 : i32
      %swap3A = arith.index_cast %mul3A_78 : i32 to index
      %swap3A_79 = tpu.vector_load %arg9[%swap3A] {strides = array<i32>} : memref<10240xf32, #tpu.memory_space<vmem>>, vector<16xf32>,
      %swap3A_80 = vector.shape_cast %swap3A_79 : vector<16xf32> to vector<16xf32>
      %swap3A_81 = vector.shape_cast %broadcast_in_dim3A_76 : vector<16xf32> to vector<16xf32>
      tpu.vector_store %arg9[%swap3A], %swap3A_81 {strides = array<i32>} : memref<10240xf32, #tpu.memory_space<vmem>>, vector<16xf32>,
    }
    %scan3A_13 = arith.constant 640 : i32
    %scan3A_14 = arith.constant 0 : i32
    %scan3A_15 = arith.constant 0 : i32
    %scan3A_16 = arith.constant 8 : i32
    %scan3A_17 = arith.addi %scan3A_15, %scan3A_16 : i32
    %scan3A_18 = arith.constant 1 : i32
    scf.for %scan3A_74 = %scan3A_15 to %scan3A_17 step %scan3A_18  : i32 {
      %mul3A_75 = arith.constant 80 : i32
      %mul3A_76 = arith.muli %scan3A_74, %mul3A_75 : i32
      %add3A_77 = arith.addi %mul3A_0, %mul3A_76 : i32
      %scan3A_78 = arith.constant 0 : i32
      %scan3A_79 = arith.constant 0 : i32
      %scan3A_80 = arith.constant 5 : i32
      %scan3A_81 = arith.addi %scan3A_79, %scan3A_80 : i32
      %scan3A_82 = arith.constant 1 : i32
      scf.for %scan3A_85 = %scan3A_79 to %scan3A_81 step %scan3A_82  : i32 {
        %mul3A_86 = arith.constant 16 : i32
        %mul3A_87 = arith.muli %scan3A_85, %mul3A_86 : i32
        %add3A_88 = arith.addi %add3A_77, %mul3A_87 : i32
        %add3A_89 = vector.broadcast %add3A_88 : i32 to vector<16xi32>
        %add3A_90 = arith.addi %add3A_89, %iota3A : vector<16xi32>
        %mul3A_91 = arith.constant 16 : i32
        %mul3A_92 = arith.muli %scan3A_85, %mul3A_91 : i32
        %swap3A = arith.index_cast %mul3A_92 : i32 to index
        %swap3A_93 = tpu.vector_load %arg7[%swap3A] {strides = array<i32>} : memref<80xi32, #tpu.memory_space<vmem>>, vector<16xi32>,
        %swap3A_94 = vector.shape_cast %swap3A_93 : vector<16xi32> to vector<16xi32>
        %swap3A_95 = vector.shape_cast %add3A_90 : vector<16xi32> to vector<16xi32>
        tpu.vector_store %arg7[%swap3A], %swap3A_95 {strides = array<i32>} : memref<80xi32, #tpu.memory_space<vmem>>, vector<16xi32>,
      }
      %scan3A_83 = arith.constant 5 : i32
      %run_scoped3A_84 = arith.constant 0 : i32
      "tpu.region"() ({
        %run_scoped3A_85 = tpu.sem_alloc : memref<!tpu.dma_semaphore, #tpu.memory_space<semaphore_mem>>
        %dma_start3A_86 = arith.constant 0 : i32
        %dma_start3A_87 = arith.constant 0 : i32
        %dma_start3A_88 = tpu.memref_slice %arg8[%run_scoped3A_84, %dma_start3A_86, %dma_start3A_87] : memref<2x80x128xf32, #tpu.memory_space<vmem>> -> memref<1x80x128xf32, #tpu.memory_space<vmem>>
        %dma_start3A_89 = tpu.memref_squeeze %dma_start3A_88 : memref<1x80x128xf32, #tpu.memory_space<vmem>> -> memref<80x128xf32, #tpu.memory_space<vmem>>
        %dma_start3A_90 = arith.constant 0 : i32
        %dma_start3A_91 = arith.constant 0 : i32
        %dma_start3A_92 = tpu.memref_slice %arg10[%dma_start3A_90, %dma_start3A_91] : memref<10240x128xf32, #tpu.memory_space<vmem_shared>> -> memref<10240x128xf32, #tpu.memory_space<vmem_shared>>
        tpu.enqueue_indirect_dma source(%dma_start3A_89 : memref<80x128xf32, #tpu.memory_space<vmem>>) target(%dma_start3A_92 : memref<10240x128xf32, #tpu.memory_space<vmem_shared>>) offsets(%arg7 : memref<80xi32, #tpu.memory_space<vmem>>) semaphore(%run_scoped3A_85 : memref<!tpu.dma_semaphore, #tpu.memory_space<semaphore_mem>>)
        %dma_wait3A_93 = arith.constant 0 : i32
        %dma_wait3A_94 = arith.constant 0 : i32
        %dma_wait3A_95 = tpu.memref_slice %arg8[%run_scoped3A_84, %dma_wait3A_93, %dma_wait3A_94] : memref<2x80x128xf32, #tpu.memory_space<vmem>> -> memref<1x80x128xf32, #tpu.memory_space<vmem>>
        %dma_wait3A_96 = tpu.memref_squeeze %dma_wait3A_95 : memref<1x80x128xf32, #tpu.memory_space<vmem>> -> memref<80x128xf32, #tpu.memory_space<vmem>>
        %dma_wait3A_97 = arith.constant 0 : i32
        %dma_wait3A_98 = arith.constant 0 : i32
        %dma_wait3A_99 = tpu.memref_slice %arg10[%dma_wait3A_97, %dma_wait3A_98] : memref<10240x128xf32, #tpu.memory_space<vmem_shared>> -> memref<10240x128xf32, #tpu.memory_space<vmem_shared>>
        tpu.wait_indirect_dma semaphore(%run_scoped3A_85 : memref<!tpu.dma_semaphore, #tpu.memory_space<semaphore_mem>>) src(%dma_wait3A_96 : memref<80x128xf32, #tpu.memory_space<vmem>>) dst(%dma_wait3A_99 : memref<10240x128xf32, #tpu.memory_space<vmem_shared>>)
        tpu.yield
      }) : () -> ()
    }
    %scan3A_19 = arith.constant 8 : i32
    %mul3A_20 = arith.constant 2 : i32
    %mul3A_21 = arith.muli %arg1, %mul3A_20 : i32
    %add3A_22 = arith.addi %mul3A_21, %arg0 : i32
    %mul3A_23 = arith.constant 10000 : i32
    %mul3A_24 = arith.muli %add3A_22, %mul3A_23 : i32
    "tpu.region"() ({
      %run_scoped3A_74 = tpu.sem_alloc : memref<!tpu.dma_semaphore, #tpu.memory_space<semaphore_mem>>
      %dma_start3A_75 = tpu.memref_slice %arg3[%mul3A_24] : memref<320000xi32, #tpu.memory_space<hbm>> -> memref<10000xi32, #tpu.memory_space<hbm>>
      %dma_start3A_76 = tpu.memref_slice %arg3[%mul3A_24] : memref<320000xi32, #tpu.memory_space<hbm>> -> memref<10000xi32, #tpu.memory_space<hbm>>
      tpu.enqueue_dma source(%dma_start3A_76 : memref<10000xi32, #tpu.memory_space<hbm>>) target(%arg6 : memref<10000xi32, #tpu.memory_space<vmem>>) target_semaphore(%run_scoped3A_74 : memref<!tpu.dma_semaphore, #tpu.memory_space<semaphore_mem>>)
      %dma_wait3A_77 = tpu.memref_slice %arg3[%mul3A_24] : memref<320000xi32, #tpu.memory_space<hbm>> -> memref<10000xi32, #tpu.memory_space<hbm>>
      %dma_wait3A_78 = tpu.memref_slice %arg3[%mul3A_24] : memref<320000xi32, #tpu.memory_space<hbm>> -> memref<10000xi32, #tpu.memory_space<hbm>>
      tpu.wait_dma2 semaphore(%run_scoped3A_74 : memref<!tpu.dma_semaphore, #tpu.memory_space<semaphore_mem>>) src(%dma_wait3A_78 : memref<10000xi32, #tpu.memory_space<hbm>>) dst(%arg6 : memref<10000xi32, #tpu.memory_space<vmem>>)
      tpu.yield
    }) : () -> ()
    %barrier3A = arith.constant 0 : index
    tpu.barrier barrier_id(%barrier3A)
    %eq3A = arith.constant 0 : i32
    %eq3A_25 = vector.broadcast %eq3A : i32 to vector<16xi32>
    %eq3A_26 = arith.cmpi eq, %iota3A, %eq3A_25 : vector<16xi32>
    %jit3A = arith.constant 1.000000e+00 : f32
    %jit3A_27 = arith.constant 0.000000e+00 : f32
    %broadcast_in_dim3A = vector.broadcast %jit3A : f32 to vector<16xf32>
    %broadcast_in_dim3A_28 = vector.broadcast %jit3A_27 : f32 to vector<16xf32>
    %select_n3A = arith.select %eq3A_26, %broadcast_in_dim3A, %broadcast_in_dim3A_28 : vector<16xi1>, vector<16xf32>
    %add3A_29 = arith.constant 0 : i32
    %add3A_30 = arith.addi %mul3A_24, %add3A_29 : i32
    %dma_start3A = arith.constant 0 : i32
    %dma_start3A_31 = arith.constant 0 : i32
    %dma_start3A_32 = arith.constant 0 : i32
    %dma_start3A_33 = tpu.memref_slice %arg8[%dma_start3A, %dma_start3A_31, %dma_start3A_32] : memref<2x80x128xf32, #tpu.memory_space<vmem>> -> memref<1x80x128xf32, #tpu.memory_space<vmem>>
    %dma_start3A_34 = tpu.memref_squeeze %dma_start3A_33 : memref<1x80x128xf32, #tpu.memory_space<vmem>> -> memref<80x128xf32, #tpu.memory_space<vmem>>
    %dma_start3A_35 = arith.constant 0 : i32
    %dma_start3A_36 = tpu.memref_slice %arg2[%add3A_30, %dma_start3A_35] : memref<320000x128xf32, #tpu.memory_space<hbm>> -> memref<80x128xf32, #tpu.memory_space<hbm>>
    %dma_start3A_37 = arith.constant 0 : i32
    %dma_start3A_38 = arith.constant 0 : i32
    %dma_start3A_39 = tpu.memref_slice %arg8[%dma_start3A, %dma_start3A_37, %dma_start3A_38] : memref<2x80x128xf32, #tpu.memory_space<vmem>> -> memref<1x80x128xf32, #tpu.memory_space<vmem>>
    %dma_start3A_40 = tpu.memref_squeeze %dma_start3A_39 : memref<1x80x128xf32, #tpu.memory_space<vmem>> -> memref<80x128xf32, #tpu.memory_space<vmem>>
    %dma_start3A_41 = arith.constant 0 : i32
    %dma_start3A_42 = tpu.memref_slice %arg2[%add3A_30, %dma_start3A_41] : memref<320000x128xf32, #tpu.memory_space<hbm>> -> memref<80x128xf32, #tpu.memory_space<hbm>>
    tpu.enqueue_dma source(%dma_start3A_42 : memref<80x128xf32, #tpu.memory_space<hbm>>) target(%dma_start3A_40 : memref<80x128xf32, #tpu.memory_space<vmem>>) target_semaphore(%arg11 : memref<!tpu.dma_semaphore, #tpu.memory_space<semaphore_mem>>)
    %scan3A_43 = arith.constant 0 : i32
    %scan3A_44 = arith.constant 0 : i32
    %scan3A_45 = arith.constant 62 : i32
    %scan3A_46 = arith.addi %scan3A_44, %scan3A_45 : i32
    %scan3A_47 = arith.constant 1 : i32
    scf.for %scan3A_74 = %scan3A_44 to %scan3A_46 step %scan3A_47  : i32 {
      %mul3A_75 = arith.constant 2 : i32
      %mul3A_76 = arith.muli %mul3A_75, %scan3A_74 : i32
      %add3A_77 = arith.constant 1 : i32
      %add3A_78 = arith.addi %mul3A_76, %add3A_77 : i32
      %mul3A_79 = arith.constant 80 : i32
      %mul3A_80 = arith.muli %add3A_78, %mul3A_79 : i32
      %add3A_81 = arith.addi %mul3A_24, %mul3A_80 : i32
      %dma_start3A_82 = arith.constant 1 : i32
      %dma_start3A_83 = arith.constant 0 : i32
      %dma_start3A_84 = arith.constant 0 : i32
      %dma_start3A_85 = tpu.memref_slice %arg8[%dma_start3A_82, %dma_start3A_83, %dma_start3A_84] : memref<2x80x128xf32, #tpu.memory_space<vmem>> -> memref<1x80x128xf32, #tpu.memory_space<vmem>>
      %dma_start3A_86 = tpu.memref_squeeze %dma_start3A_85 : memref<1x80x128xf32, #tpu.memory_space<vmem>> -> memref<80x128xf32, #tpu.memory_space<vmem>>
      %dma_start3A_87 = arith.constant 0 : i32
      %dma_start3A_88 = tpu.memref_slice %arg2[%add3A_81, %dma_start3A_87] : memref<320000x128xf32, #tpu.memory_space<hbm>> -> memref<80x128xf32, #tpu.memory_space<hbm>>
      %dma_start3A_89 = arith.constant 0 : i32
      %dma_start3A_90 = arith.constant 0 : i32
      %dma_start3A_91 = tpu.memref_slice %arg8[%dma_start3A_82, %dma_start3A_89, %dma_start3A_90] : memref<2x80x128xf32, #tpu.memory_space<vmem>> -> memref<1x80x128xf32, #tpu.memory_space<vmem>>
      %dma_start3A_92 = tpu.memref_squeeze %dma_start3A_91 : memref<1x80x128xf32, #tpu.memory_space<vmem>> -> memref<80x128xf32, #tpu.memory_space<vmem>>
      %dma_start3A_93 = arith.constant 0 : i32
      %dma_start3A_94 = tpu.memref_slice %arg2[%add3A_81, %dma_start3A_93] : memref<320000x128xf32, #tpu.memory_space<hbm>> -> memref<80x128xf32, #tpu.memory_space<hbm>>
      tpu.enqueue_dma source(%dma_start3A_94 : memref<80x128xf32, #tpu.memory_space<hbm>>) target(%dma_start3A_92 : memref<80x128xf32, #tpu.memory_space<vmem>>) target_semaphore(%arg11 : memref<!tpu.dma_semaphore, #tpu.memory_space<semaphore_mem>>)
      %scan3A_95 = arith.constant 0 : i32
      %scan3A_96 = arith.constant 0 : i32
      %scan3A_97 = arith.constant 5 : i32
      %scan3A_98 = arith.addi %scan3A_96, %scan3A_97 : i32
      %scan3A_99 = arith.constant 1 : i32
      scf.for %scan3A_155 = %scan3A_96 to %scan3A_98 step %scan3A_99  : i32 {
        %mul3A_156 = arith.constant 80 : i32
        %mul3A_157 = arith.muli %mul3A_76, %mul3A_156 : i32
        %mul3A_158 = arith.constant 16 : i32
        %mul3A_159 = arith.muli %scan3A_155, %mul3A_158 : i32
        %add3A_160 = arith.addi %mul3A_157, %mul3A_159 : i32
        %get3A = arith.index_cast %add3A_160 : i32 to index
        %get3A_161 = tpu.vector_load %arg6[%get3A] {strides = array<i32>} : memref<10000xi32, #tpu.memory_space<vmem>>, vector<16xi32>,
        %get3A_162 = vector.shape_cast %get3A_161 : vector<16xi32> to vector<16xi32>
        %mul3A_163 = arith.constant 16 : i32
        %mul3A_164 = arith.muli %scan3A_155, %mul3A_163 : i32
        %swap3A = arith.index_cast %mul3A_164 : i32 to index
        %swap3A_165 = tpu.vector_load %arg7[%swap3A] {strides = array<i32>} : memref<80xi32, #tpu.memory_space<vmem>>, vector<16xi32>,
        %swap3A_166 = vector.shape_cast %swap3A_165 : vector<16xi32> to vector<16xi32>
        %swap3A_167 = vector.shape_cast %get3A_162 : vector<16xi32> to vector<16xi32>
        tpu.vector_store %arg7[%swap3A], %swap3A_167 {strides = array<i32>} : memref<80xi32, #tpu.memory_space<vmem>>, vector<16xi32>,
        %slice3A = vector.extract_strided_slice %get3A_162 {offsets = [0], sizes = [1], strides = [1]} : vector<16xi32> to vector<1xi32>
        %squeeze3A = vector.extract %slice3A[0] : i32 from vector<1xi32>
        %get3A_168 = arith.index_cast %squeeze3A : i32 to index
        %get3A_169 = tpu.vector_load %arg9[%get3A_168] {strides = array<i32>} : memref<10240xf32, #tpu.memory_space<vmem>>, vector<16xf32>,
        %get3A_170 = vector.shape_cast %get3A_169 : vector<16xf32> to vector<16xf32>
        %add3A_171 = arith.addf %get3A_170, %select_n3A : vector<16xf32>
        %swap3A_172 = arith.index_cast %squeeze3A : i32 to index
        %swap3A_173 = tpu.vector_load %arg9[%swap3A_172] {strides = array<i32>} : memref<10240xf32, #tpu.memory_space<vmem>>, vector<16xf32>,
        %swap3A_174 = vector.shape_cast %swap3A_173 : vector<16xf32> to vector<16xf32>
        %swap3A_175 = vector.shape_cast %add3A_171 : vector<16xf32> to vector<16xf32>
        tpu.vector_store %arg9[%swap3A_172], %swap3A_175 {strides = array<i32>} : memref<10240xf32, #tpu.memory_space<vmem>>, vector<16xf32>,
        %slice3A_176 = vector.extract_strided_slice %get3A_162 {offsets = [1], sizes = [1], strides = [1]} : vector<16xi32> to vector<1xi32>
        %squeeze3A_177 = vector.extract %slice3A_176[0] : i32 from vector<1xi32>
        %get3A_178 = arith.index_cast %squeeze3A_177 : i32 to index
        %get3A_179 = tpu.vector_load %arg9[%get3A_178] {strides = array<i32>} : memref<10240xf32, #tpu.memory_space<vmem>>, vector<16xf32>,
        %get3A_180 = vector.shape_cast %get3A_179 : vector<16xf32> to vector<16xf32>
        %add3A_181 = arith.addf %get3A_180, %select_n3A : vector<16xf32>
        %swap3A_182 = arith.index_cast %squeeze3A_177 : i32 to index
        %swap3A_183 = tpu.vector_load %arg9[%swap3A_182] {strides = array<i32>} : memref<10240xf32, #tpu.memory_space<vmem>>, vector<16xf32>,
        %swap3A_184 = vector.shape_cast %swap3A_183 : vector<16xf32> to vector<16xf32>
        %swap3A_185 = vector.shape_cast %add3A_181 : vector<16xf32> to vector<16xf32>
        tpu.vector_store %arg9[%swap3A_182], %swap3A_185 {strides = array<i32>} : memref<10240xf32, #tpu.memory_space<vmem>>, vector<16xf32>,
        %slice3A_186 = vector.extract_strided_slice %get3A_162 {offsets = [2], sizes = [1], strides = [1]} : vector<16xi32> to vector<1xi32>
        %squeeze3A_187 = vector.extract %slice3A_186[0] : i32 from vector<1xi32>
        %get3A_188 = arith.index_cast %squeeze3A_187 : i32 to index
        %get3A_189 = tpu.vector_load %arg9[%get3A_188] {strides = array<i32>} : memref<10240xf32, #tpu.memory_space<vmem>>, vector<16xf32>,
        %get3A_190 = vector.shape_cast %get3A_189 : vector<16xf32> to vector<16xf32>
        %add3A_191 = arith.addf %get3A_190, %select_n3A : vector<16xf32>
        %swap3A_192 = arith.index_cast %squeeze3A_187 : i32 to index
        %swap3A_193 = tpu.vector_load %arg9[%swap3A_192] {strides = array<i32>} : memref<10240xf32, #tpu.memory_space<vmem>>, vector<16xf32>,
        %swap3A_194 = vector.shape_cast %swap3A_193 : vector<16xf32> to vector<16xf32>
        %swap3A_195 = vector.shape_cast %add3A_191 : vector<16xf32> to vector<16xf32>
        tpu.vector_store %arg9[%swap3A_192], %swap3A_195 {strides = array<i32>} : memref<10240xf32, #tpu.memory_space<vmem>>, vector<16xf32>,
        %slice3A_196 = vector.extract_strided_slice %get3A_162 {offsets = [3], sizes = [1], strides = [1]} : vector<16xi32> to vector<1xi32>
        %squeeze3A_197 = vector.extract %slice3A_196[0] : i32 from vector<1xi32>
        %get3A_198 = arith.index_cast %squeeze3A_197 : i32 to index
        %get3A_199 = tpu.vector_load %arg9[%get3A_198] {strides = array<i32>} : memref<10240xf32, #tpu.memory_space<vmem>>, vector<16xf32>,
        %get3A_200 = vector.shape_cast %get3A_199 : vector<16xf32> to vector<16xf32>
        %add3A_201 = arith.addf %get3A_200, %select_n3A : vector<16xf32>
        %swap3A_202 = arith.index_cast %squeeze3A_197 : i32 to index
        %swap3A_203 = tpu.vector_load %arg9[%swap3A_202] {strides = array<i32>} : memref<10240xf32, #tpu.memory_space<vmem>>, vector<16xf32>,
        %swap3A_204 = vector.shape_cast %swap3A_203 : vector<16xf32> to vector<16xf32>
        %swap3A_205 = vector.shape_cast %add3A_201 : vector<16xf32> to vector<16xf32>
        tpu.vector_store %arg9[%swap3A_202], %swap3A_205 {strides = array<i32>} : memref<10240xf32, #tpu.memory_space<vmem>>, vector<16xf32>,
        %slice3A_206 = vector.extract_strided_slice %get3A_162 {offsets = [4], sizes = [1], strides = [1]} : vector<16xi32> to vector<1xi32>
        %squeeze3A_207 = vector.extract %slice3A_206[0] : i32 from vector<1xi32>
        %get3A_208 = arith.index_cast %squeeze3A_207 : i32 to index
        %get3A_209 = tpu.vector_load %arg9[%get3A_208] {strides = array<i32>} : memref<10240xf32, #tpu.memory_space<vmem>>, vector<16xf32>,
        %get3A_210 = vector.shape_cast %get3A_209 : vector<16xf32> to vector<16xf32>
        %add3A_211 = arith.addf %get3A_210, %select_n3A : vector<16xf32>
        %swap3A_212 = arith.index_cast %squeeze3A_207 : i32 to index
        %swap3A_213 = tpu.vector_load %arg9[%swap3A_212] {strides = array<i32>} : memref<10240xf32, #tpu.memory_space<vmem>>, vector<16xf32>,
        %swap3A_214 = vector.shape_cast %swap3A_213 : vector<16xf32> to vector<16xf32>
        %swap3A_215 = vector.shape_cast %add3A_211 : vector<16xf32> to vector<16xf32>
        tpu.vector_store %arg9[%swap3A_212], %swap3A_215 {strides = array<i32>} : memref<10240xf32, #tpu.memory_space<vmem>>, vector<16xf32>,
        %slice3A_216 = vector.extract_strided_slice %get3A_162 {offsets = [5], sizes = [1], strides = [1]} : vector<16xi32> to vector<1xi32>
        %squeeze3A_217 = vector.extract %slice3A_216[0] : i32 from vector<1xi32>
        %get3A_218 = arith.index_cast %squeeze3A_217 : i32 to index
        %get3A_219 = tpu.vector_load %arg9[%get3A_218] {strides = array<i32>} : memref<10240xf32, #tpu.memory_space<vmem>>, vector<16xf32>,
        %get3A_220 = vector.shape_cast %get3A_219 : vector<16xf32> to vector<16xf32>
        %add3A_221 = arith.addf %get3A_220, %select_n3A : vector<16xf32>
        %swap3A_222 = arith.index_cast %squeeze3A_217 : i32 to index
        %swap3A_223 = tpu.vector_load %arg9[%swap3A_222] {strides = array<i32>} : memref<10240xf32, #tpu.memory_space<vmem>>, vector<16xf32>,
        %swap3A_224 = vector.shape_cast %swap3A_223 : vector<16xf32> to vector<16xf32>
        %swap3A_225 = vector.shape_cast %add3A_221 : vector<16xf32> to vector<16xf32>
        tpu.vector_store %arg9[%swap3A_222], %swap3A_225 {strides = array<i32>} : memref<10240xf32, #tpu.memory_space<vmem>>, vector<16xf32>,
        %slice3A_226 = vector.extract_strided_slice %get3A_162 {offsets = [6], sizes = [1], strides = [1]} : vector<16xi32> to vector<1xi32>
        %squeeze3A_227 = vector.extract %slice3A_226[0] : i32 from vector<1xi32>
        %get3A_228 = arith.index_cast %squeeze3A_227 : i32 to index
        %get3A_229 = tpu.vector_load %arg9[%get3A_228] {strides = array<i32>} : memref<10240xf32, #tpu.memory_space<vmem>>, vector<16xf32>,
        %get3A_230 = vector.shape_cast %get3A_229 : vector<16xf32> to vector<16xf32>
        %add3A_231 = arith.addf %get3A_230, %select_n3A : vector<16xf32>
        %swap3A_232 = arith.index_cast %squeeze3A_227 : i32 to index
        %swap3A_233 = tpu.vector_load %arg9[%swap3A_232] {strides = array<i32>} : memref<10240xf32, #tpu.memory_space<vmem>>, vector<16xf32>,
        %swap3A_234 = vector.shape_cast %swap3A_233 : vector<16xf32> to vector<16xf32>
        %swap3A_235 = vector.shape_cast %add3A_231 : vector<16xf32> to vector<16xf32>
        tpu.vector_store %arg9[%swap3A_232], %swap3A_235 {strides = array<i32>} : memref<10240xf32, #tpu.memory_space<vmem>>, vector<16xf32>,
        %slice3A_236 = vector.extract_strided_slice %get3A_162 {offsets = [7], sizes = [1], strides = [1]} : vector<16xi32> to vector<1xi32>
        %squeeze3A_237 = vector.extract %slice3A_236[0] : i32 from vector<1xi32>
        %get3A_238 = arith.index_cast %squeeze3A_237 : i32 to index
        %get3A_239 = tpu.vector_load %arg9[%get3A_238] {strides = array<i32>} : memref<10240xf32, #tpu.memory_space<vmem>>, vector<16xf32>,
        %get3A_240 = vector.shape_cast %get3A_239 : vector<16xf32> to vector<16xf32>
        %add3A_241 = arith.addf %get3A_240, %select_n3A : vector<16xf32>
        %swap3A_242 = arith.index_cast %squeeze3A_237 : i32 to index
        %swap3A_243 = tpu.vector_load %arg9[%swap3A_242] {strides = array<i32>} : memref<10240xf32, #tpu.memory_space<vmem>>, vector<16xf32>,
        %swap3A_244 = vector.shape_cast %swap3A_243 : vector<16xf32> to vector<16xf32>
        %swap3A_245 = vector.shape_cast %add3A_241 : vector<16xf32> to vector<16xf32>
        tpu.vector_store %arg9[%swap3A_242], %swap3A_245 {strides = array<i32>} : memref<10240xf32, #tpu.memory_space<vmem>>, vector<16xf32>,
        %slice3A_246 = vector.extract_strided_slice %get3A_162 {offsets = [8], sizes = [1], strides = [1]} : vector<16xi32> to vector<1xi32>
        %squeeze3A_247 = vector.extract %slice3A_246[0] : i32 from vector<1xi32>
        %get3A_248 = arith.index_cast %squeeze3A_247 : i32 to index
        %get3A_249 = tpu.vector_load %arg9[%get3A_248] {strides = array<i32>} : memref<10240xf32, #tpu.memory_space<vmem>>, vector<16xf32>,
        %get3A_250 = vector.shape_cast %get3A_249 : vector<16xf32> to vector<16xf32>
        %add3A_251 = arith.addf %get3A_250, %select_n3A : vector<16xf32>
        %swap3A_252 = arith.index_cast %squeeze3A_247 : i32 to index
        %swap3A_253 = tpu.vector_load %arg9[%swap3A_252] {strides = array<i32>} : memref<10240xf32, #tpu.memory_space<vmem>>, vector<16xf32>,
        %swap3A_254 = vector.shape_cast %swap3A_253 : vector<16xf32> to vector<16xf32>
        %swap3A_255 = vector.shape_cast %add3A_251 : vector<16xf32> to vector<16xf32>
        tpu.vector_store %arg9[%swap3A_252], %swap3A_255 {strides = array<i32>} : memref<10240xf32, #tpu.memory_space<vmem>>, vector<16xf32>,
        %slice3A_256 = vector.extract_strided_slice %get3A_162 {offsets = [9], sizes = [1], strides = [1]} : vector<16xi32> to vector<1xi32>
        %squeeze3A_257 = vector.extract %slice3A_256[0] : i32 from vector<1xi32>
        %get3A_258 = arith.index_cast %squeeze3A_257 : i32 to index
        %get3A_259 = tpu.vector_load %arg9[%get3A_258] {strides = array<i32>} : memref<10240xf32, #tpu.memory_space<vmem>>, vector<16xf32>,
        %get3A_260 = vector.shape_cast %get3A_259 : vector<16xf32> to vector<16xf32>
        %add3A_261 = arith.addf %get3A_260, %select_n3A : vector<16xf32>
        %swap3A_262 = arith.index_cast %squeeze3A_257 : i32 to index
        %swap3A_263 = tpu.vector_load %arg9[%swap3A_262] {strides = array<i32>} : memref<10240xf32, #tpu.memory_space<vmem>>, vector<16xf32>,
        %swap3A_264 = vector.shape_cast %swap3A_263 : vector<16xf32> to vector<16xf32>
        %swap3A_265 = vector.shape_cast %add3A_261 : vector<16xf32> to vector<16xf32>
        tpu.vector_store %arg9[%swap3A_262], %swap3A_265 {strides = array<i32>} : memref<10240xf32, #tpu.memory_space<vmem>>, vector<16xf32>,
        %slice3A_266 = vector.extract_strided_slice %get3A_162 {offsets = [10], sizes = [1], strides = [1]} : vector<16xi32> to vector<1xi32>
        %squeeze3A_267 = vector.extract %slice3A_266[0] : i32 from vector<1xi32>
        %get3A_268 = arith.index_cast %squeeze3A_267 : i32 to index
        %get3A_269 = tpu.vector_load %arg9[%get3A_268] {strides = array<i32>} : memref<10240xf32, #tpu.memory_space<vmem>>, vector<16xf32>,
        %get3A_270 = vector.shape_cast %get3A_269 : vector<16xf32> to vector<16xf32>
        %add3A_271 = arith.addf %get3A_270, %select_n3A : vector<16xf32>
        %swap3A_272 = arith.index_cast %squeeze3A_267 : i32 to index
        %swap3A_273 = tpu.vector_load %arg9[%swap3A_272] {strides = array<i32>} : memref<10240xf32, #tpu.memory_space<vmem>>, vector<16xf32>,
        %swap3A_274 = vector.shape_cast %swap3A_273 : vector<16xf32> to vector<16xf32>
        %swap3A_275 = vector.shape_cast %add3A_271 : vector<16xf32> to vector<16xf32>
        tpu.vector_store %arg9[%swap3A_272], %swap3A_275 {strides = array<i32>} : memref<10240xf32, #tpu.memory_space<vmem>>, vector<16xf32>,
        %slice3A_276 = vector.extract_strided_slice %get3A_162 {offsets = [11], sizes = [1], strides = [1]} : vector<16xi32> to vector<1xi32>
        %squeeze3A_277 = vector.extract %slice3A_276[0] : i32 from vector<1xi32>
        %get3A_278 = arith.index_cast %squeeze3A_277 : i32 to index
        %get3A_279 = tpu.vector_load %arg9[%get3A_278] {strides = array<i32>} : memref<10240xf32, #tpu.memory_space<vmem>>, vector<16xf32>,
        %get3A_280 = vector.shape_cast %get3A_279 : vector<16xf32> to vector<16xf32>
        %add3A_281 = arith.addf %get3A_280, %select_n3A : vector<16xf32>
        %swap3A_282 = arith.index_cast %squeeze3A_277 : i32 to index
        %swap3A_283 = tpu.vector_load %arg9[%swap3A_282] {strides = array<i32>} : memref<10240xf32, #tpu.memory_space<vmem>>, vector<16xf32>,
        %swap3A_284 = vector.shape_cast %swap3A_283 : vector<16xf32> to vector<16xf32>
        %swap3A_285 = vector.shape_cast %add3A_281 : vector<16xf32> to vector<16xf32>
        tpu.vector_store %arg9[%swap3A_282], %swap3A_285 {strides = array<i32>} : memref<10240xf32, #tpu.memory_space<vmem>>, vector<16xf32>,
        %slice3A_286 = vector.extract_strided_slice %get3A_162 {offsets = [12], sizes = [1], strides = [1]} : vector<16xi32> to vector<1xi32>
        %squeeze3A_287 = vector.extract %slice3A_286[0] : i32 from vector<1xi32>
        %get3A_288 = arith.index_cast %squeeze3A_287 : i32 to index
        %get3A_289 = tpu.vector_load %arg9[%get3A_288] {strides = array<i32>} : memref<10240xf32, #tpu.memory_space<vmem>>, vector<16xf32>,
        %get3A_290 = vector.shape_cast %get3A_289 : vector<16xf32> to vector<16xf32>
        %add3A_291 = arith.addf %get3A_290, %select_n3A : vector<16xf32>
        %swap3A_292 = arith.index_cast %squeeze3A_287 : i32 to index
        %swap3A_293 = tpu.vector_load %arg9[%swap3A_292] {strides = array<i32>} : memref<10240xf32, #tpu.memory_space<vmem>>, vector<16xf32>,
        %swap3A_294 = vector.shape_cast %swap3A_293 : vector<16xf32> to vector<16xf32>
        %swap3A_295 = vector.shape_cast %add3A_291 : vector<16xf32> to vector<16xf32>
        tpu.vector_store %arg9[%swap3A_292], %swap3A_295 {strides = array<i32>} : memref<10240xf32, #tpu.memory_space<vmem>>, vector<16xf32>,
        %slice3A_296 = vector.extract_strided_slice %get3A_162 {offsets = [13], sizes = [1], strides = [1]} : vector<16xi32> to vector<1xi32>
        %squeeze3A_297 = vector.extract %slice3A_296[0] : i32 from vector<1xi32>
        %get3A_298 = arith.index_cast %squeeze3A_297 : i32 to index
        %get3A_299 = tpu.vector_load %arg9[%get3A_298] {strides = array<i32>} : memref<10240xf32, #tpu.memory_space<vmem>>, vector<16xf32>,
        %get3A_300 = vector.shape_cast %get3A_299 : vector<16xf32> to vector<16xf32>
        %add3A_301 = arith.addf %get3A_300, %select_n3A : vector<16xf32>
        %swap3A_302 = arith.index_cast %squeeze3A_297 : i32 to index
        %swap3A_303 = tpu.vector_load %arg9[%swap3A_302] {strides = array<i32>} : memref<10240xf32, #tpu.memory_space<vmem>>, vector<16xf32>,
        %swap3A_304 = vector.shape_cast %swap3A_303 : vector<16xf32> to vector<16xf32>
        %swap3A_305 = vector.shape_cast %add3A_301 : vector<16xf32> to vector<16xf32>
        tpu.vector_store %arg9[%swap3A_302], %swap3A_305 {strides = array<i32>} : memref<10240xf32, #tpu.memory_space<vmem>>, vector<16xf32>,
        %slice3A_306 = vector.extract_strided_slice %get3A_162 {offsets = [14], sizes = [1], strides = [1]} : vector<16xi32> to vector<1xi32>
        %squeeze3A_307 = vector.extract %slice3A_306[0] : i32 from vector<1xi32>
        %get3A_308 = arith.index_cast %squeeze3A_307 : i32 to index
        %get3A_309 = tpu.vector_load %arg9[%get3A_308] {strides = array<i32>} : memref<10240xf32, #tpu.memory_space<vmem>>, vector<16xf32>,
        %get3A_310 = vector.shape_cast %get3A_309 : vector<16xf32> to vector<16xf32>
        %add3A_311 = arith.addf %get3A_310, %select_n3A : vector<16xf32>
        %swap3A_312 = arith.index_cast %squeeze3A_307 : i32 to index
        %swap3A_313 = tpu.vector_load %arg9[%swap3A_312] {strides = array<i32>} : memref<10240xf32, #tpu.memory_space<vmem>>, vector<16xf32>,
        %swap3A_314 = vector.shape_cast %swap3A_313 : vector<16xf32> to vector<16xf32>
        %swap3A_315 = vector.shape_cast %add3A_311 : vector<16xf32> to vector<16xf32>
        tpu.vector_store %arg9[%swap3A_312], %swap3A_315 {strides = array<i32>} : memref<10240xf32, #tpu.memory_space<vmem>>, vector<16xf32>,
        %slice3A_316 = vector.extract_strided_slice %get3A_162 {offsets = [15], sizes = [1], strides = [1]} : vector<16xi32> to vector<1xi32>
        %squeeze3A_317 = vector.extract %slice3A_316[0] : i32 from vector<1xi32>
        %get3A_318 = arith.index_cast %squeeze3A_317 : i32 to index
        %get3A_319 = tpu.vector_load %arg9[%get3A_318] {strides = array<i32>} : memref<10240xf32, #tpu.memory_space<vmem>>, vector<16xf32>,
        %get3A_320 = vector.shape_cast %get3A_319 : vector<16xf32> to vector<16xf32>
        %add3A_321 = arith.addf %get3A_320, %select_n3A : vector<16xf32>
        %swap3A_322 = arith.index_cast %squeeze3A_317 : i32 to index
        %swap3A_323 = tpu.vector_load %arg9[%swap3A_322] {strides = array<i32>} : memref<10240xf32, #tpu.memory_space<vmem>>, vector<16xf32>,
        %swap3A_324 = vector.shape_cast %swap3A_323 : vector<16xf32> to vector<16xf32>
        %swap3A_325 = vector.shape_cast %add3A_321 : vector<16xf32> to vector<16xf32>
        tpu.vector_store %arg9[%swap3A_322], %swap3A_325 {strides = array<i32>} : memref<10240xf32, #tpu.memory_space<vmem>>, vector<16xf32>,
      }
      %scan3A_100 = arith.constant 5 : i32
      %dma_wait3A_101 = arith.constant 0 : i32
      %dma_wait3A_102 = arith.constant 0 : i32
      %dma_wait3A_103 = arith.constant 0 : i32
      %dma_wait3A_104 = tpu.memref_slice %arg8[%dma_wait3A_101, %dma_wait3A_102, %dma_wait3A_103] : memref<2x80x128xf32, #tpu.memory_space<vmem>> -> memref<1x80x128xf32, #tpu.memory_space<vmem>>
      %dma_wait3A_105 = tpu.memref_squeeze %dma_wait3A_104 : memref<1x80x128xf32, #tpu.memory_space<vmem>> -> memref<80x128xf32, #tpu.memory_space<vmem>>
      %dma_wait3A_106 = arith.constant 0 : i32
      %dma_wait3A_107 = tpu.memref_slice %arg2[%mul3A_24, %dma_wait3A_106] : memref<320000x128xf32, #tpu.memory_space<hbm>> -> memref<80x128xf32, #tpu.memory_space<hbm>>
      %dma_wait3A_108 = arith.constant 0 : i32
      %dma_wait3A_109 = arith.constant 0 : i32
      %dma_wait3A_110 = tpu.memref_slice %arg8[%dma_wait3A_101, %dma_wait3A_108, %dma_wait3A_109] : memref<2x80x128xf32, #tpu.memory_space<vmem>> -> memref<1x80x128xf32, #tpu.memory_space<vmem>>
      %dma_wait3A_111 = tpu.memref_squeeze %dma_wait3A_110 : memref<1x80x128xf32, #tpu.memory_space<vmem>> -> memref<80x128xf32, #tpu.memory_space<vmem>>
      %dma_wait3A_112 = arith.constant 0 : i32
      %dma_wait3A_113 = tpu.memref_slice %arg2[%mul3A_24, %dma_wait3A_112] : memref<320000x128xf32, #tpu.memory_space<hbm>> -> memref<80x128xf32, #tpu.memory_space<hbm>>
      tpu.wait_dma2 semaphore(%arg11 : memref<!tpu.dma_semaphore, #tpu.memory_space<semaphore_mem>>) src(%dma_wait3A_113 : memref<80x128xf32, #tpu.memory_space<hbm>>) dst(%dma_wait3A_111 : memref<80x128xf32, #tpu.memory_space<vmem>>)
      %run_scoped3A_114 = arith.constant 0 : i32
      "tpu.region"() ({
        %run_scoped3A_155 = tpu.sem_alloc : memref<!tpu.dma_semaphore, #tpu.memory_space<semaphore_mem>>
        %dma_start3A_156 = arith.constant 0 : i32
        %dma_start3A_157 = arith.constant 0 : i32
        %dma_start3A_158 = tpu.memref_slice %arg8[%run_scoped3A_114, %dma_start3A_156, %dma_start3A_157] : memref<2x80x128xf32, #tpu.memory_space<vmem>> -> memref<1x80x128xf32, #tpu.memory_space<vmem>>
        %dma_start3A_159 = tpu.memref_squeeze %dma_start3A_158 : memref<1x80x128xf32, #tpu.memory_space<vmem>> -> memref<80x128xf32, #tpu.memory_space<vmem>>
        %dma_start3A_160 = arith.constant 0 : i32
        %dma_start3A_161 = arith.constant 0 : i32
        %dma_start3A_162 = tpu.memref_slice %arg10[%dma_start3A_160, %dma_start3A_161] : memref<10240x128xf32, #tpu.memory_space<vmem_shared>> -> memref<10240x128xf32, #tpu.memory_space<vmem_shared>>
        tpu.enqueue_indirect_dma source(%dma_start3A_159 : memref<80x128xf32, #tpu.memory_space<vmem>>) target(%dma_start3A_162 : memref<10240x128xf32, #tpu.memory_space<vmem_shared>>) offsets(%arg7 : memref<80xi32, #tpu.memory_space<vmem>>) semaphore(%run_scoped3A_155 : memref<!tpu.dma_semaphore, #tpu.memory_space<semaphore_mem>>) {add = true}
        %dma_wait3A_163 = arith.constant 0 : i32
        %dma_wait3A_164 = arith.constant 0 : i32
        %dma_wait3A_165 = tpu.memref_slice %arg8[%run_scoped3A_114, %dma_wait3A_163, %dma_wait3A_164] : memref<2x80x128xf32, #tpu.memory_space<vmem>> -> memref<1x80x128xf32, #tpu.memory_space<vmem>>
        %dma_wait3A_166 = tpu.memref_squeeze %dma_wait3A_165 : memref<1x80x128xf32, #tpu.memory_space<vmem>> -> memref<80x128xf32, #tpu.memory_space<vmem>>
        %dma_wait3A_167 = arith.constant 0 : i32
        %dma_wait3A_168 = arith.constant 0 : i32
        %dma_wait3A_169 = tpu.memref_slice %arg10[%dma_wait3A_167, %dma_wait3A_168] : memref<10240x128xf32, #tpu.memory_space<vmem_shared>> -> memref<10240x128xf32, #tpu.memory_space<vmem_shared>>
        tpu.wait_indirect_dma semaphore(%run_scoped3A_155 : memref<!tpu.dma_semaphore, #tpu.memory_space<semaphore_mem>>) src(%dma_wait3A_166 : memref<80x128xf32, #tpu.memory_space<vmem>>) dst(%dma_wait3A_169 : memref<10240x128xf32, #tpu.memory_space<vmem_shared>>)
        tpu.yield
      }) : () -> ()
      %add3A_115 = arith.constant 2 : i32
      %add3A_116 = arith.addi %mul3A_76, %add3A_115 : i32
      %mul3A_117 = arith.constant 80 : i32
      %mul3A_118 = arith.muli %add3A_116, %mul3A_117 : i32
      %add3A_119 = arith.addi %mul3A_24, %mul3A_118 : i32
      %dma_start3A_120 = arith.constant 0 : i32
      %dma_start3A_121 = arith.constant 0 : i32
      %dma_start3A_122 = arith.constant 0 : i32
      %dma_start3A_123 = tpu.memref_slice %arg8[%dma_start3A_120, %dma_start3A_121, %dma_start3A_122] : memref<2x80x128xf32, #tpu.memory_space<vmem>> -> memref<1x80x128xf32, #tpu.memory_space<vmem>>
      %dma_start3A_124 = tpu.memref_squeeze %dma_start3A_123 : memref<1x80x128xf32, #tpu.memory_space<vmem>> -> memref<80x128xf32, #tpu.memory_space<vmem>>
      %dma_start3A_125 = arith.constant 0 : i32
      %dma_start3A_126 = tpu.memref_slice %arg2[%add3A_119, %dma_start3A_125] : memref<320000x128xf32, #tpu.memory_space<hbm>> -> memref<80x128xf32, #tpu.memory_space<hbm>>
      %dma_start3A_127 = arith.constant 0 : i32
      %dma_start3A_128 = arith.constant 0 : i32
      %dma_start3A_129 = tpu.memref_slice %arg8[%dma_start3A_120, %dma_start3A_127, %dma_start3A_128] : memref<2x80x128xf32, #tpu.memory_space<vmem>> -> memref<1x80x128xf32, #tpu.memory_space<vmem>>
      %dma_start3A_130 = tpu.memref_squeeze %dma_start3A_129 : memref<1x80x128xf32, #tpu.memory_space<vmem>> -> memref<80x128xf32, #tpu.memory_space<vmem>>
      %dma_start3A_131 = arith.constant 0 : i32
      %dma_start3A_132 = tpu.memref_slice %arg2[%add3A_119, %dma_start3A_131] : memref<320000x128xf32, #tpu.memory_space<hbm>> -> memref<80x128xf32, #tpu.memory_space<hbm>>
      tpu.enqueue_dma source(%dma_start3A_132 : memref<80x128xf32, #tpu.memory_space<hbm>>) target(%dma_start3A_130 : memref<80x128xf32, #tpu.memory_space<vmem>>) target_semaphore(%arg11 : memref<!tpu.dma_semaphore, #tpu.memory_space<semaphore_mem>>)
      %add3A_133 = arith.constant 1 : i32
      %add3A_134 = arith.addi %mul3A_76, %add3A_133 : i32
      %scan3A_135 = arith.constant 0 : i32
      %scan3A_136 = arith.constant 0 : i32
      %scan3A_137 = arith.constant 5 : i32
      %scan3A_138 = arith.addi %scan3A_136, %scan3A_137 : i32
      %scan3A_139 = arith.constant 1 : i32
      scf.for %scan3A_155 = %scan3A_136 to %scan3A_138 step %scan3A_139  : i32 {
        %mul3A_156 = arith.constant 80 : i32
        %mul3A_157 = arith.muli %add3A_134, %mul3A_156 : i32
        %mul3A_158 = arith.constant 16 : i32
        %mul3A_159 = arith.muli %scan3A_155, %mul3A_158 : i32
        %add3A_160 = arith.addi %mul3A_157, %mul3A_159 : i32
        %get3A = arith.index_cast %add3A_160 : i32 to index
        %get3A_161 = tpu.vector_load %arg6[%get3A] {strides = array<i32>} : memref<10000xi32, #tpu.memory_space<vmem>>, vector<16xi32>,
        %get3A_162 = vector.shape_cast %get3A_161 : vector<16xi32> to vector<16xi32>
        %mul3A_163 = arith.constant 16 : i32
        %mul3A_164 = arith.muli %scan3A_155, %mul3A_163 : i32
        %swap3A = arith.index_cast %mul3A_164 : i32 to index
        %swap3A_165 = tpu.vector_load %arg7[%swap3A] {strides = array<i32>} : memref<80xi32, #tpu.memory_space<vmem>>, vector<16xi32>,
        %swap3A_166 = vector.shape_cast %swap3A_165 : vector<16xi32> to vector<16xi32>
        %swap3A_167 = vector.shape_cast %get3A_162 : vector<16xi32> to vector<16xi32>
        tpu.vector_store %arg7[%swap3A], %swap3A_167 {strides = array<i32>} : memref<80xi32, #tpu.memory_space<vmem>>, vector<16xi32>,
        %slice3A = vector.extract_strided_slice %get3A_162 {offsets = [0], sizes = [1], strides = [1]} : vector<16xi32> to vector<1xi32>
        %squeeze3A = vector.extract %slice3A[0] : i32 from vector<1xi32>
        %get3A_168 = arith.index_cast %squeeze3A : i32 to index
        %get3A_169 = tpu.vector_load %arg9[%get3A_168] {strides = array<i32>} : memref<10240xf32, #tpu.memory_space<vmem>>, vector<16xf32>,
        %get3A_170 = vector.shape_cast %get3A_169 : vector<16xf32> to vector<16xf32>
        %add3A_171 = arith.addf %get3A_170, %select_n3A : vector<16xf32>
        %swap3A_172 = arith.index_cast %squeeze3A : i32 to index
        %swap3A_173 = tpu.vector_load %arg9[%swap3A_172] {strides = array<i32>} : memref<10240xf32, #tpu.memory_space<vmem>>, vector<16xf32>,
        %swap3A_174 = vector.shape_cast %swap3A_173 : vector<16xf32> to vector<16xf32>
        %swap3A_175 = vector.shape_cast %add3A_171 : vector<16xf32> to vector<16xf32>
        tpu.vector_store %arg9[%swap3A_172], %swap3A_175 {strides = array<i32>} : memref<10240xf32, #tpu.memory_space<vmem>>, vector<16xf32>,
        %slice3A_176 = vector.extract_strided_slice %get3A_162 {offsets = [1], sizes = [1], strides = [1]} : vector<16xi32> to vector<1xi32>
        %squeeze3A_177 = vector.extract %slice3A_176[0] : i32 from vector<1xi32>
        %get3A_178 = arith.index_cast %squeeze3A_177 : i32 to index
        %get3A_179 = tpu.vector_load %arg9[%get3A_178] {strides = array<i32>} : memref<10240xf32, #tpu.memory_space<vmem>>, vector<16xf32>,
        %get3A_180 = vector.shape_cast %get3A_179 : vector<16xf32> to vector<16xf32>
        %add3A_181 = arith.addf %get3A_180, %select_n3A : vector<16xf32>
        %swap3A_182 = arith.index_cast %squeeze3A_177 : i32 to index
        %swap3A_183 = tpu.vector_load %arg9[%swap3A_182] {strides = array<i32>} : memref<10240xf32, #tpu.memory_space<vmem>>, vector<16xf32>,
        %swap3A_184 = vector.shape_cast %swap3A_183 : vector<16xf32> to vector<16xf32>
        %swap3A_185 = vector.shape_cast %add3A_181 : vector<16xf32> to vector<16xf32>
        tpu.vector_store %arg9[%swap3A_182], %swap3A_185 {strides = array<i32>} : memref<10240xf32, #tpu.memory_space<vmem>>, vector<16xf32>,
        %slice3A_186 = vector.extract_strided_slice %get3A_162 {offsets = [2], sizes = [1], strides = [1]} : vector<16xi32> to vector<1xi32>
        %squeeze3A_187 = vector.extract %slice3A_186[0] : i32 from vector<1xi32>
        %get3A_188 = arith.index_cast %squeeze3A_187 : i32 to index
        %get3A_189 = tpu.vector_load %arg9[%get3A_188] {strides = array<i32>} : memref<10240xf32, #tpu.memory_space<vmem>>, vector<16xf32>,
        %get3A_190 = vector.shape_cast %get3A_189 : vector<16xf32> to vector<16xf32>
        %add3A_191 = arith.addf %get3A_190, %select_n3A : vector<16xf32>
        %swap3A_192 = arith.index_cast %squeeze3A_187 : i32 to index
        %swap3A_193 = tpu.vector_load %arg9[%swap3A_192] {strides = array<i32>} : memref<10240xf32, #tpu.memory_space<vmem>>, vector<16xf32>,
        %swap3A_194 = vector.shape_cast %swap3A_193 : vector<16xf32> to vector<16xf32>
        %swap3A_195 = vector.shape_cast %add3A_191 : vector<16xf32> to vector<16xf32>
        tpu.vector_store %arg9[%swap3A_192], %swap3A_195 {strides = array<i32>} : memref<10240xf32, #tpu.memory_space<vmem>>, vector<16xf32>,
        %slice3A_196 = vector.extract_strided_slice %get3A_162 {offsets = [3], sizes = [1], strides = [1]} : vector<16xi32> to vector<1xi32>
        %squeeze3A_197 = vector.extract %slice3A_196[0] : i32 from vector<1xi32>
        %get3A_198 = arith.index_cast %squeeze3A_197 : i32 to index
        %get3A_199 = tpu.vector_load %arg9[%get3A_198] {strides = array<i32>} : memref<10240xf32, #tpu.memory_space<vmem>>, vector<16xf32>,
        %get3A_200 = vector.shape_cast %get3A_199 : vector<16xf32> to vector<16xf32>
        %add3A_201 = arith.addf %get3A_200, %select_n3A : vector<16xf32>
        %swap3A_202 = arith.index_cast %squeeze3A_197 : i32 to index
        %swap3A_203 = tpu.vector_load %arg9[%swap3A_202] {strides = array<i32>} : memref<10240xf32, #tpu.memory_space<vmem>>, vector<16xf32>,
        %swap3A_204 = vector.shape_cast %swap3A_203 : vector<16xf32> to vector<16xf32>
        %swap3A_205 = vector.shape_cast %add3A_201 : vector<16xf32> to vector<16xf32>
        tpu.vector_store %arg9[%swap3A_202], %swap3A_205 {strides = array<i32>} : memref<10240xf32, #tpu.memory_space<vmem>>, vector<16xf32>,
        %slice3A_206 = vector.extract_strided_slice %get3A_162 {offsets = [4], sizes = [1], strides = [1]} : vector<16xi32> to vector<1xi32>
        %squeeze3A_207 = vector.extract %slice3A_206[0] : i32 from vector<1xi32>
        %get3A_208 = arith.index_cast %squeeze3A_207 : i32 to index
        %get3A_209 = tpu.vector_load %arg9[%get3A_208] {strides = array<i32>} : memref<10240xf32, #tpu.memory_space<vmem>>, vector<16xf32>,
        %get3A_210 = vector.shape_cast %get3A_209 : vector<16xf32> to vector<16xf32>
        %add3A_211 = arith.addf %get3A_210, %select_n3A : vector<16xf32>
        %swap3A_212 = arith.index_cast %squeeze3A_207 : i32 to index
        %swap3A_213 = tpu.vector_load %arg9[%swap3A_212] {strides = array<i32>} : memref<10240xf32, #tpu.memory_space<vmem>>, vector<16xf32>,
        %swap3A_214 = vector.shape_cast %swap3A_213 : vector<16xf32> to vector<16xf32>
        %swap3A_215 = vector.shape_cast %add3A_211 : vector<16xf32> to vector<16xf32>
        tpu.vector_store %arg9[%swap3A_212], %swap3A_215 {strides = array<i32>} : memref<10240xf32, #tpu.memory_space<vmem>>, vector<16xf32>,
        %slice3A_216 = vector.extract_strided_slice %get3A_162 {offsets = [5], sizes = [1], strides = [1]} : vector<16xi32> to vector<1xi32>
        %squeeze3A_217 = vector.extract %slice3A_216[0] : i32 from vector<1xi32>
        %get3A_218 = arith.index_cast %squeeze3A_217 : i32 to index
        %get3A_219 = tpu.vector_load %arg9[%get3A_218] {strides = array<i32>} : memref<10240xf32, #tpu.memory_space<vmem>>, vector<16xf32>,
        %get3A_220 = vector.shape_cast %get3A_219 : vector<16xf32> to vector<16xf32>
        %add3A_221 = arith.addf %get3A_220, %select_n3A : vector<16xf32>
        %swap3A_222 = arith.index_cast %squeeze3A_217 : i32 to index
        %swap3A_223 = tpu.vector_load %arg9[%swap3A_222] {strides = array<i32>} : memref<10240xf32, #tpu.memory_space<vmem>>, vector<16xf32>,
        %swap3A_224 = vector.shape_cast %swap3A_223 : vector<16xf32> to vector<16xf32>
        %swap3A_225 = vector.shape_cast %add3A_221 : vector<16xf32> to vector<16xf32>
        tpu.vector_store %arg9[%swap3A_222], %swap3A_225 {strides = array<i32>} : memref<10240xf32, #tpu.memory_space<vmem>>, vector<16xf32>,
        %slice3A_226 = vector.extract_strided_slice %get3A_162 {offsets = [6], sizes = [1], strides = [1]} : vector<16xi32> to vector<1xi32>
        %squeeze3A_227 = vector.extract %slice3A_226[0] : i32 from vector<1xi32>
        %get3A_228 = arith.index_cast %squeeze3A_227 : i32 to index
        %get3A_229 = tpu.vector_load %arg9[%get3A_228] {strides = array<i32>} : memref<10240xf32, #tpu.memory_space<vmem>>, vector<16xf32>,
        %get3A_230 = vector.shape_cast %get3A_229 : vector<16xf32> to vector<16xf32>
        %add3A_231 = arith.addf %get3A_230, %select_n3A : vector<16xf32>
        %swap3A_232 = arith.index_cast %squeeze3A_227 : i32 to index
        %swap3A_233 = tpu.vector_load %arg9[%swap3A_232] {strides = array<i32>} : memref<10240xf32, #tpu.memory_space<vmem>>, vector<16xf32>,
        %swap3A_234 = vector.shape_cast %swap3A_233 : vector<16xf32> to vector<16xf32>
        %swap3A_235 = vector.shape_cast %add3A_231 : vector<16xf32> to vector<16xf32>
        tpu.vector_store %arg9[%swap3A_232], %swap3A_235 {strides = array<i32>} : memref<10240xf32, #tpu.memory_space<vmem>>, vector<16xf32>,
        %slice3A_236 = vector.extract_strided_slice %get3A_162 {offsets = [7], sizes = [1], strides = [1]} : vector<16xi32> to vector<1xi32>
        %squeeze3A_237 = vector.extract %slice3A_236[0] : i32 from vector<1xi32>
        %get3A_238 = arith.index_cast %squeeze3A_237 : i32 to index
        %get3A_239 = tpu.vector_load %arg9[%get3A_238] {strides = array<i32>} : memref<10240xf32, #tpu.memory_space<vmem>>, vector<16xf32>,
        %get3A_240 = vector.shape_cast %get3A_239 : vector<16xf32> to vector<16xf32>
        %add3A_241 = arith.addf %get3A_240, %select_n3A : vector<16xf32>
        %swap3A_242 = arith.index_cast %squeeze3A_237 : i32 to index
        %swap3A_243 = tpu.vector_load %arg9[%swap3A_242] {strides = array<i32>} : memref<10240xf32, #tpu.memory_space<vmem>>, vector<16xf32>,
        %swap3A_244 = vector.shape_cast %swap3A_243 : vector<16xf32> to vector<16xf32>
        %swap3A_245 = vector.shape_cast %add3A_241 : vector<16xf32> to vector<16xf32>
        tpu.vector_store %arg9[%swap3A_242], %swap3A_245 {strides = array<i32>} : memref<10240xf32, #tpu.memory_space<vmem>>, vector<16xf32>,
        %slice3A_246 = vector.extract_strided_slice %get3A_162 {offsets = [8], sizes = [1], strides = [1]} : vector<16xi32> to vector<1xi32>
        %squeeze3A_247 = vector.extract %slice3A_246[0] : i32 from vector<1xi32>
        %get3A_248 = arith.index_cast %squeeze3A_247 : i32 to index
        %get3A_249 = tpu.vector_load %arg9[%get3A_248] {strides = array<i32>} : memref<10240xf32, #tpu.memory_space<vmem>>, vector<16xf32>,
        %get3A_250 = vector.shape_cast %get3A_249 : vector<16xf32> to vector<16xf32>
        %add3A_251 = arith.addf %get3A_250, %select_n3A : vector<16xf32>
        %swap3A_252 = arith.index_cast %squeeze3A_247 : i32 to index
        %swap3A_253 = tpu.vector_load %arg9[%swap3A_252] {strides = array<i32>} : memref<10240xf32, #tpu.memory_space<vmem>>, vector<16xf32>,
        %swap3A_254 = vector.shape_cast %swap3A_253 : vector<16xf32> to vector<16xf32>
        %swap3A_255 = vector.shape_cast %add3A_251 : vector<16xf32> to vector<16xf32>
        tpu.vector_store %arg9[%swap3A_252], %swap3A_255 {strides = array<i32>} : memref<10240xf32, #tpu.memory_space<vmem>>, vector<16xf32>,
        %slice3A_256 = vector.extract_strided_slice %get3A_162 {offsets = [9], sizes = [1], strides = [1]} : vector<16xi32> to vector<1xi32>
        %squeeze3A_257 = vector.extract %slice3A_256[0] : i32 from vector<1xi32>
        %get3A_258 = arith.index_cast %squeeze3A_257 : i32 to index
        %get3A_259 = tpu.vector_load %arg9[%get3A_258] {strides = array<i32>} : memref<10240xf32, #tpu.memory_space<vmem>>, vector<16xf32>,
        %get3A_260 = vector.shape_cast %get3A_259 : vector<16xf32> to vector<16xf32>
        %add3A_261 = arith.addf %get3A_260, %select_n3A : vector<16xf32>
        %swap3A_262 = arith.index_cast %squeeze3A_257 : i32 to index
        %swap3A_263 = tpu.vector_load %arg9[%swap3A_262] {strides = array<i32>} : memref<10240xf32, #tpu.memory_space<vmem>>, vector<16xf32>,
        %swap3A_264 = vector.shape_cast %swap3A_263 : vector<16xf32> to vector<16xf32>
        %swap3A_265 = vector.shape_cast %add3A_261 : vector<16xf32> to vector<16xf32>
        tpu.vector_store %arg9[%swap3A_262], %swap3A_265 {strides = array<i32>} : memref<10240xf32, #tpu.memory_space<vmem>>, vector<16xf32>,
        %slice3A_266 = vector.extract_strided_slice %get3A_162 {offsets = [10], sizes = [1], strides = [1]} : vector<16xi32> to vector<1xi32>
        %squeeze3A_267 = vector.extract %slice3A_266[0] : i32 from vector<1xi32>
        %get3A_268 = arith.index_cast %squeeze3A_267 : i32 to index
        %get3A_269 = tpu.vector_load %arg9[%get3A_268] {strides = array<i32>} : memref<10240xf32, #tpu.memory_space<vmem>>, vector<16xf32>,
        %get3A_270 = vector.shape_cast %get3A_269 : vector<16xf32> to vector<16xf32>
        %add3A_271 = arith.addf %get3A_270, %select_n3A : vector<16xf32>
        %swap3A_272 = arith.index_cast %squeeze3A_267 : i32 to index
        %swap3A_273 = tpu.vector_load %arg9[%swap3A_272] {strides = array<i32>} : memref<10240xf32, #tpu.memory_space<vmem>>, vector<16xf32>,
        %swap3A_274 = vector.shape_cast %swap3A_273 : vector<16xf32> to vector<16xf32>
        %swap3A_275 = vector.shape_cast %add3A_271 : vector<16xf32> to vector<16xf32>
        tpu.vector_store %arg9[%swap3A_272], %swap3A_275 {strides = array<i32>} : memref<10240xf32, #tpu.memory_space<vmem>>, vector<16xf32>,
        %slice3A_276 = vector.extract_strided_slice %get3A_162 {offsets = [11], sizes = [1], strides = [1]} : vector<16xi32> to vector<1xi32>
        %squeeze3A_277 = vector.extract %slice3A_276[0] : i32 from vector<1xi32>
        %get3A_278 = arith.index_cast %squeeze3A_277 : i32 to index
        %get3A_279 = tpu.vector_load %arg9[%get3A_278] {strides = array<i32>} : memref<10240xf32, #tpu.memory_space<vmem>>, vector<16xf32>,
        %get3A_280 = vector.shape_cast %get3A_279 : vector<16xf32> to vector<16xf32>
        %add3A_281 = arith.addf %get3A_280, %select_n3A : vector<16xf32>
        %swap3A_282 = arith.index_cast %squeeze3A_277 : i32 to index
        %swap3A_283 = tpu.vector_load %arg9[%swap3A_282] {strides = array<i32>} : memref<10240xf32, #tpu.memory_space<vmem>>, vector<16xf32>,
        %swap3A_284 = vector.shape_cast %swap3A_283 : vector<16xf32> to vector<16xf32>
        %swap3A_285 = vector.shape_cast %add3A_281 : vector<16xf32> to vector<16xf32>
        tpu.vector_store %arg9[%swap3A_282], %swap3A_285 {strides = array<i32>} : memref<10240xf32, #tpu.memory_space<vmem>>, vector<16xf32>,
        %slice3A_286 = vector.extract_strided_slice %get3A_162 {offsets = [12], sizes = [1], strides = [1]} : vector<16xi32> to vector<1xi32>
        %squeeze3A_287 = vector.extract %slice3A_286[0] : i32 from vector<1xi32>
        %get3A_288 = arith.index_cast %squeeze3A_287 : i32 to index
        %get3A_289 = tpu.vector_load %arg9[%get3A_288] {strides = array<i32>} : memref<10240xf32, #tpu.memory_space<vmem>>, vector<16xf32>,
        %get3A_290 = vector.shape_cast %get3A_289 : vector<16xf32> to vector<16xf32>
        %add3A_291 = arith.addf %get3A_290, %select_n3A : vector<16xf32>
        %swap3A_292 = arith.index_cast %squeeze3A_287 : i32 to index
        %swap3A_293 = tpu.vector_load %arg9[%swap3A_292] {strides = array<i32>} : memref<10240xf32, #tpu.memory_space<vmem>>, vector<16xf32>,
        %swap3A_294 = vector.shape_cast %swap3A_293 : vector<16xf32> to vector<16xf32>
        %swap3A_295 = vector.shape_cast %add3A_291 : vector<16xf32> to vector<16xf32>
        tpu.vector_store %arg9[%swap3A_292], %swap3A_295 {strides = array<i32>} : memref<10240xf32, #tpu.memory_space<vmem>>, vector<16xf32>,
        %slice3A_296 = vector.extract_strided_slice %get3A_162 {offsets = [13], sizes = [1], strides = [1]} : vector<16xi32> to vector<1xi32>
        %squeeze3A_297 = vector.extract %slice3A_296[0] : i32 from vector<1xi32>
        %get3A_298 = arith.index_cast %squeeze3A_297 : i32 to index
        %get3A_299 = tpu.vector_load %arg9[%get3A_298] {strides = array<i32>} : memref<10240xf32, #tpu.memory_space<vmem>>, vector<16xf32>,
        %get3A_300 = vector.shape_cast %get3A_299 : vector<16xf32> to vector<16xf32>
        %add3A_301 = arith.addf %get3A_300, %select_n3A : vector<16xf32>
        %swap3A_302 = arith.index_cast %squeeze3A_297 : i32 to index
        %swap3A_303 = tpu.vector_load %arg9[%swap3A_302] {strides = array<i32>} : memref<10240xf32, #tpu.memory_space<vmem>>, vector<16xf32>,
        %swap3A_304 = vector.shape_cast %swap3A_303 : vector<16xf32> to vector<16xf32>
        %swap3A_305 = vector.shape_cast %add3A_301 : vector<16xf32> to vector<16xf32>
        tpu.vector_store %arg9[%swap3A_302], %swap3A_305 {strides = array<i32>} : memref<10240xf32, #tpu.memory_space<vmem>>, vector<16xf32>,
        %slice3A_306 = vector.extract_strided_slice %get3A_162 {offsets = [14], sizes = [1], strides = [1]} : vector<16xi32> to vector<1xi32>
        %squeeze3A_307 = vector.extract %slice3A_306[0] : i32 from vector<1xi32>
        %get3A_308 = arith.index_cast %squeeze3A_307 : i32 to index
        %get3A_309 = tpu.vector_load %arg9[%get3A_308] {strides = array<i32>} : memref<10240xf32, #tpu.memory_space<vmem>>, vector<16xf32>,
        %get3A_310 = vector.shape_cast %get3A_309 : vector<16xf32> to vector<16xf32>
        %add3A_311 = arith.addf %get3A_310, %select_n3A : vector<16xf32>
        %swap3A_312 = arith.index_cast %squeeze3A_307 : i32 to index
        %swap3A_313 = tpu.vector_load %arg9[%swap3A_312] {strides = array<i32>} : memref<10240xf32, #tpu.memory_space<vmem>>, vector<16xf32>,
        %swap3A_314 = vector.shape_cast %swap3A_313 : vector<16xf32> to vector<16xf32>
        %swap3A_315 = vector.shape_cast %add3A_311 : vector<16xf32> to vector<16xf32>
        tpu.vector_store %arg9[%swap3A_312], %swap3A_315 {strides = array<i32>} : memref<10240xf32, #tpu.memory_space<vmem>>, vector<16xf32>,
        %slice3A_316 = vector.extract_strided_slice %get3A_162 {offsets = [15], sizes = [1], strides = [1]} : vector<16xi32> to vector<1xi32>
        %squeeze3A_317 = vector.extract %slice3A_316[0] : i32 from vector<1xi32>
        %get3A_318 = arith.index_cast %squeeze3A_317 : i32 to index
        %get3A_319 = tpu.vector_load %arg9[%get3A_318] {strides = array<i32>} : memref<10240xf32, #tpu.memory_space<vmem>>, vector<16xf32>,
        %get3A_320 = vector.shape_cast %get3A_319 : vector<16xf32> to vector<16xf32>
        %add3A_321 = arith.addf %get3A_320, %select_n3A : vector<16xf32>
        %swap3A_322 = arith.index_cast %squeeze3A_317 : i32 to index
        %swap3A_323 = tpu.vector_load %arg9[%swap3A_322] {strides = array<i32>} : memref<10240xf32, #tpu.memory_space<vmem>>, vector<16xf32>,
        %swap3A_324 = vector.shape_cast %swap3A_323 : vector<16xf32> to vector<16xf32>
        %swap3A_325 = vector.shape_cast %add3A_321 : vector<16xf32> to vector<16xf32>
        tpu.vector_store %arg9[%swap3A_322], %swap3A_325 {strides = array<i32>} : memref<10240xf32, #tpu.memory_space<vmem>>, vector<16xf32>,
      }
      %scan3A_140 = arith.constant 5 : i32
      %dma_wait3A_141 = arith.constant 1 : i32
      %dma_wait3A_142 = arith.constant 0 : i32
      %dma_wait3A_143 = arith.constant 0 : i32
      %dma_wait3A_144 = tpu.memref_slice %arg8[%dma_wait3A_141, %dma_wait3A_142, %dma_wait3A_143] : memref<2x80x128xf32, #tpu.memory_space<vmem>> -> memref<1x80x128xf32, #tpu.memory_space<vmem>>
      %dma_wait3A_145 = tpu.memref_squeeze %dma_wait3A_144 : memref<1x80x128xf32, #tpu.memory_space<vmem>> -> memref<80x128xf32, #tpu.memory_space<vmem>>
      %dma_wait3A_146 = arith.constant 0 : i32
      %dma_wait3A_147 = tpu.memref_slice %arg2[%mul3A_24, %dma_wait3A_146] : memref<320000x128xf32, #tpu.memory_space<hbm>> -> memref<80x128xf32, #tpu.memory_space<hbm>>
      %dma_wait3A_148 = arith.constant 0 : i32
      %dma_wait3A_149 = arith.constant 0 : i32
      %dma_wait3A_150 = tpu.memref_slice %arg8[%dma_wait3A_141, %dma_wait3A_148, %dma_wait3A_149] : memref<2x80x128xf32, #tpu.memory_space<vmem>> -> memref<1x80x128xf32, #tpu.memory_space<vmem>>
      %dma_wait3A_151 = tpu.memref_squeeze %dma_wait3A_150 : memref<1x80x128xf32, #tpu.memory_space<vmem>> -> memref<80x128xf32, #tpu.memory_space<vmem>>
      %dma_wait3A_152 = arith.constant 0 : i32
      %dma_wait3A_153 = tpu.memref_slice %arg2[%mul3A_24, %dma_wait3A_152] : memref<320000x128xf32, #tpu.memory_space<hbm>> -> memref<80x128xf32, #tpu.memory_space<hbm>>
      tpu.wait_dma2 semaphore(%arg11 : memref<!tpu.dma_semaphore, #tpu.memory_space<semaphore_mem>>) src(%dma_wait3A_153 : memref<80x128xf32, #tpu.memory_space<hbm>>) dst(%dma_wait3A_151 : memref<80x128xf32, #tpu.memory_space<vmem>>)
      %run_scoped3A_154 = arith.constant 1 : i32
      "tpu.region"() ({
        %run_scoped3A_155 = tpu.sem_alloc : memref<!tpu.dma_semaphore, #tpu.memory_space<semaphore_mem>>
        %dma_start3A_156 = arith.constant 0 : i32
        %dma_start3A_157 = arith.constant 0 : i32
        %dma_start3A_158 = tpu.memref_slice %arg8[%run_scoped3A_154, %dma_start3A_156, %dma_start3A_157] : memref<2x80x128xf32, #tpu.memory_space<vmem>> -> memref<1x80x128xf32, #tpu.memory_space<vmem>>
        %dma_start3A_159 = tpu.memref_squeeze %dma_start3A_158 : memref<1x80x128xf32, #tpu.memory_space<vmem>> -> memref<80x128xf32, #tpu.memory_space<vmem>>
        %dma_start3A_160 = arith.constant 0 : i32
        %dma_start3A_161 = arith.constant 0 : i32
        %dma_start3A_162 = tpu.memref_slice %arg10[%dma_start3A_160, %dma_start3A_161] : memref<10240x128xf32, #tpu.memory_space<vmem_shared>> -> memref<10240x128xf32, #tpu.memory_space<vmem_shared>>
        tpu.enqueue_indirect_dma source(%dma_start3A_159 : memref<80x128xf32, #tpu.memory_space<vmem>>) target(%dma_start3A_162 : memref<10240x128xf32, #tpu.memory_space<vmem_shared>>) offsets(%arg7 : memref<80xi32, #tpu.memory_space<vmem>>) semaphore(%run_scoped3A_155 : memref<!tpu.dma_semaphore, #tpu.memory_space<semaphore_mem>>) {add = true}
        %dma_wait3A_163 = arith.constant 0 : i32
        %dma_wait3A_164 = arith.constant 0 : i32
        %dma_wait3A_165 = tpu.memref_slice %arg8[%run_scoped3A_154, %dma_wait3A_163, %dma_wait3A_164] : memref<2x80x128xf32, #tpu.memory_space<vmem>> -> memref<1x80x128xf32, #tpu.memory_space<vmem>>
        %dma_wait3A_166 = tpu.memref_squeeze %dma_wait3A_165 : memref<1x80x128xf32, #tpu.memory_space<vmem>> -> memref<80x128xf32, #tpu.memory_space<vmem>>
        %dma_wait3A_167 = arith.constant 0 : i32
        %dma_wait3A_168 = arith.constant 0 : i32
        %dma_wait3A_169 = tpu.memref_slice %arg10[%dma_wait3A_167, %dma_wait3A_168] : memref<10240x128xf32, #tpu.memory_space<vmem_shared>> -> memref<10240x128xf32, #tpu.memory_space<vmem_shared>>
        tpu.wait_indirect_dma semaphore(%run_scoped3A_155 : memref<!tpu.dma_semaphore, #tpu.memory_space<semaphore_mem>>) src(%dma_wait3A_166 : memref<80x128xf32, #tpu.memory_space<vmem>>) dst(%dma_wait3A_169 : memref<10240x128xf32, #tpu.memory_space<vmem_shared>>)
        tpu.yield
      }) : () -> ()
    }
    %scan3A_48 = arith.constant 62 : i32
    %scan3A_49 = arith.constant 0 : i32
    %scan3A_50 = arith.constant 0 : i32
    %scan3A_51 = arith.constant 5 : i32
    %scan3A_52 = arith.addi %scan3A_50, %scan3A_51 : i32
    %scan3A_53 = arith.constant 1 : i32
    scf.for %scan3A_74 = %scan3A_50 to %scan3A_52 step %scan3A_53  : i32 {
      %mul3A_75 = arith.constant 16 : i32
      %mul3A_76 = arith.muli %scan3A_74, %mul3A_75 : i32
      %add3A_77 = arith.constant 9920 : i32
      %add3A_78 = arith.addi %add3A_77, %mul3A_76 : i32
      %get3A = arith.index_cast %add3A_78 : i32 to index
      %get3A_79 = tpu.vector_load %arg6[%get3A] {strides = array<i32>} : memref<10000xi32, #tpu.memory_space<vmem>>, vector<16xi32>,
      %get3A_80 = vector.shape_cast %get3A_79 : vector<16xi32> to vector<16xi32>
      %mul3A_81 = arith.constant 16 : i32
      %mul3A_82 = arith.muli %scan3A_74, %mul3A_81 : i32
      %swap3A = arith.index_cast %mul3A_82 : i32 to index
      %swap3A_83 = tpu.vector_load %arg7[%swap3A] {strides = array<i32>} : memref<80xi32, #tpu.memory_space<vmem>>, vector<16xi32>,
      %swap3A_84 = vector.shape_cast %swap3A_83 : vector<16xi32> to vector<16xi32>
      %swap3A_85 = vector.shape_cast %get3A_80 : vector<16xi32> to vector<16xi32>
      tpu.vector_store %arg7[%swap3A], %swap3A_85 {strides = array<i32>} : memref<80xi32, #tpu.memory_space<vmem>>, vector<16xi32>,
      %slice3A = vector.extract_strided_slice %get3A_80 {offsets = [0], sizes = [1], strides = [1]} : vector<16xi32> to vector<1xi32>
      %squeeze3A = vector.extract %slice3A[0] : i32 from vector<1xi32>
      %get3A_86 = arith.index_cast %squeeze3A : i32 to index
      %get3A_87 = tpu.vector_load %arg9[%get3A_86] {strides = array<i32>} : memref<10240xf32, #tpu.memory_space<vmem>>, vector<16xf32>,
      %get3A_88 = vector.shape_cast %get3A_87 : vector<16xf32> to vector<16xf32>
      %add3A_89 = arith.addf %get3A_88, %select_n3A : vector<16xf32>
      %swap3A_90 = arith.index_cast %squeeze3A : i32 to index
      %swap3A_91 = tpu.vector_load %arg9[%swap3A_90] {strides = array<i32>} : memref<10240xf32, #tpu.memory_space<vmem>>, vector<16xf32>,
      %swap3A_92 = vector.shape_cast %swap3A_91 : vector<16xf32> to vector<16xf32>
      %swap3A_93 = vector.shape_cast %add3A_89 : vector<16xf32> to vector<16xf32>
      tpu.vector_store %arg9[%swap3A_90], %swap3A_93 {strides = array<i32>} : memref<10240xf32, #tpu.memory_space<vmem>>, vector<16xf32>,
      %slice3A_94 = vector.extract_strided_slice %get3A_80 {offsets = [1], sizes = [1], strides = [1]} : vector<16xi32> to vector<1xi32>
      %squeeze3A_95 = vector.extract %slice3A_94[0] : i32 from vector<1xi32>
      %get3A_96 = arith.index_cast %squeeze3A_95 : i32 to index
      %get3A_97 = tpu.vector_load %arg9[%get3A_96] {strides = array<i32>} : memref<10240xf32, #tpu.memory_space<vmem>>, vector<16xf32>,
      %get3A_98 = vector.shape_cast %get3A_97 : vector<16xf32> to vector<16xf32>
      %add3A_99 = arith.addf %get3A_98, %select_n3A : vector<16xf32>
      %swap3A_100 = arith.index_cast %squeeze3A_95 : i32 to index
      %swap3A_101 = tpu.vector_load %arg9[%swap3A_100] {strides = array<i32>} : memref<10240xf32, #tpu.memory_space<vmem>>, vector<16xf32>,
      %swap3A_102 = vector.shape_cast %swap3A_101 : vector<16xf32> to vector<16xf32>
      %swap3A_103 = vector.shape_cast %add3A_99 : vector<16xf32> to vector<16xf32>
      tpu.vector_store %arg9[%swap3A_100], %swap3A_103 {strides = array<i32>} : memref<10240xf32, #tpu.memory_space<vmem>>, vector<16xf32>,
      %slice3A_104 = vector.extract_strided_slice %get3A_80 {offsets = [2], sizes = [1], strides = [1]} : vector<16xi32> to vector<1xi32>
      %squeeze3A_105 = vector.extract %slice3A_104[0] : i32 from vector<1xi32>
      %get3A_106 = arith.index_cast %squeeze3A_105 : i32 to index
      %get3A_107 = tpu.vector_load %arg9[%get3A_106] {strides = array<i32>} : memref<10240xf32, #tpu.memory_space<vmem>>, vector<16xf32>,
      %get3A_108 = vector.shape_cast %get3A_107 : vector<16xf32> to vector<16xf32>
      %add3A_109 = arith.addf %get3A_108, %select_n3A : vector<16xf32>
      %swap3A_110 = arith.index_cast %squeeze3A_105 : i32 to index
      %swap3A_111 = tpu.vector_load %arg9[%swap3A_110] {strides = array<i32>} : memref<10240xf32, #tpu.memory_space<vmem>>, vector<16xf32>,
      %swap3A_112 = vector.shape_cast %swap3A_111 : vector<16xf32> to vector<16xf32>
      %swap3A_113 = vector.shape_cast %add3A_109 : vector<16xf32> to vector<16xf32>
      tpu.vector_store %arg9[%swap3A_110], %swap3A_113 {strides = array<i32>} : memref<10240xf32, #tpu.memory_space<vmem>>, vector<16xf32>,
      %slice3A_114 = vector.extract_strided_slice %get3A_80 {offsets = [3], sizes = [1], strides = [1]} : vector<16xi32> to vector<1xi32>
      %squeeze3A_115 = vector.extract %slice3A_114[0] : i32 from vector<1xi32>
      %get3A_116 = arith.index_cast %squeeze3A_115 : i32 to index
      %get3A_117 = tpu.vector_load %arg9[%get3A_116] {strides = array<i32>} : memref<10240xf32, #tpu.memory_space<vmem>>, vector<16xf32>,
      %get3A_118 = vector.shape_cast %get3A_117 : vector<16xf32> to vector<16xf32>
      %add3A_119 = arith.addf %get3A_118, %select_n3A : vector<16xf32>
      %swap3A_120 = arith.index_cast %squeeze3A_115 : i32 to index
      %swap3A_121 = tpu.vector_load %arg9[%swap3A_120] {strides = array<i32>} : memref<10240xf32, #tpu.memory_space<vmem>>, vector<16xf32>,
      %swap3A_122 = vector.shape_cast %swap3A_121 : vector<16xf32> to vector<16xf32>
      %swap3A_123 = vector.shape_cast %add3A_119 : vector<16xf32> to vector<16xf32>
      tpu.vector_store %arg9[%swap3A_120], %swap3A_123 {strides = array<i32>} : memref<10240xf32, #tpu.memory_space<vmem>>, vector<16xf32>,
      %slice3A_124 = vector.extract_strided_slice %get3A_80 {offsets = [4], sizes = [1], strides = [1]} : vector<16xi32> to vector<1xi32>
      %squeeze3A_125 = vector.extract %slice3A_124[0] : i32 from vector<1xi32>
      %get3A_126 = arith.index_cast %squeeze3A_125 : i32 to index
      %get3A_127 = tpu.vector_load %arg9[%get3A_126] {strides = array<i32>} : memref<10240xf32, #tpu.memory_space<vmem>>, vector<16xf32>,
      %get3A_128 = vector.shape_cast %get3A_127 : vector<16xf32> to vector<16xf32>
      %add3A_129 = arith.addf %get3A_128, %select_n3A : vector<16xf32>
      %swap3A_130 = arith.index_cast %squeeze3A_125 : i32 to index
      %swap3A_131 = tpu.vector_load %arg9[%swap3A_130] {strides = array<i32>} : memref<10240xf32, #tpu.memory_space<vmem>>, vector<16xf32>,
      %swap3A_132 = vector.shape_cast %swap3A_131 : vector<16xf32> to vector<16xf32>
      %swap3A_133 = vector.shape_cast %add3A_129 : vector<16xf32> to vector<16xf32>
      tpu.vector_store %arg9[%swap3A_130], %swap3A_133 {strides = array<i32>} : memref<10240xf32, #tpu.memory_space<vmem>>, vector<16xf32>,
      %slice3A_134 = vector.extract_strided_slice %get3A_80 {offsets = [5], sizes = [1], strides = [1]} : vector<16xi32> to vector<1xi32>
      %squeeze3A_135 = vector.extract %slice3A_134[0] : i32 from vector<1xi32>
      %get3A_136 = arith.index_cast %squeeze3A_135 : i32 to index
      %get3A_137 = tpu.vector_load %arg9[%get3A_136] {strides = array<i32>} : memref<10240xf32, #tpu.memory_space<vmem>>, vector<16xf32>,
      %get3A_138 = vector.shape_cast %get3A_137 : vector<16xf32> to vector<16xf32>
      %add3A_139 = arith.addf %get3A_138, %select_n3A : vector<16xf32>
      %swap3A_140 = arith.index_cast %squeeze3A_135 : i32 to index
      %swap3A_141 = tpu.vector_load %arg9[%swap3A_140] {strides = array<i32>} : memref<10240xf32, #tpu.memory_space<vmem>>, vector<16xf32>,
      %swap3A_142 = vector.shape_cast %swap3A_141 : vector<16xf32> to vector<16xf32>
      %swap3A_143 = vector.shape_cast %add3A_139 : vector<16xf32> to vector<16xf32>
      tpu.vector_store %arg9[%swap3A_140], %swap3A_143 {strides = array<i32>} : memref<10240xf32, #tpu.memory_space<vmem>>, vector<16xf32>,
      %slice3A_144 = vector.extract_strided_slice %get3A_80 {offsets = [6], sizes = [1], strides = [1]} : vector<16xi32> to vector<1xi32>
      %squeeze3A_145 = vector.extract %slice3A_144[0] : i32 from vector<1xi32>
      %get3A_146 = arith.index_cast %squeeze3A_145 : i32 to index
      %get3A_147 = tpu.vector_load %arg9[%get3A_146] {strides = array<i32>} : memref<10240xf32, #tpu.memory_space<vmem>>, vector<16xf32>,
      %get3A_148 = vector.shape_cast %get3A_147 : vector<16xf32> to vector<16xf32>
      %add3A_149 = arith.addf %get3A_148, %select_n3A : vector<16xf32>
      %swap3A_150 = arith.index_cast %squeeze3A_145 : i32 to index
      %swap3A_151 = tpu.vector_load %arg9[%swap3A_150] {strides = array<i32>} : memref<10240xf32, #tpu.memory_space<vmem>>, vector<16xf32>,
      %swap3A_152 = vector.shape_cast %swap3A_151 : vector<16xf32> to vector<16xf32>
      %swap3A_153 = vector.shape_cast %add3A_149 : vector<16xf32> to vector<16xf32>
      tpu.vector_store %arg9[%swap3A_150], %swap3A_153 {strides = array<i32>} : memref<10240xf32, #tpu.memory_space<vmem>>, vector<16xf32>,
      %slice3A_154 = vector.extract_strided_slice %get3A_80 {offsets = [7], sizes = [1], strides = [1]} : vector<16xi32> to vector<1xi32>
      %squeeze3A_155 = vector.extract %slice3A_154[0] : i32 from vector<1xi32>
      %get3A_156 = arith.index_cast %squeeze3A_155 : i32 to index
      %get3A_157 = tpu.vector_load %arg9[%get3A_156] {strides = array<i32>} : memref<10240xf32, #tpu.memory_space<vmem>>, vector<16xf32>,
      %get3A_158 = vector.shape_cast %get3A_157 : vector<16xf32> to vector<16xf32>
      %add3A_159 = arith.addf %get3A_158, %select_n3A : vector<16xf32>
      %swap3A_160 = arith.index_cast %squeeze3A_155 : i32 to index
      %swap3A_161 = tpu.vector_load %arg9[%swap3A_160] {strides = array<i32>} : memref<10240xf32, #tpu.memory_space<vmem>>, vector<16xf32>,
      %swap3A_162 = vector.shape_cast %swap3A_161 : vector<16xf32> to vector<16xf32>
      %swap3A_163 = vector.shape_cast %add3A_159 : vector<16xf32> to vector<16xf32>
      tpu.vector_store %arg9[%swap3A_160], %swap3A_163 {strides = array<i32>} : memref<10240xf32, #tpu.memory_space<vmem>>, vector<16xf32>,
      %slice3A_164 = vector.extract_strided_slice %get3A_80 {offsets = [8], sizes = [1], strides = [1]} : vector<16xi32> to vector<1xi32>
      %squeeze3A_165 = vector.extract %slice3A_164[0] : i32 from vector<1xi32>
      %get3A_166 = arith.index_cast %squeeze3A_165 : i32 to index
      %get3A_167 = tpu.vector_load %arg9[%get3A_166] {strides = array<i32>} : memref<10240xf32, #tpu.memory_space<vmem>>, vector<16xf32>,
      %get3A_168 = vector.shape_cast %get3A_167 : vector<16xf32> to vector<16xf32>
      %add3A_169 = arith.addf %get3A_168, %select_n3A : vector<16xf32>
      %swap3A_170 = arith.index_cast %squeeze3A_165 : i32 to index
      %swap3A_171 = tpu.vector_load %arg9[%swap3A_170] {strides = array<i32>} : memref<10240xf32, #tpu.memory_space<vmem>>, vector<16xf32>,
      %swap3A_172 = vector.shape_cast %swap3A_171 : vector<16xf32> to vector<16xf32>
      %swap3A_173 = vector.shape_cast %add3A_169 : vector<16xf32> to vector<16xf32>
      tpu.vector_store %arg9[%swap3A_170], %swap3A_173 {strides = array<i32>} : memref<10240xf32, #tpu.memory_space<vmem>>, vector<16xf32>,
      %slice3A_174 = vector.extract_strided_slice %get3A_80 {offsets = [9], sizes = [1], strides = [1]} : vector<16xi32> to vector<1xi32>
      %squeeze3A_175 = vector.extract %slice3A_174[0] : i32 from vector<1xi32>
      %get3A_176 = arith.index_cast %squeeze3A_175 : i32 to index
      %get3A_177 = tpu.vector_load %arg9[%get3A_176] {strides = array<i32>} : memref<10240xf32, #tpu.memory_space<vmem>>, vector<16xf32>,
      %get3A_178 = vector.shape_cast %get3A_177 : vector<16xf32> to vector<16xf32>
      %add3A_179 = arith.addf %get3A_178, %select_n3A : vector<16xf32>
      %swap3A_180 = arith.index_cast %squeeze3A_175 : i32 to index
      %swap3A_181 = tpu.vector_load %arg9[%swap3A_180] {strides = array<i32>} : memref<10240xf32, #tpu.memory_space<vmem>>, vector<16xf32>,
      %swap3A_182 = vector.shape_cast %swap3A_181 : vector<16xf32> to vector<16xf32>
      %swap3A_183 = vector.shape_cast %add3A_179 : vector<16xf32> to vector<16xf32>
      tpu.vector_store %arg9[%swap3A_180], %swap3A_183 {strides = array<i32>} : memref<10240xf32, #tpu.memory_space<vmem>>, vector<16xf32>,
      %slice3A_184 = vector.extract_strided_slice %get3A_80 {offsets = [10], sizes = [1], strides = [1]} : vector<16xi32> to vector<1xi32>
      %squeeze3A_185 = vector.extract %slice3A_184[0] : i32 from vector<1xi32>
      %get3A_186 = arith.index_cast %squeeze3A_185 : i32 to index
      %get3A_187 = tpu.vector_load %arg9[%get3A_186] {strides = array<i32>} : memref<10240xf32, #tpu.memory_space<vmem>>, vector<16xf32>,
      %get3A_188 = vector.shape_cast %get3A_187 : vector<16xf32> to vector<16xf32>
      %add3A_189 = arith.addf %get3A_188, %select_n3A : vector<16xf32>
      %swap3A_190 = arith.index_cast %squeeze3A_185 : i32 to index
      %swap3A_191 = tpu.vector_load %arg9[%swap3A_190] {strides = array<i32>} : memref<10240xf32, #tpu.memory_space<vmem>>, vector<16xf32>,
      %swap3A_192 = vector.shape_cast %swap3A_191 : vector<16xf32> to vector<16xf32>
      %swap3A_193 = vector.shape_cast %add3A_189 : vector<16xf32> to vector<16xf32>
      tpu.vector_store %arg9[%swap3A_190], %swap3A_193 {strides = array<i32>} : memref<10240xf32, #tpu.memory_space<vmem>>, vector<16xf32>,
      %slice3A_194 = vector.extract_strided_slice %get3A_80 {offsets = [11], sizes = [1], strides = [1]} : vector<16xi32> to vector<1xi32>
      %squeeze3A_195 = vector.extract %slice3A_194[0] : i32 from vector<1xi32>
      %get3A_196 = arith.index_cast %squeeze3A_195 : i32 to index
      %get3A_197 = tpu.vector_load %arg9[%get3A_196] {strides = array<i32>} : memref<10240xf32, #tpu.memory_space<vmem>>, vector<16xf32>,
      %get3A_198 = vector.shape_cast %get3A_197 : vector<16xf32> to vector<16xf32>
      %add3A_199 = arith.addf %get3A_198, %select_n3A : vector<16xf32>
      %swap3A_200 = arith.index_cast %squeeze3A_195 : i32 to index
      %swap3A_201 = tpu.vector_load %arg9[%swap3A_200] {strides = array<i32>} : memref<10240xf32, #tpu.memory_space<vmem>>, vector<16xf32>,
      %swap3A_202 = vector.shape_cast %swap3A_201 : vector<16xf32> to vector<16xf32>
      %swap3A_203 = vector.shape_cast %add3A_199 : vector<16xf32> to vector<16xf32>
      tpu.vector_store %arg9[%swap3A_200], %swap3A_203 {strides = array<i32>} : memref<10240xf32, #tpu.memory_space<vmem>>, vector<16xf32>,
      %slice3A_204 = vector.extract_strided_slice %get3A_80 {offsets = [12], sizes = [1], strides = [1]} : vector<16xi32> to vector<1xi32>
      %squeeze3A_205 = vector.extract %slice3A_204[0] : i32 from vector<1xi32>
      %get3A_206 = arith.index_cast %squeeze3A_205 : i32 to index
      %get3A_207 = tpu.vector_load %arg9[%get3A_206] {strides = array<i32>} : memref<10240xf32, #tpu.memory_space<vmem>>, vector<16xf32>,
      %get3A_208 = vector.shape_cast %get3A_207 : vector<16xf32> to vector<16xf32>
      %add3A_209 = arith.addf %get3A_208, %select_n3A : vector<16xf32>
      %swap3A_210 = arith.index_cast %squeeze3A_205 : i32 to index
      %swap3A_211 = tpu.vector_load %arg9[%swap3A_210] {strides = array<i32>} : memref<10240xf32, #tpu.memory_space<vmem>>, vector<16xf32>,
      %swap3A_212 = vector.shape_cast %swap3A_211 : vector<16xf32> to vector<16xf32>
      %swap3A_213 = vector.shape_cast %add3A_209 : vector<16xf32> to vector<16xf32>
      tpu.vector_store %arg9[%swap3A_210], %swap3A_213 {strides = array<i32>} : memref<10240xf32, #tpu.memory_space<vmem>>, vector<16xf32>,
      %slice3A_214 = vector.extract_strided_slice %get3A_80 {offsets = [13], sizes = [1], strides = [1]} : vector<16xi32> to vector<1xi32>
      %squeeze3A_215 = vector.extract %slice3A_214[0] : i32 from vector<1xi32>
      %get3A_216 = arith.index_cast %squeeze3A_215 : i32 to index
      %get3A_217 = tpu.vector_load %arg9[%get3A_216] {strides = array<i32>} : memref<10240xf32, #tpu.memory_space<vmem>>, vector<16xf32>,
      %get3A_218 = vector.shape_cast %get3A_217 : vector<16xf32> to vector<16xf32>
      %add3A_219 = arith.addf %get3A_218, %select_n3A : vector<16xf32>
      %swap3A_220 = arith.index_cast %squeeze3A_215 : i32 to index
      %swap3A_221 = tpu.vector_load %arg9[%swap3A_220] {strides = array<i32>} : memref<10240xf32, #tpu.memory_space<vmem>>, vector<16xf32>,
      %swap3A_222 = vector.shape_cast %swap3A_221 : vector<16xf32> to vector<16xf32>
      %swap3A_223 = vector.shape_cast %add3A_219 : vector<16xf32> to vector<16xf32>
      tpu.vector_store %arg9[%swap3A_220], %swap3A_223 {strides = array<i32>} : memref<10240xf32, #tpu.memory_space<vmem>>, vector<16xf32>,
      %slice3A_224 = vector.extract_strided_slice %get3A_80 {offsets = [14], sizes = [1], strides = [1]} : vector<16xi32> to vector<1xi32>
      %squeeze3A_225 = vector.extract %slice3A_224[0] : i32 from vector<1xi32>
      %get3A_226 = arith.index_cast %squeeze3A_225 : i32 to index
      %get3A_227 = tpu.vector_load %arg9[%get3A_226] {strides = array<i32>} : memref<10240xf32, #tpu.memory_space<vmem>>, vector<16xf32>,
      %get3A_228 = vector.shape_cast %get3A_227 : vector<16xf32> to vector<16xf32>
      %add3A_229 = arith.addf %get3A_228, %select_n3A : vector<16xf32>
      %swap3A_230 = arith.index_cast %squeeze3A_225 : i32 to index
      %swap3A_231 = tpu.vector_load %arg9[%swap3A_230] {strides = array<i32>} : memref<10240xf32, #tpu.memory_space<vmem>>, vector<16xf32>,
      %swap3A_232 = vector.shape_cast %swap3A_231 : vector<16xf32> to vector<16xf32>
      %swap3A_233 = vector.shape_cast %add3A_229 : vector<16xf32> to vector<16xf32>
      tpu.vector_store %arg9[%swap3A_230], %swap3A_233 {strides = array<i32>} : memref<10240xf32, #tpu.memory_space<vmem>>, vector<16xf32>,
      %slice3A_234 = vector.extract_strided_slice %get3A_80 {offsets = [15], sizes = [1], strides = [1]} : vector<16xi32> to vector<1xi32>
      %squeeze3A_235 = vector.extract %slice3A_234[0] : i32 from vector<1xi32>
      %get3A_236 = arith.index_cast %squeeze3A_235 : i32 to index
      %get3A_237 = tpu.vector_load %arg9[%get3A_236] {strides = array<i32>} : memref<10240xf32, #tpu.memory_space<vmem>>, vector<16xf32>,
      %get3A_238 = vector.shape_cast %get3A_237 : vector<16xf32> to vector<16xf32>
      %add3A_239 = arith.addf %get3A_238, %select_n3A : vector<16xf32>
      %swap3A_240 = arith.index_cast %squeeze3A_235 : i32 to index
      %swap3A_241 = tpu.vector_load %arg9[%swap3A_240] {strides = array<i32>} : memref<10240xf32, #tpu.memory_space<vmem>>, vector<16xf32>,
      %swap3A_242 = vector.shape_cast %swap3A_241 : vector<16xf32> to vector<16xf32>
      %swap3A_243 = vector.shape_cast %add3A_239 : vector<16xf32> to vector<16xf32>
      tpu.vector_store %arg9[%swap3A_240], %swap3A_243 {strides = array<i32>} : memref<10240xf32, #tpu.memory_space<vmem>>, vector<16xf32>,
    }
    %scan3A_54 = arith.constant 5 : i32
    %dma_wait3A = arith.constant 0 : i32
    %dma_wait3A_55 = arith.constant 0 : i32
    %dma_wait3A_56 = arith.constant 0 : i32
    %dma_wait3A_57 = tpu.memref_slice %arg8[%dma_wait3A, %dma_wait3A_55, %dma_wait3A_56] : memref<2x80x128xf32, #tpu.memory_space<vmem>> -> memref<1x80x128xf32, #tpu.memory_space<vmem>>
    %dma_wait3A_58 = tpu.memref_squeeze %dma_wait3A_57 : memref<1x80x128xf32, #tpu.memory_space<vmem>> -> memref<80x128xf32, #tpu.memory_space<vmem>>
    %dma_wait3A_59 = arith.constant 0 : i32
    %dma_wait3A_60 = tpu.memref_slice %arg2[%mul3A_24, %dma_wait3A_59] : memref<320000x128xf32, #tpu.memory_space<hbm>> -> memref<80x128xf32, #tpu.memory_space<hbm>>
    %dma_wait3A_61 = arith.constant 0 : i32
    %dma_wait3A_62 = arith.constant 0 : i32
    %dma_wait3A_63 = tpu.memref_slice %arg8[%dma_wait3A, %dma_wait3A_61, %dma_wait3A_62] : memref<2x80x128xf32, #tpu.memory_space<vmem>> -> memref<1x80x128xf32, #tpu.memory_space<vmem>>
    %dma_wait3A_64 = tpu.memref_squeeze %dma_wait3A_63 : memref<1x80x128xf32, #tpu.memory_space<vmem>> -> memref<80x128xf32, #tpu.memory_space<vmem>>
    %dma_wait3A_65 = arith.constant 0 : i32
    %dma_wait3A_66 = tpu.memref_slice %arg2[%mul3A_24, %dma_wait3A_65] : memref<320000x128xf32, #tpu.memory_space<hbm>> -> memref<80x128xf32, #tpu.memory_space<hbm>>
    tpu.wait_dma2 semaphore(%arg11 : memref<!tpu.dma_semaphore, #tpu.memory_space<semaphore_mem>>) src(%dma_wait3A_66 : memref<80x128xf32, #tpu.memory_space<hbm>>) dst(%dma_wait3A_64 : memref<80x128xf32, #tpu.memory_space<vmem>>)
    %run_scoped3A = arith.constant 0 : i32
    "tpu.region"() ({
      %run_scoped3A_74 = tpu.sem_alloc : memref<!tpu.dma_semaphore, #tpu.memory_space<semaphore_mem>>
      %dma_start3A_75 = arith.constant 0 : i32
      %dma_start3A_76 = arith.constant 0 : i32
      %dma_start3A_77 = tpu.memref_slice %arg8[%run_scoped3A, %dma_start3A_75, %dma_start3A_76] : memref<2x80x128xf32, #tpu.memory_space<vmem>> -> memref<1x80x128xf32, #tpu.memory_space<vmem>>
      %dma_start3A_78 = tpu.memref_squeeze %dma_start3A_77 : memref<1x80x128xf32, #tpu.memory_space<vmem>> -> memref<80x128xf32, #tpu.memory_space<vmem>>
      %dma_start3A_79 = arith.constant 0 : i32
      %dma_start3A_80 = arith.constant 0 : i32
      %dma_start3A_81 = tpu.memref_slice %arg10[%dma_start3A_79, %dma_start3A_80] : memref<10240x128xf32, #tpu.memory_space<vmem_shared>> -> memref<10240x128xf32, #tpu.memory_space<vmem_shared>>
      tpu.enqueue_indirect_dma source(%dma_start3A_78 : memref<80x128xf32, #tpu.memory_space<vmem>>) target(%dma_start3A_81 : memref<10240x128xf32, #tpu.memory_space<vmem_shared>>) offsets(%arg7 : memref<80xi32, #tpu.memory_space<vmem>>) semaphore(%run_scoped3A_74 : memref<!tpu.dma_semaphore, #tpu.memory_space<semaphore_mem>>) {add = true}
      %dma_wait3A_82 = arith.constant 0 : i32
      %dma_wait3A_83 = arith.constant 0 : i32
      %dma_wait3A_84 = tpu.memref_slice %arg8[%run_scoped3A, %dma_wait3A_82, %dma_wait3A_83] : memref<2x80x128xf32, #tpu.memory_space<vmem>> -> memref<1x80x128xf32, #tpu.memory_space<vmem>>
      %dma_wait3A_85 = tpu.memref_squeeze %dma_wait3A_84 : memref<1x80x128xf32, #tpu.memory_space<vmem>> -> memref<80x128xf32, #tpu.memory_space<vmem>>
      %dma_wait3A_86 = arith.constant 0 : i32
      %dma_wait3A_87 = arith.constant 0 : i32
      %dma_wait3A_88 = tpu.memref_slice %arg10[%dma_wait3A_86, %dma_wait3A_87] : memref<10240x128xf32, #tpu.memory_space<vmem_shared>> -> memref<10240x128xf32, #tpu.memory_space<vmem_shared>>
      tpu.wait_indirect_dma semaphore(%run_scoped3A_74 : memref<!tpu.dma_semaphore, #tpu.memory_space<semaphore_mem>>) src(%dma_wait3A_85 : memref<80x128xf32, #tpu.memory_space<vmem>>) dst(%dma_wait3A_88 : memref<10240x128xf32, #tpu.memory_space<vmem_shared>>)
      tpu.yield
    }) : () -> ()
    %barrier3A_67 = arith.constant 0 : index
    tpu.barrier barrier_id(%barrier3A_67)
    %scan3A_68 = arith.constant 0 : i32
    %scan3A_69 = arith.constant 0 : i32
    %scan3A_70 = arith.constant 8 : i32
    %scan3A_71 = arith.addi %scan3A_69, %scan3A_70 : i32
    %scan3A_72 = arith.constant 1 : i32
    scf.for %scan3A_74 = %scan3A_69 to %scan3A_71 step %scan3A_72  : i32 {
      %mul3A_75 = arith.constant 80 : i32
      %mul3A_76 = arith.muli %scan3A_74, %mul3A_75 : i32
      %add3A_77 = arith.addi %mul3A_0, %mul3A_76 : i32
      %scan3A_78 = arith.constant 0 : i32
      %scan3A_79 = arith.constant 0 : i32
      %scan3A_80 = arith.constant 5 : i32
      %scan3A_81 = arith.addi %scan3A_79, %scan3A_80 : i32
      %scan3A_82 = arith.constant 1 : i32
      scf.for %scan3A_104 = %scan3A_79 to %scan3A_81 step %scan3A_82  : i32 {
        %mul3A_105 = arith.constant 16 : i32
        %mul3A_106 = arith.muli %scan3A_104, %mul3A_105 : i32
        %add3A_107 = arith.addi %add3A_77, %mul3A_106 : i32
        %add3A_108 = vector.broadcast %add3A_107 : i32 to vector<16xi32>
        %add3A_109 = arith.addi %add3A_108, %iota3A : vector<16xi32>
        %mul3A_110 = arith.constant 16 : i32
        %mul3A_111 = arith.muli %scan3A_104, %mul3A_110 : i32
        %swap3A = arith.index_cast %mul3A_111 : i32 to index
        %swap3A_112 = tpu.vector_load %arg7[%swap3A] {strides = array<i32>} : memref<80xi32, #tpu.memory_space<vmem>>, vector<16xi32>,
        %swap3A_113 = vector.shape_cast %swap3A_112 : vector<16xi32> to vector<16xi32>
        %swap3A_114 = vector.shape_cast %add3A_109 : vector<16xi32> to vector<16xi32>
        tpu.vector_store %arg7[%swap3A], %swap3A_114 {strides = array<i32>} : memref<80xi32, #tpu.memory_space<vmem>>, vector<16xi32>,
      }
      %scan3A_83 = arith.constant 5 : i32
      %dma_start3A_84 = arith.constant 0 : i32
      %dma_start3A_85 = arith.constant 0 : i32
      %dma_start3A_86 = arith.constant 0 : i32
      %dma_start3A_87 = tpu.memref_slice %arg8[%dma_start3A_84, %dma_start3A_85, %dma_start3A_86] : memref<2x80x128xf32, #tpu.memory_space<vmem>> -> memref<1x80x128xf32, #tpu.memory_space<vmem>>
      %dma_start3A_88 = tpu.memref_squeeze %dma_start3A_87 : memref<1x80x128xf32, #tpu.memory_space<vmem>> -> memref<80x128xf32, #tpu.memory_space<vmem>>
      %dma_start3A_89 = arith.constant 0 : i32
      %dma_start3A_90 = arith.constant 0 : i32
      %dma_start3A_91 = tpu.memref_slice %arg10[%dma_start3A_89, %dma_start3A_90] : memref<10240x128xf32, #tpu.memory_space<vmem_shared>> -> memref<10240x128xf32, #tpu.memory_space<vmem_shared>>
      tpu.enqueue_indirect_dma source(%dma_start3A_91 : memref<10240x128xf32, #tpu.memory_space<vmem_shared>>) target(%dma_start3A_88 : memref<80x128xf32, #tpu.memory_space<vmem>>) offsets(%arg7 : memref<80xi32, #tpu.memory_space<vmem>>) semaphore(%arg11 : memref<!tpu.dma_semaphore, #tpu.memory_space<semaphore_mem>>)
      %dma_wait3A_92 = arith.constant 0 : i32
      %dma_wait3A_93 = arith.constant 0 : i32
      %dma_wait3A_94 = arith.constant 0 : i32
      %dma_wait3A_95 = tpu.memref_slice %arg8[%dma_wait3A_92, %dma_wait3A_93, %dma_wait3A_94] : memref<2x80x128xf32, #tpu.memory_space<vmem>> -> memref<1x80x128xf32, #tpu.memory_space<vmem>>
      %dma_wait3A_96 = tpu.memref_squeeze %dma_wait3A_95 : memref<1x80x128xf32, #tpu.memory_space<vmem>> -> memref<80x128xf32, #tpu.memory_space<vmem>>
      %dma_wait3A_97 = arith.constant 0 : i32
      %dma_wait3A_98 = arith.constant 0 : i32
      %dma_wait3A_99 = tpu.memref_slice %arg10[%dma_wait3A_97, %dma_wait3A_98] : memref<10240x128xf32, #tpu.memory_space<vmem_shared>> -> memref<10240x128xf32, #tpu.memory_space<vmem_shared>>
      tpu.wait_indirect_dma semaphore(%arg11 : memref<!tpu.dma_semaphore, #tpu.memory_space<semaphore_mem>>) src(%dma_wait3A_99 : memref<10240x128xf32, #tpu.memory_space<vmem_shared>>) dst(%dma_wait3A_96 : memref<80x128xf32, #tpu.memory_space<vmem>>)
      %mul3A_100 = arith.constant 80 : i32
      %mul3A_101 = arith.muli %scan3A_74, %mul3A_100 : i32
      %add3A_102 = arith.addi %add3A, %mul3A_101 : i32
      %run_scoped3A_103 = arith.constant 0 : i32
      "tpu.region"() ({
        %run_scoped3A_104 = tpu.sem_alloc : memref<!tpu.dma_semaphore, #tpu.memory_space<semaphore_mem>>
        %dma_start3A_105 = arith.constant 0 : i32
        %dma_start3A_106 = arith.constant 0 : i32
        %dma_start3A_107 = tpu.memref_slice %arg8[%run_scoped3A_103, %dma_start3A_105, %dma_start3A_106] : memref<2x80x128xf32, #tpu.memory_space<vmem>> -> memref<1x80x128xf32, #tpu.memory_space<vmem>>
        %dma_start3A_108 = tpu.memref_squeeze %dma_start3A_107 : memref<1x80x128xf32, #tpu.memory_space<vmem>> -> memref<80x128xf32, #tpu.memory_space<vmem>>
        %dma_start3A_109 = arith.constant 0 : i32
        %dma_start3A_110 = tpu.memref_slice %arg4[%add3A_102, %dma_start3A_109] : memref<20480x128xf32, #tpu.memory_space<hbm>> -> memref<80x128xf32, #tpu.memory_space<hbm>>
        %dma_start3A_111 = arith.constant 0 : i32
        %dma_start3A_112 = tpu.memref_slice %arg4[%add3A_102, %dma_start3A_111] : memref<20480x128xf32, #tpu.memory_space<hbm>> -> memref<80x128xf32, #tpu.memory_space<hbm>>
        %dma_start3A_113 = arith.constant 0 : i32
        %dma_start3A_114 = arith.constant 0 : i32
        %dma_start3A_115 = tpu.memref_slice %arg8[%run_scoped3A_103, %dma_start3A_113, %dma_start3A_114] : memref<2x80x128xf32, #tpu.memory_space<vmem>> -> memref<1x80x128xf32, #tpu.memory_space<vmem>>
        %dma_start3A_116 = tpu.memref_squeeze %dma_start3A_115 : memref<1x80x128xf32, #tpu.memory_space<vmem>> -> memref<80x128xf32, #tpu.memory_space<vmem>>
        tpu.enqueue_dma source(%dma_start3A_116 : memref<80x128xf32, #tpu.memory_space<vmem>>) target(%dma_start3A_112 : memref<80x128xf32, #tpu.memory_space<hbm>>) target_semaphore(%run_scoped3A_104 : memref<!tpu.dma_semaphore, #tpu.memory_space<semaphore_mem>>)
        %dma_wait3A_117 = arith.constant 0 : i32
        %dma_wait3A_118 = arith.constant 0 : i32
        %dma_wait3A_119 = tpu.memref_slice %arg8[%run_scoped3A_103, %dma_wait3A_117, %dma_wait3A_118] : memref<2x80x128xf32, #tpu.memory_space<vmem>> -> memref<1x80x128xf32, #tpu.memory_space<vmem>>
        %dma_wait3A_120 = tpu.memref_squeeze %dma_wait3A_119 : memref<1x80x128xf32, #tpu.memory_space<vmem>> -> memref<80x128xf32, #tpu.memory_space<vmem>>
        %dma_wait3A_121 = arith.constant 0 : i32
        %dma_wait3A_122 = tpu.memref_slice %arg4[%add3A_102, %dma_wait3A_121] : memref<20480x128xf32, #tpu.memory_space<hbm>> -> memref<80x128xf32, #tpu.memory_space<hbm>>
        %dma_wait3A_123 = arith.constant 0 : i32
        %dma_wait3A_124 = tpu.memref_slice %arg4[%add3A_102, %dma_wait3A_123] : memref<20480x128xf32, #tpu.memory_space<hbm>> -> memref<80x128xf32, #tpu.memory_space<hbm>>
        %dma_wait3A_125 = arith.constant 0 : i32
        %dma_wait3A_126 = arith.constant 0 : i32
        %dma_wait3A_127 = tpu.memref_slice %arg8[%run_scoped3A_103, %dma_wait3A_125, %dma_wait3A_126] : memref<2x80x128xf32, #tpu.memory_space<vmem>> -> memref<1x80x128xf32, #tpu.memory_space<vmem>>
        %dma_wait3A_128 = tpu.memref_squeeze %dma_wait3A_127 : memref<1x80x128xf32, #tpu.memory_space<vmem>> -> memref<80x128xf32, #tpu.memory_space<vmem>>
        tpu.wait_dma2 semaphore(%run_scoped3A_104 : memref<!tpu.dma_semaphore, #tpu.memory_space<semaphore_mem>>) src(%dma_wait3A_128 : memref<80x128xf32, #tpu.memory_space<vmem>>) dst(%dma_wait3A_124 : memref<80x128xf32, #tpu.memory_space<hbm>>)
        tpu.yield
      }) : () -> ()
    }
    %scan3A_73 = arith.constant 8 : i32
    "tpu.region"() ({
      %run_scoped3A_74 = tpu.sem_alloc : memref<!tpu.dma_semaphore, #tpu.memory_space<semaphore_mem>>
      %dma_start3A_75 = arith.constant 0 : i32
      %dma_start3A_76 = tpu.memref_slice %arg5[%add3A_22, %dma_start3A_75] : memref<32x10240xf32, #tpu.memory_space<hbm>> -> memref<1x10240xf32, #tpu.memory_space<hbm>>
      %dma_start3A_77 = tpu.memref_squeeze %dma_start3A_76 : memref<1x10240xf32, #tpu.memory_space<hbm>> -> memref<10240xf32, #tpu.memory_space<hbm>>
      %dma_start3A_78 = arith.constant 0 : i32
      %dma_start3A_79 = tpu.memref_slice %arg5[%add3A_22, %dma_start3A_78] : memref<32x10240xf32, #tpu.memory_space<hbm>> -> memref<1x10240xf32, #tpu.memory_space<hbm>>
      %dma_start3A_80 = tpu.memref_squeeze %dma_start3A_79 : memref<1x10240xf32, #tpu.memory_space<hbm>> -> memref<10240xf32, #tpu.memory_space<hbm>>
      tpu.enqueue_dma source(%arg9 : memref<10240xf32, #tpu.memory_space<vmem>>) target(%dma_start3A_80 : memref<10240xf32, #tpu.memory_space<hbm>>) target_semaphore(%run_scoped3A_74 : memref<!tpu.dma_semaphore, #tpu.memory_space<semaphore_mem>>)
      %dma_wait3A_81 = arith.constant 0 : i32
      %dma_wait3A_82 = tpu.memref_slice %arg5[%add3A_22, %dma_wait3A_81] : memref<32x10240xf32, #tpu.memory_space<hbm>> -> memref<1x10240xf32, #tpu.memory_space<hbm>>
      %dma_wait3A_83 = tpu.memref_squeeze %dma_wait3A_82 : memref<1x10240xf32, #tpu.memory_space<hbm>> -> memref<10240xf32, #tpu.memory_space<hbm>>
      %dma_wait3A_84 = arith.constant 0 : i32
      %dma_wait3A_85 = tpu.memref_slice %arg5[%add3A_22, %dma_wait3A_84] : memref<32x10240xf32, #tpu.memory_space<hbm>> -> memref<1x10240xf32, #tpu.memory_space<hbm>>
      %dma_wait3A_86 = tpu.memref_squeeze %dma_wait3A_85 : memref<1x10240xf32, #tpu.memory_space<hbm>> -> memref<10240xf32, #tpu.memory_space<hbm>>
      tpu.wait_dma2 semaphore(%run_scoped3A_74 : memref<!tpu.dma_semaphore, #tpu.memory_space<semaphore_mem>>) src(%arg9 : memref<10240xf32, #tpu.memory_space<vmem>>) dst(%dma_wait3A_86 : memref<10240xf32, #tpu.memory_space<hbm>>)
      tpu.yield
    }) : () -> ()
    return
  }
}

#map = affine_map<(d0, d1) -> (0, 0)>
#map1 = affine_map<(d0, d1) -> (0)>
module attributes {stable_mosaic.version = 14 : i64} {
  func.func @_sc_gather_body(%arg0: i32, %arg1: i32, %arg2: memref<10000x128xf32, #tpu.memory_space<hbm>>, %arg3: memref<200x128xf32, #tpu.memory_space<hbm>>, %arg4: memref<320000xi32, #tpu.memory_space<hbm>>, %arg5: memref<320000xi32, #tpu.memory_space<hbm>>, %arg6: memref<320000x128xf32, #tpu.memory_space<hbm>>, %arg7: memref<10000xi32, #tpu.memory_space<vmem>>, %arg8: memref<10000xi32, #tpu.memory_space<vmem>>, %arg9: memref<2x80x128xf32, #tpu.memory_space<vmem>>, %arg10: memref<2x80x128xf32, #tpu.memory_space<vmem>>, %arg11: memref<!tpu.dma_semaphore, #tpu.memory_space<semaphore_mem>>, %arg12: memref<!tpu.dma_semaphore, #tpu.memory_space<semaphore_mem>>) attributes {dimension_semantics = [#tpu.dimension_semantics<core_parallel>, #tpu.dimension_semantics<subcore_parallel>], iteration_bounds = array<i64: 2, 16>, scalar_prefetch = 0 : i64, scratch_operands = 6 : i64, tpu.core_type = #tpu.core_type<sc_vector_subcore>, window_params = [{transform_indices = #map}, {transform_indices = #map}, {transform_indices = #map1}, {transform_indices = #map1}, {transform_indices = #map}]} {
    %mul3A = arith.constant 2 : i32
    %mul3A_0 = arith.muli %arg1, %mul3A : i32
    %add3A = arith.addi %mul3A_0, %arg0 : i32
    %mul3A_1 = arith.constant 10000 : i32
    %mul3A_2 = arith.muli %add3A, %mul3A_1 : i32
    "tpu.region"() ({
      %run_scoped3A_54 = tpu.sem_alloc : memref<!tpu.dma_semaphore, #tpu.memory_space<semaphore_mem>>
      %dma_start3A_55 = tpu.memref_slice %arg4[%mul3A_2] : memref<320000xi32, #tpu.memory_space<hbm>> -> memref<10000xi32, #tpu.memory_space<hbm>>
      %dma_start3A_56 = tpu.memref_slice %arg4[%mul3A_2] : memref<320000xi32, #tpu.memory_space<hbm>> -> memref<10000xi32, #tpu.memory_space<hbm>>
      tpu.enqueue_dma source(%dma_start3A_56 : memref<10000xi32, #tpu.memory_space<hbm>>) target(%arg7 : memref<10000xi32, #tpu.memory_space<vmem>>) target_semaphore(%run_scoped3A_54 : memref<!tpu.dma_semaphore, #tpu.memory_space<semaphore_mem>>)
      %dma_wait3A_57 = tpu.memref_slice %arg4[%mul3A_2] : memref<320000xi32, #tpu.memory_space<hbm>> -> memref<10000xi32, #tpu.memory_space<hbm>>
      %dma_wait3A_58 = tpu.memref_slice %arg4[%mul3A_2] : memref<320000xi32, #tpu.memory_space<hbm>> -> memref<10000xi32, #tpu.memory_space<hbm>>
      tpu.wait_dma2 semaphore(%run_scoped3A_54 : memref<!tpu.dma_semaphore, #tpu.memory_space<semaphore_mem>>) src(%dma_wait3A_58 : memref<10000xi32, #tpu.memory_space<hbm>>) dst(%arg7 : memref<10000xi32, #tpu.memory_space<vmem>>)
      tpu.yield
    }) : () -> ()
    "tpu.region"() ({
      %run_scoped3A_54 = tpu.sem_alloc : memref<!tpu.dma_semaphore, #tpu.memory_space<semaphore_mem>>
      %dma_start3A_55 = tpu.memref_slice %arg5[%mul3A_2] : memref<320000xi32, #tpu.memory_space<hbm>> -> memref<10000xi32, #tpu.memory_space<hbm>>
      %dma_start3A_56 = tpu.memref_slice %arg5[%mul3A_2] : memref<320000xi32, #tpu.memory_space<hbm>> -> memref<10000xi32, #tpu.memory_space<hbm>>
      tpu.enqueue_dma source(%dma_start3A_56 : memref<10000xi32, #tpu.memory_space<hbm>>) target(%arg8 : memref<10000xi32, #tpu.memory_space<vmem>>) target_semaphore(%run_scoped3A_54 : memref<!tpu.dma_semaphore, #tpu.memory_space<semaphore_mem>>)
      %dma_wait3A_57 = tpu.memref_slice %arg5[%mul3A_2] : memref<320000xi32, #tpu.memory_space<hbm>> -> memref<10000xi32, #tpu.memory_space<hbm>>
      %dma_wait3A_58 = tpu.memref_slice %arg5[%mul3A_2] : memref<320000xi32, #tpu.memory_space<hbm>> -> memref<10000xi32, #tpu.memory_space<hbm>>
      tpu.wait_dma2 semaphore(%run_scoped3A_54 : memref<!tpu.dma_semaphore, #tpu.memory_space<semaphore_mem>>) src(%dma_wait3A_58 : memref<10000xi32, #tpu.memory_space<hbm>>) dst(%arg8 : memref<10000xi32, #tpu.memory_space<vmem>>)
      tpu.yield
    }) : () -> ()
    %dma_start3A = arith.constant 0 : i32
    %dma_start3A_3 = arith.constant 0 : i32
    %dma_start3A_4 = arith.constant 0 : i32
    %dma_start3A_5 = tpu.memref_slice %arg9[%dma_start3A, %dma_start3A_3, %dma_start3A_4] : memref<2x80x128xf32, #tpu.memory_space<vmem>> -> memref<1x80x128xf32, #tpu.memory_space<vmem>>
    %dma_start3A_6 = tpu.memref_squeeze %dma_start3A_5 : memref<1x80x128xf32, #tpu.memory_space<vmem>> -> memref<80x128xf32, #tpu.memory_space<vmem>>
    %dma_start3A_7 = arith.constant 0 : i32
    %dma_start3A_8 = tpu.memref_slice %arg7[%dma_start3A_7] : memref<10000xi32, #tpu.memory_space<vmem>> -> memref<80xi32, #tpu.memory_space<vmem>>
    %dma_start3A_9 = arith.constant 0 : i32
    %dma_start3A_10 = arith.constant 0 : i32
    %dma_start3A_11 = tpu.memref_slice %arg2[%dma_start3A_9, %dma_start3A_10] : memref<10000x128xf32, #tpu.memory_space<hbm>> -> memref<10000x128xf32, #tpu.memory_space<hbm>>
    tpu.enqueue_indirect_dma source(%dma_start3A_11 : memref<10000x128xf32, #tpu.memory_space<hbm>>) target(%dma_start3A_6 : memref<80x128xf32, #tpu.memory_space<vmem>>) offsets(%dma_start3A_8 : memref<80xi32, #tpu.memory_space<vmem>>) semaphore(%arg11 : memref<!tpu.dma_semaphore, #tpu.memory_space<semaphore_mem>>)
    %dma_start3A_12 = arith.constant 0 : i32
    %dma_start3A_13 = arith.constant 0 : i32
    %dma_start3A_14 = arith.constant 0 : i32
    %dma_start3A_15 = tpu.memref_slice %arg10[%dma_start3A_12, %dma_start3A_13, %dma_start3A_14] : memref<2x80x128xf32, #tpu.memory_space<vmem>> -> memref<1x80x128xf32, #tpu.memory_space<vmem>>
    %dma_start3A_16 = tpu.memref_squeeze %dma_start3A_15 : memref<1x80x128xf32, #tpu.memory_space<vmem>> -> memref<80x128xf32, #tpu.memory_space<vmem>>
    %dma_start3A_17 = arith.constant 0 : i32
    %dma_start3A_18 = tpu.memref_slice %arg8[%dma_start3A_17] : memref<10000xi32, #tpu.memory_space<vmem>> -> memref<80xi32, #tpu.memory_space<vmem>>
    %dma_start3A_19 = arith.constant 0 : i32
    %dma_start3A_20 = arith.constant 0 : i32
    %dma_start3A_21 = tpu.memref_slice %arg3[%dma_start3A_19, %dma_start3A_20] : memref<200x128xf32, #tpu.memory_space<hbm>> -> memref<200x128xf32, #tpu.memory_space<hbm>>
    tpu.enqueue_indirect_dma source(%dma_start3A_21 : memref<200x128xf32, #tpu.memory_space<hbm>>) target(%dma_start3A_16 : memref<80x128xf32, #tpu.memory_space<vmem>>) offsets(%dma_start3A_18 : memref<80xi32, #tpu.memory_space<vmem>>) semaphore(%arg12 : memref<!tpu.dma_semaphore, #tpu.memory_space<semaphore_mem>>)
    %scan3A = arith.constant 0 : i32
    %scan3A_22 = arith.constant 0 : i32
    %scan3A_23 = arith.constant 62 : i32
    %scan3A_24 = arith.addi %scan3A_22, %scan3A_23 : i32
    %scan3A_25 = arith.constant 1 : i32
    scf.for %scan3A_54 = %scan3A_22 to %scan3A_24 step %scan3A_25  : i32 {
      %mul3A_55 = arith.constant 2 : i32
      %mul3A_56 = arith.muli %mul3A_55, %scan3A_54 : i32
      %add3A_57 = arith.constant 1 : i32
      %add3A_58 = arith.addi %mul3A_56, %add3A_57 : i32
      %mul3A_59 = arith.constant 80 : i32
      %mul3A_60 = arith.muli %add3A_58, %mul3A_59 : i32
      %dma_start3A_61 = arith.constant 1 : i32
      %dma_start3A_62 = arith.constant 0 : i32
      %dma_start3A_63 = arith.constant 0 : i32
      %dma_start3A_64 = tpu.memref_slice %arg9[%dma_start3A_61, %dma_start3A_62, %dma_start3A_63] : memref<2x80x128xf32, #tpu.memory_space<vmem>> -> memref<1x80x128xf32, #tpu.memory_space<vmem>>
      %dma_start3A_65 = tpu.memref_squeeze %dma_start3A_64 : memref<1x80x128xf32, #tpu.memory_space<vmem>> -> memref<80x128xf32, #tpu.memory_space<vmem>>
      %dma_start3A_66 = tpu.memref_slice %arg7[%mul3A_60] : memref<10000xi32, #tpu.memory_space<vmem>> -> memref<80xi32, #tpu.memory_space<vmem>>
      %dma_start3A_67 = arith.constant 0 : i32
      %dma_start3A_68 = arith.constant 0 : i32
      %dma_start3A_69 = tpu.memref_slice %arg2[%dma_start3A_67, %dma_start3A_68] : memref<10000x128xf32, #tpu.memory_space<hbm>> -> memref<10000x128xf32, #tpu.memory_space<hbm>>
      tpu.enqueue_indirect_dma source(%dma_start3A_69 : memref<10000x128xf32, #tpu.memory_space<hbm>>) target(%dma_start3A_65 : memref<80x128xf32, #tpu.memory_space<vmem>>) offsets(%dma_start3A_66 : memref<80xi32, #tpu.memory_space<vmem>>) semaphore(%arg11 : memref<!tpu.dma_semaphore, #tpu.memory_space<semaphore_mem>>)
      %mul3A_70 = arith.constant 80 : i32
      %mul3A_71 = arith.muli %add3A_58, %mul3A_70 : i32
      %dma_start3A_72 = arith.constant 1 : i32
      %dma_start3A_73 = arith.constant 0 : i32
      %dma_start3A_74 = arith.constant 0 : i32
      %dma_start3A_75 = tpu.memref_slice %arg10[%dma_start3A_72, %dma_start3A_73, %dma_start3A_74] : memref<2x80x128xf32, #tpu.memory_space<vmem>> -> memref<1x80x128xf32, #tpu.memory_space<vmem>>
      %dma_start3A_76 = tpu.memref_squeeze %dma_start3A_75 : memref<1x80x128xf32, #tpu.memory_space<vmem>> -> memref<80x128xf32, #tpu.memory_space<vmem>>
      %dma_start3A_77 = tpu.memref_slice %arg8[%mul3A_71] : memref<10000xi32, #tpu.memory_space<vmem>> -> memref<80xi32, #tpu.memory_space<vmem>>
      %dma_start3A_78 = arith.constant 0 : i32
      %dma_start3A_79 = arith.constant 0 : i32
      %dma_start3A_80 = tpu.memref_slice %arg3[%dma_start3A_78, %dma_start3A_79] : memref<200x128xf32, #tpu.memory_space<hbm>> -> memref<200x128xf32, #tpu.memory_space<hbm>>
      tpu.enqueue_indirect_dma source(%dma_start3A_80 : memref<200x128xf32, #tpu.memory_space<hbm>>) target(%dma_start3A_76 : memref<80x128xf32, #tpu.memory_space<vmem>>) offsets(%dma_start3A_77 : memref<80xi32, #tpu.memory_space<vmem>>) semaphore(%arg12 : memref<!tpu.dma_semaphore, #tpu.memory_space<semaphore_mem>>)
      %dma_wait3A_81 = arith.constant 0 : i32
      %dma_wait3A_82 = arith.constant 0 : i32
      %dma_wait3A_83 = arith.constant 0 : i32
      %dma_wait3A_84 = tpu.memref_slice %arg9[%dma_wait3A_81, %dma_wait3A_82, %dma_wait3A_83] : memref<2x80x128xf32, #tpu.memory_space<vmem>> -> memref<1x80x128xf32, #tpu.memory_space<vmem>>
      %dma_wait3A_85 = tpu.memref_squeeze %dma_wait3A_84 : memref<1x80x128xf32, #tpu.memory_space<vmem>> -> memref<80x128xf32, #tpu.memory_space<vmem>>
      %dma_wait3A_86 = arith.constant 0 : i32
      %dma_wait3A_87 = tpu.memref_slice %arg7[%dma_wait3A_86] : memref<10000xi32, #tpu.memory_space<vmem>> -> memref<80xi32, #tpu.memory_space<vmem>>
      %dma_wait3A_88 = arith.constant 0 : i32
      %dma_wait3A_89 = arith.constant 0 : i32
      %dma_wait3A_90 = tpu.memref_slice %arg2[%dma_wait3A_88, %dma_wait3A_89] : memref<10000x128xf32, #tpu.memory_space<hbm>> -> memref<10000x128xf32, #tpu.memory_space<hbm>>
      tpu.wait_indirect_dma semaphore(%arg11 : memref<!tpu.dma_semaphore, #tpu.memory_space<semaphore_mem>>) src(%dma_wait3A_90 : memref<10000x128xf32, #tpu.memory_space<hbm>>) dst(%dma_wait3A_85 : memref<80x128xf32, #tpu.memory_space<vmem>>)
      %dma_wait3A_91 = arith.constant 0 : i32
      %dma_wait3A_92 = arith.constant 0 : i32
      %dma_wait3A_93 = arith.constant 0 : i32
      %dma_wait3A_94 = tpu.memref_slice %arg10[%dma_wait3A_91, %dma_wait3A_92, %dma_wait3A_93] : memref<2x80x128xf32, #tpu.memory_space<vmem>> -> memref<1x80x128xf32, #tpu.memory_space<vmem>>
      %dma_wait3A_95 = tpu.memref_squeeze %dma_wait3A_94 : memref<1x80x128xf32, #tpu.memory_space<vmem>> -> memref<80x128xf32, #tpu.memory_space<vmem>>
      %dma_wait3A_96 = arith.constant 0 : i32
      %dma_wait3A_97 = tpu.memref_slice %arg8[%dma_wait3A_96] : memref<10000xi32, #tpu.memory_space<vmem>> -> memref<80xi32, #tpu.memory_space<vmem>>
      %dma_wait3A_98 = arith.constant 0 : i32
      %dma_wait3A_99 = arith.constant 0 : i32
      %dma_wait3A_100 = tpu.memref_slice %arg3[%dma_wait3A_98, %dma_wait3A_99] : memref<200x128xf32, #tpu.memory_space<hbm>> -> memref<200x128xf32, #tpu.memory_space<hbm>>
      tpu.wait_indirect_dma semaphore(%arg12 : memref<!tpu.dma_semaphore, #tpu.memory_space<semaphore_mem>>) src(%dma_wait3A_100 : memref<200x128xf32, #tpu.memory_space<hbm>>) dst(%dma_wait3A_95 : memref<80x128xf32, #tpu.memory_space<vmem>>)
      %scan3A_101 = arith.constant 0 : i32
      %scan3A_102 = arith.constant 0 : i32
      %scan3A_103 = arith.constant 80 : i32
      %scan3A_104 = arith.addi %scan3A_102, %scan3A_103 : i32
      %scan3A_105 = arith.constant 1 : i32
      scf.for %scan3A_167 = %scan3A_102 to %scan3A_104 step %scan3A_105  : i32 {
        %get3A = arith.constant 0 : i32
        %get3A_168 = arith.index_cast %get3A : i32 to index
        %get3A_169 = arith.index_cast %scan3A_167 : i32 to index
        %get3A_170 = arith.constant 0 : index
        %get3A_171 = tpu.vector_load %arg9[%get3A_168, %get3A_169, %get3A_170] {strides = array<i32>} : memref<2x80x128xf32, #tpu.memory_space<vmem>>, vector<1x1x16xf32>,
        %get3A_172 = vector.shape_cast %get3A_171 : vector<1x1x16xf32> to vector<16xf32>
        %get3A_173 = arith.constant 0 : i32
        %get3A_174 = arith.index_cast %get3A_173 : i32 to index
        %get3A_175 = arith.index_cast %scan3A_167 : i32 to index
        %get3A_176 = arith.constant 0 : index
        %get3A_177 = tpu.vector_load %arg10[%get3A_174, %get3A_175, %get3A_176] {strides = array<i32>} : memref<2x80x128xf32, #tpu.memory_space<vmem>>, vector<1x1x16xf32>,
        %get3A_178 = vector.shape_cast %get3A_177 : vector<1x1x16xf32> to vector<16xf32>
        %add3A_179 = arith.addf %get3A_172, %get3A_178 : vector<16xf32>
        %swap3A = arith.constant 0 : i32
        %swap3A_180 = arith.index_cast %swap3A : i32 to index
        %swap3A_181 = arith.index_cast %scan3A_167 : i32 to index
        %swap3A_182 = arith.constant 0 : index
        %swap3A_183 = tpu.vector_load %arg9[%swap3A_180, %swap3A_181, %swap3A_182] {strides = array<i32>} : memref<2x80x128xf32, #tpu.memory_space<vmem>>, vector<1x1x16xf32>,
        %swap3A_184 = vector.shape_cast %swap3A_183 : vector<1x1x16xf32> to vector<16xf32>
        %swap3A_185 = vector.shape_cast %add3A_179 : vector<16xf32> to vector<1x1x16xf32>
        tpu.vector_store %arg9[%swap3A_180, %swap3A_181, %swap3A_182], %swap3A_185 {strides = array<i32>} : memref<2x80x128xf32, #tpu.memory_space<vmem>>, vector<1x1x16xf32>,
        %get3A_186 = arith.constant 0 : i32
        %get3A_187 = arith.index_cast %get3A_186 : i32 to index
        %get3A_188 = arith.index_cast %scan3A_167 : i32 to index
        %get3A_189 = arith.constant 16 : index
        %get3A_190 = tpu.vector_load %arg9[%get3A_187, %get3A_188, %get3A_189] {strides = array<i32>} : memref<2x80x128xf32, #tpu.memory_space<vmem>>, vector<1x1x16xf32>,
        %get3A_191 = vector.shape_cast %get3A_190 : vector<1x1x16xf32> to vector<16xf32>
        %get3A_192 = arith.constant 0 : i32
        %get3A_193 = arith.index_cast %get3A_192 : i32 to index
        %get3A_194 = arith.index_cast %scan3A_167 : i32 to index
        %get3A_195 = arith.constant 16 : index
        %get3A_196 = tpu.vector_load %arg10[%get3A_193, %get3A_194, %get3A_195] {strides = array<i32>} : memref<2x80x128xf32, #tpu.memory_space<vmem>>, vector<1x1x16xf32>,
        %get3A_197 = vector.shape_cast %get3A_196 : vector<1x1x16xf32> to vector<16xf32>
        %add3A_198 = arith.addf %get3A_191, %get3A_197 : vector<16xf32>
        %swap3A_199 = arith.constant 0 : i32
        %swap3A_200 = arith.index_cast %swap3A_199 : i32 to index
        %swap3A_201 = arith.index_cast %scan3A_167 : i32 to index
        %swap3A_202 = arith.constant 16 : index
        %swap3A_203 = tpu.vector_load %arg9[%swap3A_200, %swap3A_201, %swap3A_202] {strides = array<i32>} : memref<2x80x128xf32, #tpu.memory_space<vmem>>, vector<1x1x16xf32>,
        %swap3A_204 = vector.shape_cast %swap3A_203 : vector<1x1x16xf32> to vector<16xf32>
        %swap3A_205 = vector.shape_cast %add3A_198 : vector<16xf32> to vector<1x1x16xf32>
        tpu.vector_store %arg9[%swap3A_200, %swap3A_201, %swap3A_202], %swap3A_205 {strides = array<i32>} : memref<2x80x128xf32, #tpu.memory_space<vmem>>, vector<1x1x16xf32>,
        %get3A_206 = arith.constant 0 : i32
        %get3A_207 = arith.index_cast %get3A_206 : i32 to index
        %get3A_208 = arith.index_cast %scan3A_167 : i32 to index
        %get3A_209 = arith.constant 32 : index
        %get3A_210 = tpu.vector_load %arg9[%get3A_207, %get3A_208, %get3A_209] {strides = array<i32>} : memref<2x80x128xf32, #tpu.memory_space<vmem>>, vector<1x1x16xf32>,
        %get3A_211 = vector.shape_cast %get3A_210 : vector<1x1x16xf32> to vector<16xf32>
        %get3A_212 = arith.constant 0 : i32
        %get3A_213 = arith.index_cast %get3A_212 : i32 to index
        %get3A_214 = arith.index_cast %scan3A_167 : i32 to index
        %get3A_215 = arith.constant 32 : index
        %get3A_216 = tpu.vector_load %arg10[%get3A_213, %get3A_214, %get3A_215] {strides = array<i32>} : memref<2x80x128xf32, #tpu.memory_space<vmem>>, vector<1x1x16xf32>,
        %get3A_217 = vector.shape_cast %get3A_216 : vector<1x1x16xf32> to vector<16xf32>
        %add3A_218 = arith.addf %get3A_211, %get3A_217 : vector<16xf32>
        %swap3A_219 = arith.constant 0 : i32
        %swap3A_220 = arith.index_cast %swap3A_219 : i32 to index
        %swap3A_221 = arith.index_cast %scan3A_167 : i32 to index
        %swap3A_222 = arith.constant 32 : index
        %swap3A_223 = tpu.vector_load %arg9[%swap3A_220, %swap3A_221, %swap3A_222] {strides = array<i32>} : memref<2x80x128xf32, #tpu.memory_space<vmem>>, vector<1x1x16xf32>,
        %swap3A_224 = vector.shape_cast %swap3A_223 : vector<1x1x16xf32> to vector<16xf32>
        %swap3A_225 = vector.shape_cast %add3A_218 : vector<16xf32> to vector<1x1x16xf32>
        tpu.vector_store %arg9[%swap3A_220, %swap3A_221, %swap3A_222], %swap3A_225 {strides = array<i32>} : memref<2x80x128xf32, #tpu.memory_space<vmem>>, vector<1x1x16xf32>,
        %get3A_226 = arith.constant 0 : i32
        %get3A_227 = arith.index_cast %get3A_226 : i32 to index
        %get3A_228 = arith.index_cast %scan3A_167 : i32 to index
        %get3A_229 = arith.constant 48 : index
        %get3A_230 = tpu.vector_load %arg9[%get3A_227, %get3A_228, %get3A_229] {strides = array<i32>} : memref<2x80x128xf32, #tpu.memory_space<vmem>>, vector<1x1x16xf32>,
        %get3A_231 = vector.shape_cast %get3A_230 : vector<1x1x16xf32> to vector<16xf32>
        %get3A_232 = arith.constant 0 : i32
        %get3A_233 = arith.index_cast %get3A_232 : i32 to index
        %get3A_234 = arith.index_cast %scan3A_167 : i32 to index
        %get3A_235 = arith.constant 48 : index
        %get3A_236 = tpu.vector_load %arg10[%get3A_233, %get3A_234, %get3A_235] {strides = array<i32>} : memref<2x80x128xf32, #tpu.memory_space<vmem>>, vector<1x1x16xf32>,
        %get3A_237 = vector.shape_cast %get3A_236 : vector<1x1x16xf32> to vector<16xf32>
        %add3A_238 = arith.addf %get3A_231, %get3A_237 : vector<16xf32>
        %swap3A_239 = arith.constant 0 : i32
        %swap3A_240 = arith.index_cast %swap3A_239 : i32 to index
        %swap3A_241 = arith.index_cast %scan3A_167 : i32 to index
        %swap3A_242 = arith.constant 48 : index
        %swap3A_243 = tpu.vector_load %arg9[%swap3A_240, %swap3A_241, %swap3A_242] {strides = array<i32>} : memref<2x80x128xf32, #tpu.memory_space<vmem>>, vector<1x1x16xf32>,
        %swap3A_244 = vector.shape_cast %swap3A_243 : vector<1x1x16xf32> to vector<16xf32>
        %swap3A_245 = vector.shape_cast %add3A_238 : vector<16xf32> to vector<1x1x16xf32>
        tpu.vector_store %arg9[%swap3A_240, %swap3A_241, %swap3A_242], %swap3A_245 {strides = array<i32>} : memref<2x80x128xf32, #tpu.memory_space<vmem>>, vector<1x1x16xf32>,
        %get3A_246 = arith.constant 0 : i32
        %get3A_247 = arith.index_cast %get3A_246 : i32 to index
        %get3A_248 = arith.index_cast %scan3A_167 : i32 to index
        %get3A_249 = arith.constant 64 : index
        %get3A_250 = tpu.vector_load %arg9[%get3A_247, %get3A_248, %get3A_249] {strides = array<i32>} : memref<2x80x128xf32, #tpu.memory_space<vmem>>, vector<1x1x16xf32>,
        %get3A_251 = vector.shape_cast %get3A_250 : vector<1x1x16xf32> to vector<16xf32>
        %get3A_252 = arith.constant 0 : i32
        %get3A_253 = arith.index_cast %get3A_252 : i32 to index
        %get3A_254 = arith.index_cast %scan3A_167 : i32 to index
        %get3A_255 = arith.constant 64 : index
        %get3A_256 = tpu.vector_load %arg10[%get3A_253, %get3A_254, %get3A_255] {strides = array<i32>} : memref<2x80x128xf32, #tpu.memory_space<vmem>>, vector<1x1x16xf32>,
        %get3A_257 = vector.shape_cast %get3A_256 : vector<1x1x16xf32> to vector<16xf32>
        %add3A_258 = arith.addf %get3A_251, %get3A_257 : vector<16xf32>
        %swap3A_259 = arith.constant 0 : i32
        %swap3A_260 = arith.index_cast %swap3A_259 : i32 to index
        %swap3A_261 = arith.index_cast %scan3A_167 : i32 to index
        %swap3A_262 = arith.constant 64 : index
        %swap3A_263 = tpu.vector_load %arg9[%swap3A_260, %swap3A_261, %swap3A_262] {strides = array<i32>} : memref<2x80x128xf32, #tpu.memory_space<vmem>>, vector<1x1x16xf32>,
        %swap3A_264 = vector.shape_cast %swap3A_263 : vector<1x1x16xf32> to vector<16xf32>
        %swap3A_265 = vector.shape_cast %add3A_258 : vector<16xf32> to vector<1x1x16xf32>
        tpu.vector_store %arg9[%swap3A_260, %swap3A_261, %swap3A_262], %swap3A_265 {strides = array<i32>} : memref<2x80x128xf32, #tpu.memory_space<vmem>>, vector<1x1x16xf32>,
        %get3A_266 = arith.constant 0 : i32
        %get3A_267 = arith.index_cast %get3A_266 : i32 to index
        %get3A_268 = arith.index_cast %scan3A_167 : i32 to index
        %get3A_269 = arith.constant 80 : index
        %get3A_270 = tpu.vector_load %arg9[%get3A_267, %get3A_268, %get3A_269] {strides = array<i32>} : memref<2x80x128xf32, #tpu.memory_space<vmem>>, vector<1x1x16xf32>,
        %get3A_271 = vector.shape_cast %get3A_270 : vector<1x1x16xf32> to vector<16xf32>
        %get3A_272 = arith.constant 0 : i32
        %get3A_273 = arith.index_cast %get3A_272 : i32 to index
        %get3A_274 = arith.index_cast %scan3A_167 : i32 to index
        %get3A_275 = arith.constant 80 : index
        %get3A_276 = tpu.vector_load %arg10[%get3A_273, %get3A_274, %get3A_275] {strides = array<i32>} : memref<2x80x128xf32, #tpu.memory_space<vmem>>, vector<1x1x16xf32>,
        %get3A_277 = vector.shape_cast %get3A_276 : vector<1x1x16xf32> to vector<16xf32>
        %add3A_278 = arith.addf %get3A_271, %get3A_277 : vector<16xf32>
        %swap3A_279 = arith.constant 0 : i32
        %swap3A_280 = arith.index_cast %swap3A_279 : i32 to index
        %swap3A_281 = arith.index_cast %scan3A_167 : i32 to index
        %swap3A_282 = arith.constant 80 : index
        %swap3A_283 = tpu.vector_load %arg9[%swap3A_280, %swap3A_281, %swap3A_282] {strides = array<i32>} : memref<2x80x128xf32, #tpu.memory_space<vmem>>, vector<1x1x16xf32>,
        %swap3A_284 = vector.shape_cast %swap3A_283 : vector<1x1x16xf32> to vector<16xf32>
        %swap3A_285 = vector.shape_cast %add3A_278 : vector<16xf32> to vector<1x1x16xf32>
        tpu.vector_store %arg9[%swap3A_280, %swap3A_281, %swap3A_282], %swap3A_285 {strides = array<i32>} : memref<2x80x128xf32, #tpu.memory_space<vmem>>, vector<1x1x16xf32>,
        %get3A_286 = arith.constant 0 : i32
        %get3A_287 = arith.index_cast %get3A_286 : i32 to index
        %get3A_288 = arith.index_cast %scan3A_167 : i32 to index
        %get3A_289 = arith.constant 96 : index
        %get3A_290 = tpu.vector_load %arg9[%get3A_287, %get3A_288, %get3A_289] {strides = array<i32>} : memref<2x80x128xf32, #tpu.memory_space<vmem>>, vector<1x1x16xf32>,
        %get3A_291 = vector.shape_cast %get3A_290 : vector<1x1x16xf32> to vector<16xf32>
        %get3A_292 = arith.constant 0 : i32
        %get3A_293 = arith.index_cast %get3A_292 : i32 to index
        %get3A_294 = arith.index_cast %scan3A_167 : i32 to index
        %get3A_295 = arith.constant 96 : index
        %get3A_296 = tpu.vector_load %arg10[%get3A_293, %get3A_294, %get3A_295] {strides = array<i32>} : memref<2x80x128xf32, #tpu.memory_space<vmem>>, vector<1x1x16xf32>,
        %get3A_297 = vector.shape_cast %get3A_296 : vector<1x1x16xf32> to vector<16xf32>
        %add3A_298 = arith.addf %get3A_291, %get3A_297 : vector<16xf32>
        %swap3A_299 = arith.constant 0 : i32
        %swap3A_300 = arith.index_cast %swap3A_299 : i32 to index
        %swap3A_301 = arith.index_cast %scan3A_167 : i32 to index
        %swap3A_302 = arith.constant 96 : index
        %swap3A_303 = tpu.vector_load %arg9[%swap3A_300, %swap3A_301, %swap3A_302] {strides = array<i32>} : memref<2x80x128xf32, #tpu.memory_space<vmem>>, vector<1x1x16xf32>,
        %swap3A_304 = vector.shape_cast %swap3A_303 : vector<1x1x16xf32> to vector<16xf32>
        %swap3A_305 = vector.shape_cast %add3A_298 : vector<16xf32> to vector<1x1x16xf32>
        tpu.vector_store %arg9[%swap3A_300, %swap3A_301, %swap3A_302], %swap3A_305 {strides = array<i32>} : memref<2x80x128xf32, #tpu.memory_space<vmem>>, vector<1x1x16xf32>,
        %get3A_306 = arith.constant 0 : i32
        %get3A_307 = arith.index_cast %get3A_306 : i32 to index
        %get3A_308 = arith.index_cast %scan3A_167 : i32 to index
        %get3A_309 = arith.constant 112 : index
        %get3A_310 = tpu.vector_load %arg9[%get3A_307, %get3A_308, %get3A_309] {strides = array<i32>} : memref<2x80x128xf32, #tpu.memory_space<vmem>>, vector<1x1x16xf32>,
        %get3A_311 = vector.shape_cast %get3A_310 : vector<1x1x16xf32> to vector<16xf32>
        %get3A_312 = arith.constant 0 : i32
        %get3A_313 = arith.index_cast %get3A_312 : i32 to index
        %get3A_314 = arith.index_cast %scan3A_167 : i32 to index
        %get3A_315 = arith.constant 112 : index
        %get3A_316 = tpu.vector_load %arg10[%get3A_313, %get3A_314, %get3A_315] {strides = array<i32>} : memref<2x80x128xf32, #tpu.memory_space<vmem>>, vector<1x1x16xf32>,
        %get3A_317 = vector.shape_cast %get3A_316 : vector<1x1x16xf32> to vector<16xf32>
        %add3A_318 = arith.addf %get3A_311, %get3A_317 : vector<16xf32>
        %swap3A_319 = arith.constant 0 : i32
        %swap3A_320 = arith.index_cast %swap3A_319 : i32 to index
        %swap3A_321 = arith.index_cast %scan3A_167 : i32 to index
        %swap3A_322 = arith.constant 112 : index
        %swap3A_323 = tpu.vector_load %arg9[%swap3A_320, %swap3A_321, %swap3A_322] {strides = array<i32>} : memref<2x80x128xf32, #tpu.memory_space<vmem>>, vector<1x1x16xf32>,
        %swap3A_324 = vector.shape_cast %swap3A_323 : vector<1x1x16xf32> to vector<16xf32>
        %swap3A_325 = vector.shape_cast %add3A_318 : vector<16xf32> to vector<1x1x16xf32>
        tpu.vector_store %arg9[%swap3A_320, %swap3A_321, %swap3A_322], %swap3A_325 {strides = array<i32>} : memref<2x80x128xf32, #tpu.memory_space<vmem>>, vector<1x1x16xf32>,
      }
      %scan3A_106 = arith.constant 80 : i32
      %mul3A_107 = arith.constant 80 : i32
      %mul3A_108 = arith.muli %mul3A_56, %mul3A_107 : i32
      %add3A_109 = arith.addi %mul3A_2, %mul3A_108 : i32
      %run_scoped3A_110 = arith.constant 0 : i32
      "tpu.region"() ({
        %run_scoped3A_167 = tpu.sem_alloc : memref<!tpu.dma_semaphore, #tpu.memory_space<semaphore_mem>>
        %dma_start3A_168 = arith.constant 0 : i32
        %dma_start3A_169 = arith.constant 0 : i32
        %dma_start3A_170 = tpu.memref_slice %arg9[%run_scoped3A_110, %dma_start3A_168, %dma_start3A_169] : memref<2x80x128xf32, #tpu.memory_space<vmem>> -> memref<1x80x128xf32, #tpu.memory_space<vmem>>
        %dma_start3A_171 = tpu.memref_squeeze %dma_start3A_170 : memref<1x80x128xf32, #tpu.memory_space<vmem>> -> memref<80x128xf32, #tpu.memory_space<vmem>>
        %dma_start3A_172 = arith.constant 0 : i32
        %dma_start3A_173 = tpu.memref_slice %arg6[%add3A_109, %dma_start3A_172] : memref<320000x128xf32, #tpu.memory_space<hbm>> -> memref<80x128xf32, #tpu.memory_space<hbm>>
        %dma_start3A_174 = arith.constant 0 : i32
        %dma_start3A_175 = tpu.memref_slice %arg6[%add3A_109, %dma_start3A_174] : memref<320000x128xf32, #tpu.memory_space<hbm>> -> memref<80x128xf32, #tpu.memory_space<hbm>>
        %dma_start3A_176 = arith.constant 0 : i32
        %dma_start3A_177 = arith.constant 0 : i32
        %dma_start3A_178 = tpu.memref_slice %arg9[%run_scoped3A_110, %dma_start3A_176, %dma_start3A_177] : memref<2x80x128xf32, #tpu.memory_space<vmem>> -> memref<1x80x128xf32, #tpu.memory_space<vmem>>
        %dma_start3A_179 = tpu.memref_squeeze %dma_start3A_178 : memref<1x80x128xf32, #tpu.memory_space<vmem>> -> memref<80x128xf32, #tpu.memory_space<vmem>>
        tpu.enqueue_dma source(%dma_start3A_179 : memref<80x128xf32, #tpu.memory_space<vmem>>) target(%dma_start3A_175 : memref<80x128xf32, #tpu.memory_space<hbm>>) target_semaphore(%run_scoped3A_167 : memref<!tpu.dma_semaphore, #tpu.memory_space<semaphore_mem>>)
        %dma_wait3A_180 = arith.constant 0 : i32
        %dma_wait3A_181 = arith.constant 0 : i32
        %dma_wait3A_182 = tpu.memref_slice %arg9[%run_scoped3A_110, %dma_wait3A_180, %dma_wait3A_181] : memref<2x80x128xf32, #tpu.memory_space<vmem>> -> memref<1x80x128xf32, #tpu.memory_space<vmem>>
        %dma_wait3A_183 = tpu.memref_squeeze %dma_wait3A_182 : memref<1x80x128xf32, #tpu.memory_space<vmem>> -> memref<80x128xf32, #tpu.memory_space<vmem>>
        %dma_wait3A_184 = arith.constant 0 : i32
        %dma_wait3A_185 = tpu.memref_slice %arg6[%add3A_109, %dma_wait3A_184] : memref<320000x128xf32, #tpu.memory_space<hbm>> -> memref<80x128xf32, #tpu.memory_space<hbm>>
        %dma_wait3A_186 = arith.constant 0 : i32
        %dma_wait3A_187 = tpu.memref_slice %arg6[%add3A_109, %dma_wait3A_186] : memref<320000x128xf32, #tpu.memory_space<hbm>> -> memref<80x128xf32, #tpu.memory_space<hbm>>
        %dma_wait3A_188 = arith.constant 0 : i32
        %dma_wait3A_189 = arith.constant 0 : i32
        %dma_wait3A_190 = tpu.memref_slice %arg9[%run_scoped3A_110, %dma_wait3A_188, %dma_wait3A_189] : memref<2x80x128xf32, #tpu.memory_space<vmem>> -> memref<1x80x128xf32, #tpu.memory_space<vmem>>
        %dma_wait3A_191 = tpu.memref_squeeze %dma_wait3A_190 : memref<1x80x128xf32, #tpu.memory_space<vmem>> -> memref<80x128xf32, #tpu.memory_space<vmem>>
        tpu.wait_dma2 semaphore(%run_scoped3A_167 : memref<!tpu.dma_semaphore, #tpu.memory_space<semaphore_mem>>) src(%dma_wait3A_191 : memref<80x128xf32, #tpu.memory_space<vmem>>) dst(%dma_wait3A_187 : memref<80x128xf32, #tpu.memory_space<hbm>>)
        tpu.yield
      }) : () -> ()
      %add3A_111 = arith.constant 2 : i32
      %add3A_112 = arith.addi %mul3A_56, %add3A_111 : i32
      %mul3A_113 = arith.constant 80 : i32
      %mul3A_114 = arith.muli %add3A_112, %mul3A_113 : i32
      %dma_start3A_115 = arith.constant 0 : i32
      %dma_start3A_116 = arith.constant 0 : i32
      %dma_start3A_117 = arith.constant 0 : i32
      %dma_start3A_118 = tpu.memref_slice %arg9[%dma_start3A_115, %dma_start3A_116, %dma_start3A_117] : memref<2x80x128xf32, #tpu.memory_space<vmem>> -> memref<1x80x128xf32, #tpu.memory_space<vmem>>
      %dma_start3A_119 = tpu.memref_squeeze %dma_start3A_118 : memref<1x80x128xf32, #tpu.memory_space<vmem>> -> memref<80x128xf32, #tpu.memory_space<vmem>>
      %dma_start3A_120 = tpu.memref_slice %arg7[%mul3A_114] : memref<10000xi32, #tpu.memory_space<vmem>> -> memref<80xi32, #tpu.memory_space<vmem>>
      %dma_start3A_121 = arith.constant 0 : i32
      %dma_start3A_122 = arith.constant 0 : i32
      %dma_start3A_123 = tpu.memref_slice %arg2[%dma_start3A_121, %dma_start3A_122] : memref<10000x128xf32, #tpu.memory_space<hbm>> -> memref<10000x128xf32, #tpu.memory_space<hbm>>
      tpu.enqueue_indirect_dma source(%dma_start3A_123 : memref<10000x128xf32, #tpu.memory_space<hbm>>) target(%dma_start3A_119 : memref<80x128xf32, #tpu.memory_space<vmem>>) offsets(%dma_start3A_120 : memref<80xi32, #tpu.memory_space<vmem>>) semaphore(%arg11 : memref<!tpu.dma_semaphore, #tpu.memory_space<semaphore_mem>>)
      %mul3A_124 = arith.constant 80 : i32
      %mul3A_125 = arith.muli %add3A_112, %mul3A_124 : i32
      %dma_start3A_126 = arith.constant 0 : i32
      %dma_start3A_127 = arith.constant 0 : i32
      %dma_start3A_128 = arith.constant 0 : i32
      %dma_start3A_129 = tpu.memref_slice %arg10[%dma_start3A_126, %dma_start3A_127, %dma_start3A_128] : memref<2x80x128xf32, #tpu.memory_space<vmem>> -> memref<1x80x128xf32, #tpu.memory_space<vmem>>
      %dma_start3A_130 = tpu.memref_squeeze %dma_start3A_129 : memref<1x80x128xf32, #tpu.memory_space<vmem>> -> memref<80x128xf32, #tpu.memory_space<vmem>>
      %dma_start3A_131 = tpu.memref_slice %arg8[%mul3A_125] : memref<10000xi32, #tpu.memory_space<vmem>> -> memref<80xi32, #tpu.memory_space<vmem>>
      %dma_start3A_132 = arith.constant 0 : i32
      %dma_start3A_133 = arith.constant 0 : i32
      %dma_start3A_134 = tpu.memref_slice %arg3[%dma_start3A_132, %dma_start3A_133] : memref<200x128xf32, #tpu.memory_space<hbm>> -> memref<200x128xf32, #tpu.memory_space<hbm>>
      tpu.enqueue_indirect_dma source(%dma_start3A_134 : memref<200x128xf32, #tpu.memory_space<hbm>>) target(%dma_start3A_130 : memref<80x128xf32, #tpu.memory_space<vmem>>) offsets(%dma_start3A_131 : memref<80xi32, #tpu.memory_space<vmem>>) semaphore(%arg12 : memref<!tpu.dma_semaphore, #tpu.memory_space<semaphore_mem>>)
      %dma_wait3A_135 = arith.constant 1 : i32
      %dma_wait3A_136 = arith.constant 0 : i32
      %dma_wait3A_137 = arith.constant 0 : i32
      %dma_wait3A_138 = tpu.memref_slice %arg9[%dma_wait3A_135, %dma_wait3A_136, %dma_wait3A_137] : memref<2x80x128xf32, #tpu.memory_space<vmem>> -> memref<1x80x128xf32, #tpu.memory_space<vmem>>
      %dma_wait3A_139 = tpu.memref_squeeze %dma_wait3A_138 : memref<1x80x128xf32, #tpu.memory_space<vmem>> -> memref<80x128xf32, #tpu.memory_space<vmem>>
      %dma_wait3A_140 = arith.constant 0 : i32
      %dma_wait3A_141 = tpu.memref_slice %arg7[%dma_wait3A_140] : memref<10000xi32, #tpu.memory_space<vmem>> -> memref<80xi32, #tpu.memory_space<vmem>>
      %dma_wait3A_142 = arith.constant 0 : i32
      %dma_wait3A_143 = arith.constant 0 : i32
      %dma_wait3A_144 = tpu.memref_slice %arg2[%dma_wait3A_142, %dma_wait3A_143] : memref<10000x128xf32, #tpu.memory_space<hbm>> -> memref<10000x128xf32, #tpu.memory_space<hbm>>
      tpu.wait_indirect_dma semaphore(%arg11 : memref<!tpu.dma_semaphore, #tpu.memory_space<semaphore_mem>>) src(%dma_wait3A_144 : memref<10000x128xf32, #tpu.memory_space<hbm>>) dst(%dma_wait3A_139 : memref<80x128xf32, #tpu.memory_space<vmem>>)
      %dma_wait3A_145 = arith.constant 1 : i32
      %dma_wait3A_146 = arith.constant 0 : i32
      %dma_wait3A_147 = arith.constant 0 : i32
      %dma_wait3A_148 = tpu.memref_slice %arg10[%dma_wait3A_145, %dma_wait3A_146, %dma_wait3A_147] : memref<2x80x128xf32, #tpu.memory_space<vmem>> -> memref<1x80x128xf32, #tpu.memory_space<vmem>>
      %dma_wait3A_149 = tpu.memref_squeeze %dma_wait3A_148 : memref<1x80x128xf32, #tpu.memory_space<vmem>> -> memref<80x128xf32, #tpu.memory_space<vmem>>
      %dma_wait3A_150 = arith.constant 0 : i32
      %dma_wait3A_151 = tpu.memref_slice %arg8[%dma_wait3A_150] : memref<10000xi32, #tpu.memory_space<vmem>> -> memref<80xi32, #tpu.memory_space<vmem>>
      %dma_wait3A_152 = arith.constant 0 : i32
      %dma_wait3A_153 = arith.constant 0 : i32
      %dma_wait3A_154 = tpu.memref_slice %arg3[%dma_wait3A_152, %dma_wait3A_153] : memref<200x128xf32, #tpu.memory_space<hbm>> -> memref<200x128xf32, #tpu.memory_space<hbm>>
      tpu.wait_indirect_dma semaphore(%arg12 : memref<!tpu.dma_semaphore, #tpu.memory_space<semaphore_mem>>) src(%dma_wait3A_154 : memref<200x128xf32, #tpu.memory_space<hbm>>) dst(%dma_wait3A_149 : memref<80x128xf32, #tpu.memory_space<vmem>>)
      %add3A_155 = arith.constant 1 : i32
      %add3A_156 = arith.addi %mul3A_56, %add3A_155 : i32
      %scan3A_157 = arith.constant 0 : i32
      %scan3A_158 = arith.constant 0 : i32
      %scan3A_159 = arith.constant 80 : i32
      %scan3A_160 = arith.addi %scan3A_158, %scan3A_159 : i32
      %scan3A_161 = arith.constant 1 : i32
      scf.for %scan3A_167 = %scan3A_158 to %scan3A_160 step %scan3A_161  : i32 {
        %get3A = arith.constant 1 : i32
        %get3A_168 = arith.index_cast %get3A : i32 to index
        %get3A_169 = arith.index_cast %scan3A_167 : i32 to index
        %get3A_170 = arith.constant 0 : index
        %get3A_171 = tpu.vector_load %arg9[%get3A_168, %get3A_169, %get3A_170] {strides = array<i32>} : memref<2x80x128xf32, #tpu.memory_space<vmem>>, vector<1x1x16xf32>,
        %get3A_172 = vector.shape_cast %get3A_171 : vector<1x1x16xf32> to vector<16xf32>
        %get3A_173 = arith.constant 1 : i32
        %get3A_174 = arith.index_cast %get3A_173 : i32 to index
        %get3A_175 = arith.index_cast %scan3A_167 : i32 to index
        %get3A_176 = arith.constant 0 : index
        %get3A_177 = tpu.vector_load %arg10[%get3A_174, %get3A_175, %get3A_176] {strides = array<i32>} : memref<2x80x128xf32, #tpu.memory_space<vmem>>, vector<1x1x16xf32>,
        %get3A_178 = vector.shape_cast %get3A_177 : vector<1x1x16xf32> to vector<16xf32>
        %add3A_179 = arith.addf %get3A_172, %get3A_178 : vector<16xf32>
        %swap3A = arith.constant 1 : i32
        %swap3A_180 = arith.index_cast %swap3A : i32 to index
        %swap3A_181 = arith.index_cast %scan3A_167 : i32 to index
        %swap3A_182 = arith.constant 0 : index
        %swap3A_183 = tpu.vector_load %arg9[%swap3A_180, %swap3A_181, %swap3A_182] {strides = array<i32>} : memref<2x80x128xf32, #tpu.memory_space<vmem>>, vector<1x1x16xf32>,
        %swap3A_184 = vector.shape_cast %swap3A_183 : vector<1x1x16xf32> to vector<16xf32>
        %swap3A_185 = vector.shape_cast %add3A_179 : vector<16xf32> to vector<1x1x16xf32>
        tpu.vector_store %arg9[%swap3A_180, %swap3A_181, %swap3A_182], %swap3A_185 {strides = array<i32>} : memref<2x80x128xf32, #tpu.memory_space<vmem>>, vector<1x1x16xf32>,
        %get3A_186 = arith.constant 1 : i32
        %get3A_187 = arith.index_cast %get3A_186 : i32 to index
        %get3A_188 = arith.index_cast %scan3A_167 : i32 to index
        %get3A_189 = arith.constant 16 : index
        %get3A_190 = tpu.vector_load %arg9[%get3A_187, %get3A_188, %get3A_189] {strides = array<i32>} : memref<2x80x128xf32, #tpu.memory_space<vmem>>, vector<1x1x16xf32>,
        %get3A_191 = vector.shape_cast %get3A_190 : vector<1x1x16xf32> to vector<16xf32>
        %get3A_192 = arith.constant 1 : i32
        %get3A_193 = arith.index_cast %get3A_192 : i32 to index
        %get3A_194 = arith.index_cast %scan3A_167 : i32 to index
        %get3A_195 = arith.constant 16 : index
        %get3A_196 = tpu.vector_load %arg10[%get3A_193, %get3A_194, %get3A_195] {strides = array<i32>} : memref<2x80x128xf32, #tpu.memory_space<vmem>>, vector<1x1x16xf32>,
        %get3A_197 = vector.shape_cast %get3A_196 : vector<1x1x16xf32> to vector<16xf32>
        %add3A_198 = arith.addf %get3A_191, %get3A_197 : vector<16xf32>
        %swap3A_199 = arith.constant 1 : i32
        %swap3A_200 = arith.index_cast %swap3A_199 : i32 to index
        %swap3A_201 = arith.index_cast %scan3A_167 : i32 to index
        %swap3A_202 = arith.constant 16 : index
        %swap3A_203 = tpu.vector_load %arg9[%swap3A_200, %swap3A_201, %swap3A_202] {strides = array<i32>} : memref<2x80x128xf32, #tpu.memory_space<vmem>>, vector<1x1x16xf32>,
        %swap3A_204 = vector.shape_cast %swap3A_203 : vector<1x1x16xf32> to vector<16xf32>
        %swap3A_205 = vector.shape_cast %add3A_198 : vector<16xf32> to vector<1x1x16xf32>
        tpu.vector_store %arg9[%swap3A_200, %swap3A_201, %swap3A_202], %swap3A_205 {strides = array<i32>} : memref<2x80x128xf32, #tpu.memory_space<vmem>>, vector<1x1x16xf32>,
        %get3A_206 = arith.constant 1 : i32
        %get3A_207 = arith.index_cast %get3A_206 : i32 to index
        %get3A_208 = arith.index_cast %scan3A_167 : i32 to index
        %get3A_209 = arith.constant 32 : index
        %get3A_210 = tpu.vector_load %arg9[%get3A_207, %get3A_208, %get3A_209] {strides = array<i32>} : memref<2x80x128xf32, #tpu.memory_space<vmem>>, vector<1x1x16xf32>,
        %get3A_211 = vector.shape_cast %get3A_210 : vector<1x1x16xf32> to vector<16xf32>
        %get3A_212 = arith.constant 1 : i32
        %get3A_213 = arith.index_cast %get3A_212 : i32 to index
        %get3A_214 = arith.index_cast %scan3A_167 : i32 to index
        %get3A_215 = arith.constant 32 : index
        %get3A_216 = tpu.vector_load %arg10[%get3A_213, %get3A_214, %get3A_215] {strides = array<i32>} : memref<2x80x128xf32, #tpu.memory_space<vmem>>, vector<1x1x16xf32>,
        %get3A_217 = vector.shape_cast %get3A_216 : vector<1x1x16xf32> to vector<16xf32>
        %add3A_218 = arith.addf %get3A_211, %get3A_217 : vector<16xf32>
        %swap3A_219 = arith.constant 1 : i32
        %swap3A_220 = arith.index_cast %swap3A_219 : i32 to index
        %swap3A_221 = arith.index_cast %scan3A_167 : i32 to index
        %swap3A_222 = arith.constant 32 : index
        %swap3A_223 = tpu.vector_load %arg9[%swap3A_220, %swap3A_221, %swap3A_222] {strides = array<i32>} : memref<2x80x128xf32, #tpu.memory_space<vmem>>, vector<1x1x16xf32>,
        %swap3A_224 = vector.shape_cast %swap3A_223 : vector<1x1x16xf32> to vector<16xf32>
        %swap3A_225 = vector.shape_cast %add3A_218 : vector<16xf32> to vector<1x1x16xf32>
        tpu.vector_store %arg9[%swap3A_220, %swap3A_221, %swap3A_222], %swap3A_225 {strides = array<i32>} : memref<2x80x128xf32, #tpu.memory_space<vmem>>, vector<1x1x16xf32>,
        %get3A_226 = arith.constant 1 : i32
        %get3A_227 = arith.index_cast %get3A_226 : i32 to index
        %get3A_228 = arith.index_cast %scan3A_167 : i32 to index
        %get3A_229 = arith.constant 48 : index
        %get3A_230 = tpu.vector_load %arg9[%get3A_227, %get3A_228, %get3A_229] {strides = array<i32>} : memref<2x80x128xf32, #tpu.memory_space<vmem>>, vector<1x1x16xf32>,
        %get3A_231 = vector.shape_cast %get3A_230 : vector<1x1x16xf32> to vector<16xf32>
        %get3A_232 = arith.constant 1 : i32
        %get3A_233 = arith.index_cast %get3A_232 : i32 to index
        %get3A_234 = arith.index_cast %scan3A_167 : i32 to index
        %get3A_235 = arith.constant 48 : index
        %get3A_236 = tpu.vector_load %arg10[%get3A_233, %get3A_234, %get3A_235] {strides = array<i32>} : memref<2x80x128xf32, #tpu.memory_space<vmem>>, vector<1x1x16xf32>,
        %get3A_237 = vector.shape_cast %get3A_236 : vector<1x1x16xf32> to vector<16xf32>
        %add3A_238 = arith.addf %get3A_231, %get3A_237 : vector<16xf32>
        %swap3A_239 = arith.constant 1 : i32
        %swap3A_240 = arith.index_cast %swap3A_239 : i32 to index
        %swap3A_241 = arith.index_cast %scan3A_167 : i32 to index
        %swap3A_242 = arith.constant 48 : index
        %swap3A_243 = tpu.vector_load %arg9[%swap3A_240, %swap3A_241, %swap3A_242] {strides = array<i32>} : memref<2x80x128xf32, #tpu.memory_space<vmem>>, vector<1x1x16xf32>,
        %swap3A_244 = vector.shape_cast %swap3A_243 : vector<1x1x16xf32> to vector<16xf32>
        %swap3A_245 = vector.shape_cast %add3A_238 : vector<16xf32> to vector<1x1x16xf32>
        tpu.vector_store %arg9[%swap3A_240, %swap3A_241, %swap3A_242], %swap3A_245 {strides = array<i32>} : memref<2x80x128xf32, #tpu.memory_space<vmem>>, vector<1x1x16xf32>,
        %get3A_246 = arith.constant 1 : i32
        %get3A_247 = arith.index_cast %get3A_246 : i32 to index
        %get3A_248 = arith.index_cast %scan3A_167 : i32 to index
        %get3A_249 = arith.constant 64 : index
        %get3A_250 = tpu.vector_load %arg9[%get3A_247, %get3A_248, %get3A_249] {strides = array<i32>} : memref<2x80x128xf32, #tpu.memory_space<vmem>>, vector<1x1x16xf32>,
        %get3A_251 = vector.shape_cast %get3A_250 : vector<1x1x16xf32> to vector<16xf32>
        %get3A_252 = arith.constant 1 : i32
        %get3A_253 = arith.index_cast %get3A_252 : i32 to index
        %get3A_254 = arith.index_cast %scan3A_167 : i32 to index
        %get3A_255 = arith.constant 64 : index
        %get3A_256 = tpu.vector_load %arg10[%get3A_253, %get3A_254, %get3A_255] {strides = array<i32>} : memref<2x80x128xf32, #tpu.memory_space<vmem>>, vector<1x1x16xf32>,
        %get3A_257 = vector.shape_cast %get3A_256 : vector<1x1x16xf32> to vector<16xf32>
        %add3A_258 = arith.addf %get3A_251, %get3A_257 : vector<16xf32>
        %swap3A_259 = arith.constant 1 : i32
        %swap3A_260 = arith.index_cast %swap3A_259 : i32 to index
        %swap3A_261 = arith.index_cast %scan3A_167 : i32 to index
        %swap3A_262 = arith.constant 64 : index
        %swap3A_263 = tpu.vector_load %arg9[%swap3A_260, %swap3A_261, %swap3A_262] {strides = array<i32>} : memref<2x80x128xf32, #tpu.memory_space<vmem>>, vector<1x1x16xf32>,
        %swap3A_264 = vector.shape_cast %swap3A_263 : vector<1x1x16xf32> to vector<16xf32>
        %swap3A_265 = vector.shape_cast %add3A_258 : vector<16xf32> to vector<1x1x16xf32>
        tpu.vector_store %arg9[%swap3A_260, %swap3A_261, %swap3A_262], %swap3A_265 {strides = array<i32>} : memref<2x80x128xf32, #tpu.memory_space<vmem>>, vector<1x1x16xf32>,
        %get3A_266 = arith.constant 1 : i32
        %get3A_267 = arith.index_cast %get3A_266 : i32 to index
        %get3A_268 = arith.index_cast %scan3A_167 : i32 to index
        %get3A_269 = arith.constant 80 : index
        %get3A_270 = tpu.vector_load %arg9[%get3A_267, %get3A_268, %get3A_269] {strides = array<i32>} : memref<2x80x128xf32, #tpu.memory_space<vmem>>, vector<1x1x16xf32>,
        %get3A_271 = vector.shape_cast %get3A_270 : vector<1x1x16xf32> to vector<16xf32>
        %get3A_272 = arith.constant 1 : i32
        %get3A_273 = arith.index_cast %get3A_272 : i32 to index
        %get3A_274 = arith.index_cast %scan3A_167 : i32 to index
        %get3A_275 = arith.constant 80 : index
        %get3A_276 = tpu.vector_load %arg10[%get3A_273, %get3A_274, %get3A_275] {strides = array<i32>} : memref<2x80x128xf32, #tpu.memory_space<vmem>>, vector<1x1x16xf32>,
        %get3A_277 = vector.shape_cast %get3A_276 : vector<1x1x16xf32> to vector<16xf32>
        %add3A_278 = arith.addf %get3A_271, %get3A_277 : vector<16xf32>
        %swap3A_279 = arith.constant 1 : i32
        %swap3A_280 = arith.index_cast %swap3A_279 : i32 to index
        %swap3A_281 = arith.index_cast %scan3A_167 : i32 to index
        %swap3A_282 = arith.constant 80 : index
        %swap3A_283 = tpu.vector_load %arg9[%swap3A_280, %swap3A_281, %swap3A_282] {strides = array<i32>} : memref<2x80x128xf32, #tpu.memory_space<vmem>>, vector<1x1x16xf32>,
        %swap3A_284 = vector.shape_cast %swap3A_283 : vector<1x1x16xf32> to vector<16xf32>
        %swap3A_285 = vector.shape_cast %add3A_278 : vector<16xf32> to vector<1x1x16xf32>
        tpu.vector_store %arg9[%swap3A_280, %swap3A_281, %swap3A_282], %swap3A_285 {strides = array<i32>} : memref<2x80x128xf32, #tpu.memory_space<vmem>>, vector<1x1x16xf32>,
        %get3A_286 = arith.constant 1 : i32
        %get3A_287 = arith.index_cast %get3A_286 : i32 to index
        %get3A_288 = arith.index_cast %scan3A_167 : i32 to index
        %get3A_289 = arith.constant 96 : index
        %get3A_290 = tpu.vector_load %arg9[%get3A_287, %get3A_288, %get3A_289] {strides = array<i32>} : memref<2x80x128xf32, #tpu.memory_space<vmem>>, vector<1x1x16xf32>,
        %get3A_291 = vector.shape_cast %get3A_290 : vector<1x1x16xf32> to vector<16xf32>
        %get3A_292 = arith.constant 1 : i32
        %get3A_293 = arith.index_cast %get3A_292 : i32 to index
        %get3A_294 = arith.index_cast %scan3A_167 : i32 to index
        %get3A_295 = arith.constant 96 : index
        %get3A_296 = tpu.vector_load %arg10[%get3A_293, %get3A_294, %get3A_295] {strides = array<i32>} : memref<2x80x128xf32, #tpu.memory_space<vmem>>, vector<1x1x16xf32>,
        %get3A_297 = vector.shape_cast %get3A_296 : vector<1x1x16xf32> to vector<16xf32>
        %add3A_298 = arith.addf %get3A_291, %get3A_297 : vector<16xf32>
        %swap3A_299 = arith.constant 1 : i32
        %swap3A_300 = arith.index_cast %swap3A_299 : i32 to index
        %swap3A_301 = arith.index_cast %scan3A_167 : i32 to index
        %swap3A_302 = arith.constant 96 : index
        %swap3A_303 = tpu.vector_load %arg9[%swap3A_300, %swap3A_301, %swap3A_302] {strides = array<i32>} : memref<2x80x128xf32, #tpu.memory_space<vmem>>, vector<1x1x16xf32>,
        %swap3A_304 = vector.shape_cast %swap3A_303 : vector<1x1x16xf32> to vector<16xf32>
        %swap3A_305 = vector.shape_cast %add3A_298 : vector<16xf32> to vector<1x1x16xf32>
        tpu.vector_store %arg9[%swap3A_300, %swap3A_301, %swap3A_302], %swap3A_305 {strides = array<i32>} : memref<2x80x128xf32, #tpu.memory_space<vmem>>, vector<1x1x16xf32>,
        %get3A_306 = arith.constant 1 : i32
        %get3A_307 = arith.index_cast %get3A_306 : i32 to index
        %get3A_308 = arith.index_cast %scan3A_167 : i32 to index
        %get3A_309 = arith.constant 112 : index
        %get3A_310 = tpu.vector_load %arg9[%get3A_307, %get3A_308, %get3A_309] {strides = array<i32>} : memref<2x80x128xf32, #tpu.memory_space<vmem>>, vector<1x1x16xf32>,
        %get3A_311 = vector.shape_cast %get3A_310 : vector<1x1x16xf32> to vector<16xf32>
        %get3A_312 = arith.constant 1 : i32
        %get3A_313 = arith.index_cast %get3A_312 : i32 to index
        %get3A_314 = arith.index_cast %scan3A_167 : i32 to index
        %get3A_315 = arith.constant 112 : index
        %get3A_316 = tpu.vector_load %arg10[%get3A_313, %get3A_314, %get3A_315] {strides = array<i32>} : memref<2x80x128xf32, #tpu.memory_space<vmem>>, vector<1x1x16xf32>,
        %get3A_317 = vector.shape_cast %get3A_316 : vector<1x1x16xf32> to vector<16xf32>
        %add3A_318 = arith.addf %get3A_311, %get3A_317 : vector<16xf32>
        %swap3A_319 = arith.constant 1 : i32
        %swap3A_320 = arith.index_cast %swap3A_319 : i32 to index
        %swap3A_321 = arith.index_cast %scan3A_167 : i32 to index
        %swap3A_322 = arith.constant 112 : index
        %swap3A_323 = tpu.vector_load %arg9[%swap3A_320, %swap3A_321, %swap3A_322] {strides = array<i32>} : memref<2x80x128xf32, #tpu.memory_space<vmem>>, vector<1x1x16xf32>,
        %swap3A_324 = vector.shape_cast %swap3A_323 : vector<1x1x16xf32> to vector<16xf32>
        %swap3A_325 = vector.shape_cast %add3A_318 : vector<16xf32> to vector<1x1x16xf32>
        tpu.vector_store %arg9[%swap3A_320, %swap3A_321, %swap3A_322], %swap3A_325 {strides = array<i32>} : memref<2x80x128xf32, #tpu.memory_space<vmem>>, vector<1x1x16xf32>,
      }
      %scan3A_162 = arith.constant 80 : i32
      %mul3A_163 = arith.constant 80 : i32
      %mul3A_164 = arith.muli %add3A_156, %mul3A_163 : i32
      %add3A_165 = arith.addi %mul3A_2, %mul3A_164 : i32
      %run_scoped3A_166 = arith.constant 1 : i32
      "tpu.region"() ({
        %run_scoped3A_167 = tpu.sem_alloc : memref<!tpu.dma_semaphore, #tpu.memory_space<semaphore_mem>>
        %dma_start3A_168 = arith.constant 0 : i32
        %dma_start3A_169 = arith.constant 0 : i32
        %dma_start3A_170 = tpu.memref_slice %arg9[%run_scoped3A_166, %dma_start3A_168, %dma_start3A_169] : memref<2x80x128xf32, #tpu.memory_space<vmem>> -> memref<1x80x128xf32, #tpu.memory_space<vmem>>
        %dma_start3A_171 = tpu.memref_squeeze %dma_start3A_170 : memref<1x80x128xf32, #tpu.memory_space<vmem>> -> memref<80x128xf32, #tpu.memory_space<vmem>>
        %dma_start3A_172 = arith.constant 0 : i32
        %dma_start3A_173 = tpu.memref_slice %arg6[%add3A_165, %dma_start3A_172] : memref<320000x128xf32, #tpu.memory_space<hbm>> -> memref<80x128xf32, #tpu.memory_space<hbm>>
        %dma_start3A_174 = arith.constant 0 : i32
        %dma_start3A_175 = tpu.memref_slice %arg6[%add3A_165, %dma_start3A_174] : memref<320000x128xf32, #tpu.memory_space<hbm>> -> memref<80x128xf32, #tpu.memory_space<hbm>>
        %dma_start3A_176 = arith.constant 0 : i32
        %dma_start3A_177 = arith.constant 0 : i32
        %dma_start3A_178 = tpu.memref_slice %arg9[%run_scoped3A_166, %dma_start3A_176, %dma_start3A_177] : memref<2x80x128xf32, #tpu.memory_space<vmem>> -> memref<1x80x128xf32, #tpu.memory_space<vmem>>
        %dma_start3A_179 = tpu.memref_squeeze %dma_start3A_178 : memref<1x80x128xf32, #tpu.memory_space<vmem>> -> memref<80x128xf32, #tpu.memory_space<vmem>>
        tpu.enqueue_dma source(%dma_start3A_179 : memref<80x128xf32, #tpu.memory_space<vmem>>) target(%dma_start3A_175 : memref<80x128xf32, #tpu.memory_space<hbm>>) target_semaphore(%run_scoped3A_167 : memref<!tpu.dma_semaphore, #tpu.memory_space<semaphore_mem>>)
        %dma_wait3A_180 = arith.constant 0 : i32
        %dma_wait3A_181 = arith.constant 0 : i32
        %dma_wait3A_182 = tpu.memref_slice %arg9[%run_scoped3A_166, %dma_wait3A_180, %dma_wait3A_181] : memref<2x80x128xf32, #tpu.memory_space<vmem>> -> memref<1x80x128xf32, #tpu.memory_space<vmem>>
        %dma_wait3A_183 = tpu.memref_squeeze %dma_wait3A_182 : memref<1x80x128xf32, #tpu.memory_space<vmem>> -> memref<80x128xf32, #tpu.memory_space<vmem>>
        %dma_wait3A_184 = arith.constant 0 : i32
        %dma_wait3A_185 = tpu.memref_slice %arg6[%add3A_165, %dma_wait3A_184] : memref<320000x128xf32, #tpu.memory_space<hbm>> -> memref<80x128xf32, #tpu.memory_space<hbm>>
        %dma_wait3A_186 = arith.constant 0 : i32
        %dma_wait3A_187 = tpu.memref_slice %arg6[%add3A_165, %dma_wait3A_186] : memref<320000x128xf32, #tpu.memory_space<hbm>> -> memref<80x128xf32, #tpu.memory_space<hbm>>
        %dma_wait3A_188 = arith.constant 0 : i32
        %dma_wait3A_189 = arith.constant 0 : i32
        %dma_wait3A_190 = tpu.memref_slice %arg9[%run_scoped3A_166, %dma_wait3A_188, %dma_wait3A_189] : memref<2x80x128xf32, #tpu.memory_space<vmem>> -> memref<1x80x128xf32, #tpu.memory_space<vmem>>
        %dma_wait3A_191 = tpu.memref_squeeze %dma_wait3A_190 : memref<1x80x128xf32, #tpu.memory_space<vmem>> -> memref<80x128xf32, #tpu.memory_space<vmem>>
        tpu.wait_dma2 semaphore(%run_scoped3A_167 : memref<!tpu.dma_semaphore, #tpu.memory_space<semaphore_mem>>) src(%dma_wait3A_191 : memref<80x128xf32, #tpu.memory_space<vmem>>) dst(%dma_wait3A_187 : memref<80x128xf32, #tpu.memory_space<hbm>>)
        tpu.yield
      }) : () -> ()
    }
    %scan3A_26 = arith.constant 62 : i32
    %dma_wait3A = arith.constant 0 : i32
    %dma_wait3A_27 = arith.constant 0 : i32
    %dma_wait3A_28 = arith.constant 0 : i32
    %dma_wait3A_29 = tpu.memref_slice %arg9[%dma_wait3A, %dma_wait3A_27, %dma_wait3A_28] : memref<2x80x128xf32, #tpu.memory_space<vmem>> -> memref<1x80x128xf32, #tpu.memory_space<vmem>>
    %dma_wait3A_30 = tpu.memref_squeeze %dma_wait3A_29 : memref<1x80x128xf32, #tpu.memory_space<vmem>> -> memref<80x128xf32, #tpu.memory_space<vmem>>
    %dma_wait3A_31 = arith.constant 0 : i32
    %dma_wait3A_32 = tpu.memref_slice %arg7[%dma_wait3A_31] : memref<10000xi32, #tpu.memory_space<vmem>> -> memref<80xi32, #tpu.memory_space<vmem>>
    %dma_wait3A_33 = arith.constant 0 : i32
    %dma_wait3A_34 = arith.constant 0 : i32
    %dma_wait3A_35 = tpu.memref_slice %arg2[%dma_wait3A_33, %dma_wait3A_34] : memref<10000x128xf32, #tpu.memory_space<hbm>> -> memref<10000x128xf32, #tpu.memory_space<hbm>>
    tpu.wait_indirect_dma semaphore(%arg11 : memref<!tpu.dma_semaphore, #tpu.memory_space<semaphore_mem>>) src(%dma_wait3A_35 : memref<10000x128xf32, #tpu.memory_space<hbm>>) dst(%dma_wait3A_30 : memref<80x128xf32, #tpu.memory_space<vmem>>)
    %dma_wait3A_36 = arith.constant 0 : i32
    %dma_wait3A_37 = arith.constant 0 : i32
    %dma_wait3A_38 = arith.constant 0 : i32
    %dma_wait3A_39 = tpu.memref_slice %arg10[%dma_wait3A_36, %dma_wait3A_37, %dma_wait3A_38] : memref<2x80x128xf32, #tpu.memory_space<vmem>> -> memref<1x80x128xf32, #tpu.memory_space<vmem>>
    %dma_wait3A_40 = tpu.memref_squeeze %dma_wait3A_39 : memref<1x80x128xf32, #tpu.memory_space<vmem>> -> memref<80x128xf32, #tpu.memory_space<vmem>>
    %dma_wait3A_41 = arith.constant 0 : i32
    %dma_wait3A_42 = tpu.memref_slice %arg8[%dma_wait3A_41] : memref<10000xi32, #tpu.memory_space<vmem>> -> memref<80xi32, #tpu.memory_space<vmem>>
    %dma_wait3A_43 = arith.constant 0 : i32
    %dma_wait3A_44 = arith.constant 0 : i32
    %dma_wait3A_45 = tpu.memref_slice %arg3[%dma_wait3A_43, %dma_wait3A_44] : memref<200x128xf32, #tpu.memory_space<hbm>> -> memref<200x128xf32, #tpu.memory_space<hbm>>
    tpu.wait_indirect_dma semaphore(%arg12 : memref<!tpu.dma_semaphore, #tpu.memory_space<semaphore_mem>>) src(%dma_wait3A_45 : memref<200x128xf32, #tpu.memory_space<hbm>>) dst(%dma_wait3A_40 : memref<80x128xf32, #tpu.memory_space<vmem>>)
    %scan3A_46 = arith.constant 0 : i32
    %scan3A_47 = arith.constant 0 : i32
    %scan3A_48 = arith.constant 80 : i32
    %scan3A_49 = arith.addi %scan3A_47, %scan3A_48 : i32
    %scan3A_50 = arith.constant 1 : i32
    scf.for %scan3A_54 = %scan3A_47 to %scan3A_49 step %scan3A_50  : i32 {
      %get3A = arith.constant 0 : i32
      %get3A_55 = arith.index_cast %get3A : i32 to index
      %get3A_56 = arith.index_cast %scan3A_54 : i32 to index
      %get3A_57 = arith.constant 0 : index
      %get3A_58 = tpu.vector_load %arg9[%get3A_55, %get3A_56, %get3A_57] {strides = array<i32>} : memref<2x80x128xf32, #tpu.memory_space<vmem>>, vector<1x1x16xf32>,
      %get3A_59 = vector.shape_cast %get3A_58 : vector<1x1x16xf32> to vector<16xf32>
      %get3A_60 = arith.constant 0 : i32
      %get3A_61 = arith.index_cast %get3A_60 : i32 to index
      %get3A_62 = arith.index_cast %scan3A_54 : i32 to index
      %get3A_63 = arith.constant 0 : index
      %get3A_64 = tpu.vector_load %arg10[%get3A_61, %get3A_62, %get3A_63] {strides = array<i32>} : memref<2x80x128xf32, #tpu.memory_space<vmem>>, vector<1x1x16xf32>,
      %get3A_65 = vector.shape_cast %get3A_64 : vector<1x1x16xf32> to vector<16xf32>
      %add3A_66 = arith.addf %get3A_59, %get3A_65 : vector<16xf32>
      %swap3A = arith.constant 0 : i32
      %swap3A_67 = arith.index_cast %swap3A : i32 to index
      %swap3A_68 = arith.index_cast %scan3A_54 : i32 to index
      %swap3A_69 = arith.constant 0 : index
      %swap3A_70 = tpu.vector_load %arg9[%swap3A_67, %swap3A_68, %swap3A_69] {strides = array<i32>} : memref<2x80x128xf32, #tpu.memory_space<vmem>>, vector<1x1x16xf32>,
      %swap3A_71 = vector.shape_cast %swap3A_70 : vector<1x1x16xf32> to vector<16xf32>
      %swap3A_72 = vector.shape_cast %add3A_66 : vector<16xf32> to vector<1x1x16xf32>
      tpu.vector_store %arg9[%swap3A_67, %swap3A_68, %swap3A_69], %swap3A_72 {strides = array<i32>} : memref<2x80x128xf32, #tpu.memory_space<vmem>>, vector<1x1x16xf32>,
      %get3A_73 = arith.constant 0 : i32
      %get3A_74 = arith.index_cast %get3A_73 : i32 to index
      %get3A_75 = arith.index_cast %scan3A_54 : i32 to index
      %get3A_76 = arith.constant 16 : index
      %get3A_77 = tpu.vector_load %arg9[%get3A_74, %get3A_75, %get3A_76] {strides = array<i32>} : memref<2x80x128xf32, #tpu.memory_space<vmem>>, vector<1x1x16xf32>,
      %get3A_78 = vector.shape_cast %get3A_77 : vector<1x1x16xf32> to vector<16xf32>
      %get3A_79 = arith.constant 0 : i32
      %get3A_80 = arith.index_cast %get3A_79 : i32 to index
      %get3A_81 = arith.index_cast %scan3A_54 : i32 to index
      %get3A_82 = arith.constant 16 : index
      %get3A_83 = tpu.vector_load %arg10[%get3A_80, %get3A_81, %get3A_82] {strides = array<i32>} : memref<2x80x128xf32, #tpu.memory_space<vmem>>, vector<1x1x16xf32>,
      %get3A_84 = vector.shape_cast %get3A_83 : vector<1x1x16xf32> to vector<16xf32>
      %add3A_85 = arith.addf %get3A_78, %get3A_84 : vector<16xf32>
      %swap3A_86 = arith.constant 0 : i32
      %swap3A_87 = arith.index_cast %swap3A_86 : i32 to index
      %swap3A_88 = arith.index_cast %scan3A_54 : i32 to index
      %swap3A_89 = arith.constant 16 : index
      %swap3A_90 = tpu.vector_load %arg9[%swap3A_87, %swap3A_88, %swap3A_89] {strides = array<i32>} : memref<2x80x128xf32, #tpu.memory_space<vmem>>, vector<1x1x16xf32>,
      %swap3A_91 = vector.shape_cast %swap3A_90 : vector<1x1x16xf32> to vector<16xf32>
      %swap3A_92 = vector.shape_cast %add3A_85 : vector<16xf32> to vector<1x1x16xf32>
      tpu.vector_store %arg9[%swap3A_87, %swap3A_88, %swap3A_89], %swap3A_92 {strides = array<i32>} : memref<2x80x128xf32, #tpu.memory_space<vmem>>, vector<1x1x16xf32>,
      %get3A_93 = arith.constant 0 : i32
      %get3A_94 = arith.index_cast %get3A_93 : i32 to index
      %get3A_95 = arith.index_cast %scan3A_54 : i32 to index
      %get3A_96 = arith.constant 32 : index
      %get3A_97 = tpu.vector_load %arg9[%get3A_94, %get3A_95, %get3A_96] {strides = array<i32>} : memref<2x80x128xf32, #tpu.memory_space<vmem>>, vector<1x1x16xf32>,
      %get3A_98 = vector.shape_cast %get3A_97 : vector<1x1x16xf32> to vector<16xf32>
      %get3A_99 = arith.constant 0 : i32
      %get3A_100 = arith.index_cast %get3A_99 : i32 to index
      %get3A_101 = arith.index_cast %scan3A_54 : i32 to index
      %get3A_102 = arith.constant 32 : index
      %get3A_103 = tpu.vector_load %arg10[%get3A_100, %get3A_101, %get3A_102] {strides = array<i32>} : memref<2x80x128xf32, #tpu.memory_space<vmem>>, vector<1x1x16xf32>,
      %get3A_104 = vector.shape_cast %get3A_103 : vector<1x1x16xf32> to vector<16xf32>
      %add3A_105 = arith.addf %get3A_98, %get3A_104 : vector<16xf32>
      %swap3A_106 = arith.constant 0 : i32
      %swap3A_107 = arith.index_cast %swap3A_106 : i32 to index
      %swap3A_108 = arith.index_cast %scan3A_54 : i32 to index
      %swap3A_109 = arith.constant 32 : index
      %swap3A_110 = tpu.vector_load %arg9[%swap3A_107, %swap3A_108, %swap3A_109] {strides = array<i32>} : memref<2x80x128xf32, #tpu.memory_space<vmem>>, vector<1x1x16xf32>,
      %swap3A_111 = vector.shape_cast %swap3A_110 : vector<1x1x16xf32> to vector<16xf32>
      %swap3A_112 = vector.shape_cast %add3A_105 : vector<16xf32> to vector<1x1x16xf32>
      tpu.vector_store %arg9[%swap3A_107, %swap3A_108, %swap3A_109], %swap3A_112 {strides = array<i32>} : memref<2x80x128xf32, #tpu.memory_space<vmem>>, vector<1x1x16xf32>,
      %get3A_113 = arith.constant 0 : i32
      %get3A_114 = arith.index_cast %get3A_113 : i32 to index
      %get3A_115 = arith.index_cast %scan3A_54 : i32 to index
      %get3A_116 = arith.constant 48 : index
      %get3A_117 = tpu.vector_load %arg9[%get3A_114, %get3A_115, %get3A_116] {strides = array<i32>} : memref<2x80x128xf32, #tpu.memory_space<vmem>>, vector<1x1x16xf32>,
      %get3A_118 = vector.shape_cast %get3A_117 : vector<1x1x16xf32> to vector<16xf32>
      %get3A_119 = arith.constant 0 : i32
      %get3A_120 = arith.index_cast %get3A_119 : i32 to index
      %get3A_121 = arith.index_cast %scan3A_54 : i32 to index
      %get3A_122 = arith.constant 48 : index
      %get3A_123 = tpu.vector_load %arg10[%get3A_120, %get3A_121, %get3A_122] {strides = array<i32>} : memref<2x80x128xf32, #tpu.memory_space<vmem>>, vector<1x1x16xf32>,
      %get3A_124 = vector.shape_cast %get3A_123 : vector<1x1x16xf32> to vector<16xf32>
      %add3A_125 = arith.addf %get3A_118, %get3A_124 : vector<16xf32>
      %swap3A_126 = arith.constant 0 : i32
      %swap3A_127 = arith.index_cast %swap3A_126 : i32 to index
      %swap3A_128 = arith.index_cast %scan3A_54 : i32 to index
      %swap3A_129 = arith.constant 48 : index
      %swap3A_130 = tpu.vector_load %arg9[%swap3A_127, %swap3A_128, %swap3A_129] {strides = array<i32>} : memref<2x80x128xf32, #tpu.memory_space<vmem>>, vector<1x1x16xf32>,
      %swap3A_131 = vector.shape_cast %swap3A_130 : vector<1x1x16xf32> to vector<16xf32>
      %swap3A_132 = vector.shape_cast %add3A_125 : vector<16xf32> to vector<1x1x16xf32>
      tpu.vector_store %arg9[%swap3A_127, %swap3A_128, %swap3A_129], %swap3A_132 {strides = array<i32>} : memref<2x80x128xf32, #tpu.memory_space<vmem>>, vector<1x1x16xf32>,
      %get3A_133 = arith.constant 0 : i32
      %get3A_134 = arith.index_cast %get3A_133 : i32 to index
      %get3A_135 = arith.index_cast %scan3A_54 : i32 to index
      %get3A_136 = arith.constant 64 : index
      %get3A_137 = tpu.vector_load %arg9[%get3A_134, %get3A_135, %get3A_136] {strides = array<i32>} : memref<2x80x128xf32, #tpu.memory_space<vmem>>, vector<1x1x16xf32>,
      %get3A_138 = vector.shape_cast %get3A_137 : vector<1x1x16xf32> to vector<16xf32>
      %get3A_139 = arith.constant 0 : i32
      %get3A_140 = arith.index_cast %get3A_139 : i32 to index
      %get3A_141 = arith.index_cast %scan3A_54 : i32 to index
      %get3A_142 = arith.constant 64 : index
      %get3A_143 = tpu.vector_load %arg10[%get3A_140, %get3A_141, %get3A_142] {strides = array<i32>} : memref<2x80x128xf32, #tpu.memory_space<vmem>>, vector<1x1x16xf32>,
      %get3A_144 = vector.shape_cast %get3A_143 : vector<1x1x16xf32> to vector<16xf32>
      %add3A_145 = arith.addf %get3A_138, %get3A_144 : vector<16xf32>
      %swap3A_146 = arith.constant 0 : i32
      %swap3A_147 = arith.index_cast %swap3A_146 : i32 to index
      %swap3A_148 = arith.index_cast %scan3A_54 : i32 to index
      %swap3A_149 = arith.constant 64 : index
      %swap3A_150 = tpu.vector_load %arg9[%swap3A_147, %swap3A_148, %swap3A_149] {strides = array<i32>} : memref<2x80x128xf32, #tpu.memory_space<vmem>>, vector<1x1x16xf32>,
      %swap3A_151 = vector.shape_cast %swap3A_150 : vector<1x1x16xf32> to vector<16xf32>
      %swap3A_152 = vector.shape_cast %add3A_145 : vector<16xf32> to vector<1x1x16xf32>
      tpu.vector_store %arg9[%swap3A_147, %swap3A_148, %swap3A_149], %swap3A_152 {strides = array<i32>} : memref<2x80x128xf32, #tpu.memory_space<vmem>>, vector<1x1x16xf32>,
      %get3A_153 = arith.constant 0 : i32
      %get3A_154 = arith.index_cast %get3A_153 : i32 to index
      %get3A_155 = arith.index_cast %scan3A_54 : i32 to index
      %get3A_156 = arith.constant 80 : index
      %get3A_157 = tpu.vector_load %arg9[%get3A_154, %get3A_155, %get3A_156] {strides = array<i32>} : memref<2x80x128xf32, #tpu.memory_space<vmem>>, vector<1x1x16xf32>,
      %get3A_158 = vector.shape_cast %get3A_157 : vector<1x1x16xf32> to vector<16xf32>
      %get3A_159 = arith.constant 0 : i32
      %get3A_160 = arith.index_cast %get3A_159 : i32 to index
      %get3A_161 = arith.index_cast %scan3A_54 : i32 to index
      %get3A_162 = arith.constant 80 : index
      %get3A_163 = tpu.vector_load %arg10[%get3A_160, %get3A_161, %get3A_162] {strides = array<i32>} : memref<2x80x128xf32, #tpu.memory_space<vmem>>, vector<1x1x16xf32>,
      %get3A_164 = vector.shape_cast %get3A_163 : vector<1x1x16xf32> to vector<16xf32>
      %add3A_165 = arith.addf %get3A_158, %get3A_164 : vector<16xf32>
      %swap3A_166 = arith.constant 0 : i32
      %swap3A_167 = arith.index_cast %swap3A_166 : i32 to index
      %swap3A_168 = arith.index_cast %scan3A_54 : i32 to index
      %swap3A_169 = arith.constant 80 : index
      %swap3A_170 = tpu.vector_load %arg9[%swap3A_167, %swap3A_168, %swap3A_169] {strides = array<i32>} : memref<2x80x128xf32, #tpu.memory_space<vmem>>, vector<1x1x16xf32>,
      %swap3A_171 = vector.shape_cast %swap3A_170 : vector<1x1x16xf32> to vector<16xf32>
      %swap3A_172 = vector.shape_cast %add3A_165 : vector<16xf32> to vector<1x1x16xf32>
      tpu.vector_store %arg9[%swap3A_167, %swap3A_168, %swap3A_169], %swap3A_172 {strides = array<i32>} : memref<2x80x128xf32, #tpu.memory_space<vmem>>, vector<1x1x16xf32>,
      %get3A_173 = arith.constant 0 : i32
      %get3A_174 = arith.index_cast %get3A_173 : i32 to index
      %get3A_175 = arith.index_cast %scan3A_54 : i32 to index
      %get3A_176 = arith.constant 96 : index
      %get3A_177 = tpu.vector_load %arg9[%get3A_174, %get3A_175, %get3A_176] {strides = array<i32>} : memref<2x80x128xf32, #tpu.memory_space<vmem>>, vector<1x1x16xf32>,
      %get3A_178 = vector.shape_cast %get3A_177 : vector<1x1x16xf32> to vector<16xf32>
      %get3A_179 = arith.constant 0 : i32
      %get3A_180 = arith.index_cast %get3A_179 : i32 to index
      %get3A_181 = arith.index_cast %scan3A_54 : i32 to index
      %get3A_182 = arith.constant 96 : index
      %get3A_183 = tpu.vector_load %arg10[%get3A_180, %get3A_181, %get3A_182] {strides = array<i32>} : memref<2x80x128xf32, #tpu.memory_space<vmem>>, vector<1x1x16xf32>,
      %get3A_184 = vector.shape_cast %get3A_183 : vector<1x1x16xf32> to vector<16xf32>
      %add3A_185 = arith.addf %get3A_178, %get3A_184 : vector<16xf32>
      %swap3A_186 = arith.constant 0 : i32
      %swap3A_187 = arith.index_cast %swap3A_186 : i32 to index
      %swap3A_188 = arith.index_cast %scan3A_54 : i32 to index
      %swap3A_189 = arith.constant 96 : index
      %swap3A_190 = tpu.vector_load %arg9[%swap3A_187, %swap3A_188, %swap3A_189] {strides = array<i32>} : memref<2x80x128xf32, #tpu.memory_space<vmem>>, vector<1x1x16xf32>,
      %swap3A_191 = vector.shape_cast %swap3A_190 : vector<1x1x16xf32> to vector<16xf32>
      %swap3A_192 = vector.shape_cast %add3A_185 : vector<16xf32> to vector<1x1x16xf32>
      tpu.vector_store %arg9[%swap3A_187, %swap3A_188, %swap3A_189], %swap3A_192 {strides = array<i32>} : memref<2x80x128xf32, #tpu.memory_space<vmem>>, vector<1x1x16xf32>,
      %get3A_193 = arith.constant 0 : i32
      %get3A_194 = arith.index_cast %get3A_193 : i32 to index
      %get3A_195 = arith.index_cast %scan3A_54 : i32 to index
      %get3A_196 = arith.constant 112 : index
      %get3A_197 = tpu.vector_load %arg9[%get3A_194, %get3A_195, %get3A_196] {strides = array<i32>} : memref<2x80x128xf32, #tpu.memory_space<vmem>>, vector<1x1x16xf32>,
      %get3A_198 = vector.shape_cast %get3A_197 : vector<1x1x16xf32> to vector<16xf32>
      %get3A_199 = arith.constant 0 : i32
      %get3A_200 = arith.index_cast %get3A_199 : i32 to index
      %get3A_201 = arith.index_cast %scan3A_54 : i32 to index
      %get3A_202 = arith.constant 112 : index
      %get3A_203 = tpu.vector_load %arg10[%get3A_200, %get3A_201, %get3A_202] {strides = array<i32>} : memref<2x80x128xf32, #tpu.memory_space<vmem>>, vector<1x1x16xf32>,
      %get3A_204 = vector.shape_cast %get3A_203 : vector<1x1x16xf32> to vector<16xf32>
      %add3A_205 = arith.addf %get3A_198, %get3A_204 : vector<16xf32>
      %swap3A_206 = arith.constant 0 : i32
      %swap3A_207 = arith.index_cast %swap3A_206 : i32 to index
      %swap3A_208 = arith.index_cast %scan3A_54 : i32 to index
      %swap3A_209 = arith.constant 112 : index
      %swap3A_210 = tpu.vector_load %arg9[%swap3A_207, %swap3A_208, %swap3A_209] {strides = array<i32>} : memref<2x80x128xf32, #tpu.memory_space<vmem>>, vector<1x1x16xf32>,
      %swap3A_211 = vector.shape_cast %swap3A_210 : vector<1x1x16xf32> to vector<16xf32>
      %swap3A_212 = vector.shape_cast %add3A_205 : vector<16xf32> to vector<1x1x16xf32>
      tpu.vector_store %arg9[%swap3A_207, %swap3A_208, %swap3A_209], %swap3A_212 {strides = array<i32>} : memref<2x80x128xf32, #tpu.memory_space<vmem>>, vector<1x1x16xf32>,
    }
    %scan3A_51 = arith.constant 80 : i32
    %add3A_52 = arith.constant 9920 : i32
    %add3A_53 = arith.addi %mul3A_2, %add3A_52 : i32
    %run_scoped3A = arith.constant 0 : i32
    "tpu.region"() ({
      %run_scoped3A_54 = tpu.sem_alloc : memref<!tpu.dma_semaphore, #tpu.memory_space<semaphore_mem>>
      %dma_start3A_55 = arith.constant 0 : i32
      %dma_start3A_56 = arith.constant 0 : i32
      %dma_start3A_57 = tpu.memref_slice %arg9[%run_scoped3A, %dma_start3A_55, %dma_start3A_56] : memref<2x80x128xf32, #tpu.memory_space<vmem>> -> memref<1x80x128xf32, #tpu.memory_space<vmem>>
      %dma_start3A_58 = tpu.memref_squeeze %dma_start3A_57 : memref<1x80x128xf32, #tpu.memory_space<vmem>> -> memref<80x128xf32, #tpu.memory_space<vmem>>
      %dma_start3A_59 = arith.constant 0 : i32
      %dma_start3A_60 = tpu.memref_slice %arg6[%add3A_53, %dma_start3A_59] : memref<320000x128xf32, #tpu.memory_space<hbm>> -> memref<80x128xf32, #tpu.memory_space<hbm>>
      %dma_start3A_61 = arith.constant 0 : i32
      %dma_start3A_62 = tpu.memref_slice %arg6[%add3A_53, %dma_start3A_61] : memref<320000x128xf32, #tpu.memory_space<hbm>> -> memref<80x128xf32, #tpu.memory_space<hbm>>
      %dma_start3A_63 = arith.constant 0 : i32
      %dma_start3A_64 = arith.constant 0 : i32
      %dma_start3A_65 = tpu.memref_slice %arg9[%run_scoped3A, %dma_start3A_63, %dma_start3A_64] : memref<2x80x128xf32, #tpu.memory_space<vmem>> -> memref<1x80x128xf32, #tpu.memory_space<vmem>>
      %dma_start3A_66 = tpu.memref_squeeze %dma_start3A_65 : memref<1x80x128xf32, #tpu.memory_space<vmem>> -> memref<80x128xf32, #tpu.memory_space<vmem>>
      tpu.enqueue_dma source(%dma_start3A_66 : memref<80x128xf32, #tpu.memory_space<vmem>>) target(%dma_start3A_62 : memref<80x128xf32, #tpu.memory_space<hbm>>) target_semaphore(%run_scoped3A_54 : memref<!tpu.dma_semaphore, #tpu.memory_space<semaphore_mem>>)
      %dma_wait3A_67 = arith.constant 0 : i32
      %dma_wait3A_68 = arith.constant 0 : i32
      %dma_wait3A_69 = tpu.memref_slice %arg9[%run_scoped3A, %dma_wait3A_67, %dma_wait3A_68] : memref<2x80x128xf32, #tpu.memory_space<vmem>> -> memref<1x80x128xf32, #tpu.memory_space<vmem>>
      %dma_wait3A_70 = tpu.memref_squeeze %dma_wait3A_69 : memref<1x80x128xf32, #tpu.memory_space<vmem>> -> memref<80x128xf32, #tpu.memory_space<vmem>>
      %dma_wait3A_71 = arith.constant 0 : i32
      %dma_wait3A_72 = tpu.memref_slice %arg6[%add3A_53, %dma_wait3A_71] : memref<320000x128xf32, #tpu.memory_space<hbm>> -> memref<80x128xf32, #tpu.memory_space<hbm>>
      %dma_wait3A_73 = arith.constant 0 : i32
      %dma_wait3A_74 = tpu.memref_slice %arg6[%add3A_53, %dma_wait3A_73] : memref<320000x128xf32, #tpu.memory_space<hbm>> -> memref<80x128xf32, #tpu.memory_space<hbm>>
      %dma_wait3A_75 = arith.constant 0 : i32
      %dma_wait3A_76 = arith.constant 0 : i32
      %dma_wait3A_77 = tpu.memref_slice %arg9[%run_scoped3A, %dma_wait3A_75, %dma_wait3A_76] : memref<2x80x128xf32, #tpu.memory_space<vmem>> -> memref<1x80x128xf32, #tpu.memory_space<vmem>>
      %dma_wait3A_78 = tpu.memref_squeeze %dma_wait3A_77 : memref<1x80x128xf32, #tpu.memory_space<vmem>> -> memref<80x128xf32, #tpu.memory_space<vmem>>
      tpu.wait_dma2 semaphore(%run_scoped3A_54 : memref<!tpu.dma_semaphore, #tpu.memory_space<semaphore_mem>>) src(%dma_wait3A_78 : memref<80x128xf32, #tpu.memory_space<vmem>>) dst(%dma_wait3A_74 : memref<80x128xf32, #tpu.memory_space<hbm>>)
      tpu.yield
    }) : () -> ()
    return
  }
}

module attributes {stable_mosaic.version = 14 : i64} {
  func.func @_tables_body(%arg0: memref<10000x128xf32, #tpu.memory_space<vmem>>, %arg1: memref<128x128xf32, #tpu.memory_space<vmem>>, %arg2: memref<200x128xf32, #tpu.memory_space<vmem>>, %arg3: memref<128x128xf32, #tpu.memory_space<vmem>>, %arg4: memref<128x128xf32, #tpu.memory_space<vmem>>, %arg5: memref<10000x128xf32, #tpu.memory_space<vmem>>, %arg6: memref<200x128xf32, #tpu.memory_space<vmem>>) attributes {dimension_semantics = [], scalar_prefetch = 0 : i64, scratch_operands = 0 : i64, tpu.core_type = #tpu.core_type<tc>} {
    %get3A = arith.constant 0 : index
    %get3A_0 = arith.constant 0 : index
    %get3A_1 = vector.load %arg0[%get3A, %get3A_0] : memref<10000x128xf32, #tpu.memory_space<vmem>>, vector<10000x128xf32>
    %get3A_2 = arith.constant 0 : index
    %get3A_3 = arith.constant 0 : index
    %get3A_4 = vector.load %arg1[%get3A_2, %get3A_3] : memref<128x128xf32, #tpu.memory_space<vmem>>, vector<128x128xf32>
    %dot_general3A = arith.constant dense<0.000000e+00> : vector<10000x128xf32>
    %dot_general3A_5 = tpu.matmul %get3A_1, %get3A_4, %dot_general3A {dimension_numbers = #tpu.dot_dimension_numbers<[1], [0], [0], [1], [0, 0, 1, 1], [], []>, transpose_lhs_hint = false} : vector<10000x128xf32>, vector<128x128xf32>, vector<10000x128xf32> -> vector<10000x128xf32>
    %swap3A = arith.constant 0 : index
    %swap3A_6 = arith.constant 0 : index
    %swap3A_7 = vector.load %arg5[%swap3A, %swap3A_6] : memref<10000x128xf32, #tpu.memory_space<vmem>>, vector<10000x128xf32>
    tpu.vector_store %arg5[%swap3A, %swap3A_6], %dot_general3A_5 {strides = array<i32>} : memref<10000x128xf32, #tpu.memory_space<vmem>>, vector<10000x128xf32>,
    %get3A_8 = arith.constant 0 : index
    %get3A_9 = arith.constant 0 : index
    %get3A_10 = vector.load %arg2[%get3A_8, %get3A_9] : memref<200x128xf32, #tpu.memory_space<vmem>>, vector<200x128xf32>
    %get3A_11 = arith.constant 0 : index
    %get3A_12 = arith.constant 0 : index
    %get3A_13 = vector.load %arg3[%get3A_11, %get3A_12] : memref<128x128xf32, #tpu.memory_space<vmem>>, vector<128x128xf32>
    %dot_general3A_14 = arith.constant dense<0.000000e+00> : vector<200x128xf32>
    %dot_general3A_15 = tpu.matmul %get3A_10, %get3A_13, %dot_general3A_14 {dimension_numbers = #tpu.dot_dimension_numbers<[1], [0], [0], [1], [0, 0, 1, 1], [], []>, transpose_lhs_hint = false} : vector<200x128xf32>, vector<128x128xf32>, vector<200x128xf32> -> vector<200x128xf32>
    %get3A_16 = arith.constant 0 : index
    %get3A_17 = arith.constant 0 : index
    %get3A_18 = vector.load %arg4[%get3A_16, %get3A_17] : memref<128x128xf32, #tpu.memory_space<vmem>>, vector<128x128xf32>
    %dot_general3A_19 = arith.constant dense<0.000000e+00> : vector<200x128xf32>
    %dot_general3A_20 = tpu.matmul %dot_general3A_15, %get3A_18, %dot_general3A_19 {dimension_numbers = #tpu.dot_dimension_numbers<[1], [0], [0], [1], [0, 0, 1, 1], [], []>, transpose_lhs_hint = false} : vector<200x128xf32>, vector<128x128xf32>, vector<200x128xf32> -> vector<200x128xf32>
    %swap3A_21 = arith.constant 0 : index
    %swap3A_22 = arith.constant 0 : index
    %swap3A_23 = vector.load %arg6[%swap3A_21, %swap3A_22] : memref<200x128xf32, #tpu.memory_space<vmem>>, vector<200x128xf32>
    tpu.vector_store %arg6[%swap3A_21, %swap3A_22], %dot_general3A_20 {strides = array<i32>} : memref<200x128xf32, #tpu.memory_space<vmem>>, vector<200x128xf32>,
    return
  }
}

module attributes {stable_mosaic.version = 14 : i64} {
  func.func @_msg_body(%arg0: i32, %arg1: memref<4000x128xf32, #tpu.memory_space<vmem>>, %arg2: memref<128x128xf32, #tpu.memory_space<vmem>>, %arg3: memref<1x128xf32, #tpu.memory_space<vmem>>, %arg4: memref<4000x128xf32, #tpu.memory_space<vmem>>) attributes {dimension_semantics = [#tpu.dimension_semantics<arbitrary>], iteration_bounds = array<i64: 80>, scalar_prefetch = 0 : i64, scratch_operands = 0 : i64, tpu.core_type = #tpu.core_type<tc>, window_params = [{transform_indices = @transform_0, window_bounds = array<i64: 4000, 128>}, {pipeline_mode = #tpu.pipeline_mode<synchronous>, transform_indices = @transform_1, window_bounds = array<i64: 128, 128>}, {pipeline_mode = #tpu.pipeline_mode<synchronous>, transform_indices = @transform_2, window_bounds = array<i64: 1, 128>}, {transform_indices = @transform_3, window_bounds = array<i64: 4000, 128>}]} {
    %get3A = arith.constant 0 : index
    %get3A_0 = arith.constant 0 : index
    %get3A_1 = vector.load %arg1[%get3A, %get3A_0] : memref<4000x128xf32, #tpu.memory_space<vmem>>, vector<4000x128xf32>
    %get3A_2 = arith.constant 0 : index
    %get3A_3 = arith.constant 0 : index
    %get3A_4 = vector.load %arg2[%get3A_2, %get3A_3] : memref<128x128xf32, #tpu.memory_space<vmem>>, vector<128x128xf32>
    %dot_general3A = arith.constant dense<0.000000e+00> : vector<4000x128xf32>
    %dot_general3A_5 = tpu.matmul %get3A_1, %get3A_4, %dot_general3A {dimension_numbers = #tpu.dot_dimension_numbers<[1], [0], [0], [1], [0, 0, 1, 1], [], []>, transpose_lhs_hint = false} : vector<4000x128xf32>, vector<128x128xf32>, vector<4000x128xf32> -> vector<4000x128xf32>
    %get3A_6 = arith.constant 0 : index
    %get3A_7 = arith.constant 0 : index
    %get3A_8 = vector.load %arg3[%get3A_6, %get3A_7] : memref<1x128xf32, #tpu.memory_space<vmem>>, vector<1x128xf32>
    %add3A = vector.broadcast %get3A_8 : vector<1x128xf32> to vector<4000x128xf32>
    %add3A_9 = arith.addf %dot_general3A_5, %add3A : vector<4000x128xf32>
    %max3A = arith.constant 0.000000e+00 : f32
    %max3A_10 = vector.broadcast %max3A : f32 to vector<4000x128xf32>
    %max3A_11 = arith.maximumf %add3A_9, %max3A_10 : vector<4000x128xf32>
    %swap3A = arith.constant 0 : index
    %swap3A_12 = arith.constant 0 : index
    %swap3A_13 = vector.load %arg4[%swap3A, %swap3A_12] : memref<4000x128xf32, #tpu.memory_space<vmem>>, vector<4000x128xf32>
    tpu.vector_store %arg4[%swap3A, %swap3A_12], %max3A_11 {strides = array<i32>} : memref<4000x128xf32, #tpu.memory_space<vmem>>, vector<4000x128xf32>,
    return
  }
  func.func @transform_0(%arg0: i32) -> (i32, i32) {
    %c0_i32 = arith.constant 0 : i32
    %c0_i32_0 = arith.constant 0 : i32
    return %arg0, %c0_i32 : i32, i32
  }
  func.func @transform_1(%arg0: i32) -> (i32, i32) {
    %c0_i32 = arith.constant 0 : i32
    %c0_i32_0 = arith.constant 0 : i32
    %c0_i32_1 = arith.constant 0 : i32
    return %c0_i32, %c0_i32_0 : i32, i32
  }
  func.func @transform_2(%arg0: i32) -> (i32, i32) {
    %c0_i32 = arith.constant 0 : i32
    %c0_i32_0 = arith.constant 0 : i32
    %c0_i32_1 = arith.constant 0 : i32
    return %c0_i32, %c0_i32_0 : i32, i32
  }
  func.func @transform_3(%arg0: i32) -> (i32, i32) {
    %c0_i32 = arith.constant 0 : i32
    %c0_i32_0 = arith.constant 0 : i32
    return %arg0, %c0_i32 : i32, i32
  }
}

module attributes {stable_mosaic.version = 14 : i64} {
  func.func @_tail_body(%arg0: memref<20480x128xf32, #tpu.memory_space<vmem>>, %arg1: memref<32x10240xf32, #tpu.memory_space<vmem>>, %arg2: memref<128x128xf32, #tpu.memory_space<vmem>>, %arg3: memref<1x128xf32, #tpu.memory_space<vmem>>, %arg4: memref<1x128xf32, #tpu.memory_space<vmem>>, %arg5: memref<1x128xf32, #tpu.memory_space<vmem>>, %arg6: memref<128x128xf32, #tpu.memory_space<vmem>>, %arg7: memref<1x128xf32, #tpu.memory_space<vmem>>, %arg8: memref<1x128xf32, #tpu.memory_space<vmem>>, %arg9: memref<1x128xf32, #tpu.memory_space<vmem>>, %arg10: memref<1x128xf32, #tpu.memory_space<vmem>>, %arg11: memref<1x128xf32, #tpu.memory_space<vmem>>, %arg12: memref<128x128xf32, #tpu.memory_space<vmem>>, %arg13: memref<1x128xf32, #tpu.memory_space<vmem>>, %arg14: memref<128x128xf32, #tpu.memory_space<vmem>>, %arg15: memref<1x128xf32, #tpu.memory_space<vmem>>, %arg16: memref<128x128xf32, #tpu.memory_space<vmem>>, %arg17: memref<1x128xf32, #tpu.memory_space<vmem>>, %arg18: memref<10000x128xf32, #tpu.memory_space<vmem>>) attributes {dimension_semantics = [], scalar_prefetch = 0 : i64, scratch_operands = 0 : i64, tpu.core_type = #tpu.core_type<tc>} {
    %get3A = arith.constant 0 : index
    %get3A_0 = arith.constant 0 : index
    %get3A_1 = vector.load %arg0[%get3A, %get3A_0] : memref<20480x128xf32, #tpu.memory_space<vmem>>, vector<10000x128xf32>
    %get3A_2 = arith.constant 10240 : index
    %get3A_3 = arith.constant 0 : index
    %get3A_4 = vector.load %arg0[%get3A_2, %get3A_3] : memref<20480x128xf32, #tpu.memory_space<vmem>>, vector<10000x128xf32>
    %add3A = arith.addf %get3A_1, %get3A_4 : vector<10000x128xf32>
    %get3A_5 = arith.constant 0 : index
    %get3A_6 = arith.constant 0 : index
    %get3A_7 = vector.load %arg1[%get3A_5, %get3A_6] : memref<32x10240xf32, #tpu.memory_space<vmem>>, vector<32x10240xf32>
    %reduce_sum3A = arith.constant dense<0.000000e+00> : vector<10240xf32>
    %reduce_sum3A_8 = vector.multi_reduction <add>, %get3A_7, %reduce_sum3A [0] : vector<32x10240xf32> to vector<10240xf32>
    %slice3A = vector.extract_strided_slice %reduce_sum3A_8 {offsets = [0], sizes = [10000], strides = [1]} : vector<10240xf32> to vector<10000xf32>
    %reshape3A = vector.shape_cast %slice3A : vector<10000xf32> to vector<10000x1xf32>
    %max3A = arith.constant 1.000000e+00 : f32
    %max3A_9 = vector.broadcast %max3A : f32 to vector<10000x1xf32>
    %max3A_10 = arith.maximumf %reshape3A, %max3A_9 : vector<10000x1xf32>
    %div3A = vector.broadcast %max3A_10 : vector<10000x1xf32> to vector<10000x128xf32>
    %div3A_11 = arith.divf %add3A, %div3A : vector<10000x128xf32>
    %get3A_12 = arith.constant 0 : index
    %get3A_13 = arith.constant 0 : index
    %get3A_14 = vector.load %arg2[%get3A_12, %get3A_13] : memref<128x128xf32, #tpu.memory_space<vmem>>, vector<128x128xf32>
    %dot_general3A = arith.constant dense<0.000000e+00> : vector<10000x128xf32>
    %dot_general3A_15 = tpu.matmul %div3A_11, %get3A_14, %dot_general3A {dimension_numbers = #tpu.dot_dimension_numbers<[1], [0], [0], [1], [0, 0, 1, 1], [], []>, transpose_lhs_hint = false} : vector<10000x128xf32>, vector<128x128xf32>, vector<10000x128xf32> -> vector<10000x128xf32>
    %get3A_16 = arith.constant 0 : index
    %get3A_17 = arith.constant 0 : index
    %get3A_18 = vector.load %arg3[%get3A_16, %get3A_17] : memref<1x128xf32, #tpu.memory_space<vmem>>, vector<1x128xf32>
    %add3A_19 = vector.broadcast %get3A_18 : vector<1x128xf32> to vector<10000x128xf32>
    %add3A_20 = arith.addf %dot_general3A_15, %add3A_19 : vector<10000x128xf32>
    %get3A_21 = arith.constant 0 : index
    %get3A_22 = arith.constant 0 : index
    %get3A_23 = vector.load %arg4[%get3A_21, %get3A_22] : memref<1x128xf32, #tpu.memory_space<vmem>>, vector<1x128xf32>
    %get3A_24 = arith.constant 0 : index
    %get3A_25 = arith.constant 0 : index
    %get3A_26 = vector.load %arg5[%get3A_24, %get3A_25] : memref<1x128xf32, #tpu.memory_space<vmem>>, vector<1x128xf32>
    %reduce_sum3A_27 = arith.constant dense<0.000000e+00> : vector<128xf32>
    %reduce_sum3A_28 = vector.multi_reduction <add>, %add3A_20, %reduce_sum3A_27 [0] : vector<10000x128xf32> to vector<128xf32>
    %broadcast_in_dim3A = vector.shape_cast %reduce_sum3A_28 : vector<128xf32> to vector<1x128xf32>
    %div3A_29 = arith.constant 1.000000e+04 : f32
    %div3A_30 = vector.broadcast %div3A_29 : f32 to vector<1x128xf32>
    %div3A_31 = arith.divf %broadcast_in_dim3A, %div3A_30 : vector<1x128xf32>
    %sub3A = vector.broadcast %div3A_31 : vector<1x128xf32> to vector<10000x128xf32>
    %sub3A_32 = arith.subf %add3A_20, %sub3A : vector<10000x128xf32>
    %integer_pow3A = arith.mulf %sub3A_32, %sub3A_32 : vector<10000x128xf32>
    %reduce_sum3A_33 = arith.constant dense<0.000000e+00> : vector<128xf32>
    %reduce_sum3A_34 = vector.multi_reduction <add>, %integer_pow3A, %reduce_sum3A_33 [0] : vector<10000x128xf32> to vector<128xf32>
    %broadcast_in_dim3A_35 = vector.shape_cast %reduce_sum3A_34 : vector<128xf32> to vector<1x128xf32>
    %div3A_36 = arith.constant 1.000000e+04 : f32
    %div3A_37 = vector.broadcast %div3A_36 : f32 to vector<1x128xf32>
    %div3A_38 = arith.divf %broadcast_in_dim3A_35, %div3A_37 : vector<1x128xf32>
    %sub3A_39 = vector.broadcast %div3A_31 : vector<1x128xf32> to vector<10000x128xf32>
    %sub3A_40 = arith.subf %add3A_20, %sub3A_39 : vector<10000x128xf32>
    %add3A_41 = arith.constant 9.99999974E-6 : f32
    %add3A_42 = vector.broadcast %add3A_41 : f32 to vector<1x128xf32>
    %add3A_43 = arith.addf %div3A_38, %add3A_42 : vector<1x128xf32>
    %sqrt3A = math.sqrt %add3A_43 : vector<1x128xf32>
    %div3A_44 = vector.broadcast %sqrt3A : vector<1x128xf32> to vector<10000x128xf32>
    %div3A_45 = arith.divf %sub3A_40, %div3A_44 : vector<10000x128xf32>
    %mul3A = vector.broadcast %get3A_23 : vector<1x128xf32> to vector<10000x128xf32>
    %mul3A_46 = arith.mulf %div3A_45, %mul3A : vector<10000x128xf32>
    %add3A_47 = vector.broadcast %get3A_26 : vector<1x128xf32> to vector<10000x128xf32>
    %add3A_48 = arith.addf %mul3A_46, %add3A_47 : vector<10000x128xf32>
    %max3A_49 = arith.constant 0.000000e+00 : f32
    %max3A_50 = vector.broadcast %max3A_49 : f32 to vector<10000x128xf32>
    %max3A_51 = arith.maximumf %add3A_48, %max3A_50 : vector<10000x128xf32>
    %get3A_52 = arith.constant 0 : index
    %get3A_53 = arith.constant 0 : index
    %get3A_54 = vector.load %arg6[%get3A_52, %get3A_53] : memref<128x128xf32, #tpu.memory_space<vmem>>, vector<128x128xf32>
    %dot_general3A_55 = arith.constant dense<0.000000e+00> : vector<10000x128xf32>
    %dot_general3A_56 = tpu.matmul %max3A_51, %get3A_54, %dot_general3A_55 {dimension_numbers = #tpu.dot_dimension_numbers<[1], [0], [0], [1], [0, 0, 1, 1], [], []>, transpose_lhs_hint = false} : vector<10000x128xf32>, vector<128x128xf32>, vector<10000x128xf32> -> vector<10000x128xf32>
    %get3A_57 = arith.constant 0 : index
    %get3A_58 = arith.constant 0 : index
    %get3A_59 = vector.load %arg7[%get3A_57, %get3A_58] : memref<1x128xf32, #tpu.memory_space<vmem>>, vector<1x128xf32>
    %add3A_60 = vector.broadcast %get3A_59 : vector<1x128xf32> to vector<10000x128xf32>
    %add3A_61 = arith.addf %dot_general3A_56, %add3A_60 : vector<10000x128xf32>
    %get3A_62 = arith.constant 0 : index
    %get3A_63 = arith.constant 0 : index
    %get3A_64 = vector.load %arg8[%get3A_62, %get3A_63] : memref<1x128xf32, #tpu.memory_space<vmem>>, vector<1x128xf32>
    %get3A_65 = arith.constant 0 : index
    %get3A_66 = arith.constant 0 : index
    %get3A_67 = vector.load %arg9[%get3A_65, %get3A_66] : memref<1x128xf32, #tpu.memory_space<vmem>>, vector<1x128xf32>
    %reduce_sum3A_68 = arith.constant dense<0.000000e+00> : vector<128xf32>
    %reduce_sum3A_69 = vector.multi_reduction <add>, %add3A_61, %reduce_sum3A_68 [0] : vector<10000x128xf32> to vector<128xf32>
    %broadcast_in_dim3A_70 = vector.shape_cast %reduce_sum3A_69 : vector<128xf32> to vector<1x128xf32>
    %div3A_71 = arith.constant 1.000000e+04 : f32
    %div3A_72 = vector.broadcast %div3A_71 : f32 to vector<1x128xf32>
    %div3A_73 = arith.divf %broadcast_in_dim3A_70, %div3A_72 : vector<1x128xf32>
    %sub3A_74 = vector.broadcast %div3A_73 : vector<1x128xf32> to vector<10000x128xf32>
    %sub3A_75 = arith.subf %add3A_61, %sub3A_74 : vector<10000x128xf32>
    %integer_pow3A_76 = arith.mulf %sub3A_75, %sub3A_75 : vector<10000x128xf32>
    %reduce_sum3A_77 = arith.constant dense<0.000000e+00> : vector<128xf32>
    %reduce_sum3A_78 = vector.multi_reduction <add>, %integer_pow3A_76, %reduce_sum3A_77 [0] : vector<10000x128xf32> to vector<128xf32>
    %broadcast_in_dim3A_79 = vector.shape_cast %reduce_sum3A_78 : vector<128xf32> to vector<1x128xf32>
    %div3A_80 = arith.constant 1.000000e+04 : f32
    %div3A_81 = vector.broadcast %div3A_80 : f32 to vector<1x128xf32>
    %div3A_82 = arith.divf %broadcast_in_dim3A_79, %div3A_81 : vector<1x128xf32>
    %sub3A_83 = vector.broadcast %div3A_73 : vector<1x128xf32> to vector<10000x128xf32>
    %sub3A_84 = arith.subf %add3A_61, %sub3A_83 : vector<10000x128xf32>
    %add3A_85 = arith.constant 9.99999974E-6 : f32
    %add3A_86 = vector.broadcast %add3A_85 : f32 to vector<1x128xf32>
    %add3A_87 = arith.addf %div3A_82, %add3A_86 : vector<1x128xf32>
    %sqrt3A_88 = math.sqrt %add3A_87 : vector<1x128xf32>
    %div3A_89 = vector.broadcast %sqrt3A_88 : vector<1x128xf32> to vector<10000x128xf32>
    %div3A_90 = arith.divf %sub3A_84, %div3A_89 : vector<10000x128xf32>
    %mul3A_91 = vector.broadcast %get3A_64 : vector<1x128xf32> to vector<10000x128xf32>
    %mul3A_92 = arith.mulf %div3A_90, %mul3A_91 : vector<10000x128xf32>
    %add3A_93 = vector.broadcast %get3A_67 : vector<1x128xf32> to vector<10000x128xf32>
    %add3A_94 = arith.addf %mul3A_92, %add3A_93 : vector<10000x128xf32>
    %max3A_95 = arith.constant 0.000000e+00 : f32
    %max3A_96 = vector.broadcast %max3A_95 : f32 to vector<10000x128xf32>
    %max3A_97 = arith.maximumf %add3A_94, %max3A_96 : vector<10000x128xf32>
    %get3A_98 = arith.constant 0 : index
    %get3A_99 = arith.constant 0 : index
    %get3A_100 = vector.load %arg10[%get3A_98, %get3A_99] : memref<1x128xf32, #tpu.memory_space<vmem>>, vector<1x128xf32>
    %get3A_101 = arith.constant 0 : index
    %get3A_102 = arith.constant 0 : index
    %get3A_103 = vector.load %arg11[%get3A_101, %get3A_102] : memref<1x128xf32, #tpu.memory_space<vmem>>, vector<1x128xf32>
    %reduce_sum3A_104 = arith.constant dense<0.000000e+00> : vector<128xf32>
    %reduce_sum3A_105 = vector.multi_reduction <add>, %max3A_97, %reduce_sum3A_104 [0] : vector<10000x128xf32> to vector<128xf32>
    %broadcast_in_dim3A_106 = vector.shape_cast %reduce_sum3A_105 : vector<128xf32> to vector<1x128xf32>
    %div3A_107 = arith.constant 1.000000e+04 : f32
    %div3A_108 = vector.broadcast %div3A_107 : f32 to vector<1x128xf32>
    %div3A_109 = arith.divf %broadcast_in_dim3A_106, %div3A_108 : vector<1x128xf32>
    %sub3A_110 = vector.broadcast %div3A_109 : vector<1x128xf32> to vector<10000x128xf32>
    %sub3A_111 = arith.subf %max3A_97, %sub3A_110 : vector<10000x128xf32>
    %integer_pow3A_112 = arith.mulf %sub3A_111, %sub3A_111 : vector<10000x128xf32>
    %reduce_sum3A_113 = arith.constant dense<0.000000e+00> : vector<128xf32>
    %reduce_sum3A_114 = vector.multi_reduction <add>, %integer_pow3A_112, %reduce_sum3A_113 [0] : vector<10000x128xf32> to vector<128xf32>
    %broadcast_in_dim3A_115 = vector.shape_cast %reduce_sum3A_114 : vector<128xf32> to vector<1x128xf32>
    %div3A_116 = arith.constant 1.000000e+04 : f32
    %div3A_117 = vector.broadcast %div3A_116 : f32 to vector<1x128xf32>
    %div3A_118 = arith.divf %broadcast_in_dim3A_115, %div3A_117 : vector<1x128xf32>
    %sub3A_119 = vector.broadcast %div3A_109 : vector<1x128xf32> to vector<10000x128xf32>
    %sub3A_120 = arith.subf %max3A_97, %sub3A_119 : vector<10000x128xf32>
    %add3A_121 = arith.constant 9.99999974E-6 : f32
    %add3A_122 = vector.broadcast %add3A_121 : f32 to vector<1x128xf32>
    %add3A_123 = arith.addf %div3A_118, %add3A_122 : vector<1x128xf32>
    %sqrt3A_124 = math.sqrt %add3A_123 : vector<1x128xf32>
    %div3A_125 = vector.broadcast %sqrt3A_124 : vector<1x128xf32> to vector<10000x128xf32>
    %div3A_126 = arith.divf %sub3A_120, %div3A_125 : vector<10000x128xf32>
    %mul3A_127 = vector.broadcast %get3A_100 : vector<1x128xf32> to vector<10000x128xf32>
    %mul3A_128 = arith.mulf %div3A_126, %mul3A_127 : vector<10000x128xf32>
    %add3A_129 = vector.broadcast %get3A_103 : vector<1x128xf32> to vector<10000x128xf32>
    %add3A_130 = arith.addf %mul3A_128, %add3A_129 : vector<10000x128xf32>
    %max3A_131 = arith.constant 0.000000e+00 : f32
    %max3A_132 = vector.broadcast %max3A_131 : f32 to vector<10000x128xf32>
    %max3A_133 = arith.maximumf %add3A_130, %max3A_132 : vector<10000x128xf32>
    %get3A_134 = arith.constant 0 : index
    %get3A_135 = arith.constant 0 : index
    %get3A_136 = vector.load %arg12[%get3A_134, %get3A_135] : memref<128x128xf32, #tpu.memory_space<vmem>>, vector<128x128xf32>
    %dot_general3A_137 = arith.constant dense<0.000000e+00> : vector<10000x128xf32>
    %dot_general3A_138 = tpu.matmul %max3A_133, %get3A_136, %dot_general3A_137 {dimension_numbers = #tpu.dot_dimension_numbers<[1], [0], [0], [1], [0, 0, 1, 1], [], []>, transpose_lhs_hint = false} : vector<10000x128xf32>, vector<128x128xf32>, vector<10000x128xf32> -> vector<10000x128xf32>
    %get3A_139 = arith.constant 0 : index
    %get3A_140 = arith.constant 0 : index
    %get3A_141 = vector.load %arg13[%get3A_139, %get3A_140] : memref<1x128xf32, #tpu.memory_space<vmem>>, vector<1x128xf32>
    %add3A_142 = vector.broadcast %get3A_141 : vector<1x128xf32> to vector<10000x128xf32>
    %add3A_143 = arith.addf %dot_general3A_138, %add3A_142 : vector<10000x128xf32>
    %max3A_144 = arith.constant 0.000000e+00 : f32
    %max3A_145 = vector.broadcast %max3A_144 : f32 to vector<10000x128xf32>
    %max3A_146 = arith.maximumf %add3A_143, %max3A_145 : vector<10000x128xf32>
    %get3A_147 = arith.constant 0 : index
    %get3A_148 = arith.constant 0 : index
    %get3A_149 = vector.load %arg14[%get3A_147, %get3A_148] : memref<128x128xf32, #tpu.memory_space<vmem>>, vector<128x128xf32>
    %dot_general3A_150 = arith.constant dense<0.000000e+00> : vector<10000x128xf32>
    %dot_general3A_151 = tpu.matmul %max3A_146, %get3A_149, %dot_general3A_150 {dimension_numbers = #tpu.dot_dimension_numbers<[1], [0], [0], [1], [0, 0, 1, 1], [], []>, transpose_lhs_hint = false} : vector<10000x128xf32>, vector<128x128xf32>, vector<10000x128xf32> -> vector<10000x128xf32>
    %get3A_152 = arith.constant 0 : index
    %get3A_153 = arith.constant 0 : index
    %get3A_154 = vector.load %arg15[%get3A_152, %get3A_153] : memref<1x128xf32, #tpu.memory_space<vmem>>, vector<1x128xf32>
    %add3A_155 = vector.broadcast %get3A_154 : vector<1x128xf32> to vector<10000x128xf32>
    %add3A_156 = arith.addf %dot_general3A_151, %add3A_155 : vector<10000x128xf32>
    %max3A_157 = arith.constant 0.000000e+00 : f32
    %max3A_158 = vector.broadcast %max3A_157 : f32 to vector<10000x128xf32>
    %max3A_159 = arith.maximumf %add3A_156, %max3A_158 : vector<10000x128xf32>
    %get3A_160 = arith.constant 0 : index
    %get3A_161 = arith.constant 0 : index
    %get3A_162 = vector.load %arg16[%get3A_160, %get3A_161] : memref<128x128xf32, #tpu.memory_space<vmem>>, vector<128x128xf32>
    %dot_general3A_163 = arith.constant dense<0.000000e+00> : vector<10000x128xf32>
    %dot_general3A_164 = tpu.matmul %max3A_159, %get3A_162, %dot_general3A_163 {dimension_numbers = #tpu.dot_dimension_numbers<[1], [0], [0], [1], [0, 0, 1, 1], [], []>, transpose_lhs_hint = false} : vector<10000x128xf32>, vector<128x128xf32>, vector<10000x128xf32> -> vector<10000x128xf32>
    %get3A_165 = arith.constant 0 : index
    %get3A_166 = arith.constant 0 : index
    %get3A_167 = vector.load %arg17[%get3A_165, %get3A_166] : memref<1x128xf32, #tpu.memory_space<vmem>>, vector<1x128xf32>
    %add3A_168 = vector.broadcast %get3A_167 : vector<1x128xf32> to vector<10000x128xf32>
    %add3A_169 = arith.addf %dot_general3A_164, %add3A_168 : vector<10000x128xf32>
    %swap3A = arith.constant 0 : index
    %swap3A_170 = arith.constant 0 : index
    %swap3A_171 = vector.load %arg18[%swap3A, %swap3A_170] : memref<10000x128xf32, #tpu.memory_space<vmem>>, vector<10000x128xf32>
    tpu.vector_store %arg18[%swap3A, %swap3A_170], %add3A_169 {strides = array<i32>} : memref<10000x128xf32, #tpu.memory_space<vmem>>, vector<10000x128xf32>,
    return
  }
}

</mosaic_0001>

<sc_bundles>
// kernel: kernel.10.cloned.1.call-start
scs
__scs_entry_jumppad:
0x0: {  	(pc) =	sbr.rel $0x88, $3  }
0x1: {  	(tag) =	ssettag $0x0;
	lr =	simm.s32 $0x1  }
0x2: {  	[smem:$0x3F88] =	sst lr;
	_ =	strace $0xD0000000  }
0x3: {  	_ = 	snop  }
0x4: {  	_ = 	snop  }
0x5: {  	_ = 	snop  }
0x6: {  	_ = 	snop  }
0x7: {  	_ = 	snop  }
__scs_overlays_trampoline_lowered:
0x8: {  	[smem:$0x3F97] =	sst s0  }
0x9: {  	[smem:$0x3F98] =	sst s1  }
0xa: {  	[smem:$0x3F99] =	sst s2  }
0xb: {  	[smem:$0x3F9A] =	sst s3  }
0xc: {  	[smem:$0x3F9B] =	sst s4  }
0xd: {  	[smem:$0x3F9C] =	sst s5  }
0xe: {  	[smem:$0x3F9D] =	sst s6  }
0xf: {  	[smem:$0x3F9E] =	sst s7  }
0x10: {  	[smem:$0x3F9F] =	sst s8  }
0x11: {  	[smem:$0x3FA0] =	sst s9;
	s0 =	simm.s32 @!p0 $0x0  }
0x12: {  	s1 =	sld [smem:$0x3F86];
	s0 =	simm.s32 @p0 $0x1  }
0x13: {  	[smem:$0x3FA1] =	sst s0;
	s0 =	simm.s32 @!p1 $0x0  }
0x14: {  	s2 =	sld [smem:$0x3F85];
	s0 =	simm.s32 @p1 $0x1  }
0x15: {  	[smem:$0x3FA2] =	sst s0;
	s0 =	simm.s32 @!p2 $0x0  }
0x16: {  	s3 =	sld [smem:$0x3FDB];
	s0 =	simm.s32 @p2 $0x1  }
0x17: {  	s4 =	simm.s32 $0x1BF5;
	[smem:$0x3FA4] =	sst s0  }
0x18: {  	s0 =	sld [smem:$0x3F87];
	_ =	swait.ge [sflag:s4], $0x0  }
0x19: {  	s7 =	sld [smem:$0x3F88]  }
0x1a: {  	s8 =	sadd.s32 $0xFFFFE003, lr  }
0x1b: {  	s9 =	sadd.s32 $0xFFFFFEF7, lr;
	s5 =	simm.s32 $0xFFFFFFFF;
	p2 =	slt.u32 s8, $0xFFFFF086  }
0x1c: {  	p1 =	slt.u32 s9, $0xF7A;
	s5 =	simm.s32 @!p2 $0x0  }
0x1d: {  	s5 =	simm.s32 @p1 $0x1;
	p0 =	seq.s32 s7, s2  }
0x1e: {  	s7 =	smul.u32 @!p0 $0xF7A, s2;
	p2 =	seq.s32 @!p0 s5, $0x0  }
0x1f: {  	s9 =	smul.u32 $0xF7A, s1;
	s8 =	simm.s32 @!p0 $0x1BF5;
	p2 =	por !p2, p0  }
0x20: {  	[sflag:s8] =	ssyncset.s32 @!p0 $0xFFFFF086;
	s6 =	sadd.s32 @!p0 s3, s7;
	s7 =	simm.s32 @!p0 $0x108  }
0x21: {  	s3 =	sadd.s32 s3, s9;
	s6 =	sadd.s32 @!p0 $0x88, s6;
	s7 =	simm.s32 @p2 $0x1082  }
0x22: {  	[simem:s7], [sflag:s8] =	dma.local @!p0 [hbm:s6], $0xF7A  }
0x23: {  	s9 =	sor.u32 $0xD0000000, s2;
	s6 =	simm.s32 $0x108;
	_ =	swait.ge @!p0 [sflag:s8], $0x0  }
0x24: {  	s3 =	sadd.s32 $0x88, s3;
	s6 =	simm.s32 @!p1 $0x1082;
	[sflag:s4] =	ssyncset.s32 $0xFFFFF086  }
0x25: {  	[simem:s6], [sflag:s4] =	dma.local [hbm:s3], $0xF7A  }
0x26: {  	[smem:$0x3F88] =	sst s1;
	(tag) =	ssettag s2;
	_ =	strace s9  }
0x27: {  	s1 =	sld [smem:$0x3F98]  }
0x28: {  	s2 =	sld [smem:$0x3F99]  }
0x29: {  	s4 =	sld [smem:$0x3F9B]  }
0x2a: {  	p0 =	seq.s32 s5, $0x0;
	s5 =	sld [smem:$0x3F9C]  }
0x2b: {  	s6 =	sld [smem:$0x3F9D]  }
0x2c: {  	s7 =	sld [smem:$0x3F9E]  }
0x2d: {  	s3 =	simm.s32 $0x108;
	s8 =	sld [smem:$0x3F9F]  }
0x2e: {  	s3 =	simm.s32 @!p0 $0x1082;
	s9 =	sld [smem:$0x3FA0]  }
0x2f: {  	lr =	sadd.s32 s0, s3;
	s0 =	sld [smem:$0x3F97]  }
0x30: {  	s3 =	sld [smem:$0x3F9A]  }
0x31: {  	[smem:$0x3FA3] =	sst s10  }
0x32: {  	s10 =	sld [smem:$0x3FA1];
	_ =	sdelay $0x3  }
0x33: {  	p0 =	seq.s32 s10, $0x1;
	s10 =	sld [smem:$0x3FA3];
	_ =	sdelay $0x3  }
0x34: {  	[smem:$0x3FA3] =	sst s10  }
0x35: {  	s10 =	sld [smem:$0x3FA2];
	_ =	sdelay $0x3  }
0x36: {  	p1 =	seq.s32 s10, $0x1;
	s10 =	sld [smem:$0x3FA3];
	_ =	sdelay $0x3  }
0x37: {  	[smem:$0x3FA3] =	sst s10  }
0x38: {  	s10 =	sld [smem:$0x3FA4]  }
0x39: {  	_ = 	snop;
	(pc) =	sbr.ind lr, $3  }
0x3a: {  	_ = 	snop  }
0x3b: {  	_ = 	snop  }
0x3c: {  	p2 =	seq.s32 s10, $0x1;
	s10 =	sld [smem:$0x3FA3]  }
0x3d: {  	_ =	shalt  }
0x3e: {  	_ =	shalt  }
0x3f: {  	_ =	shalt  }
0x40: {  	_ =	shalt  }
0x41: {  	_ =	shalt  }
0x42: {  	_ =	shalt  }
0x43: {  	_ =	shalt  }
0x44: {  	_ =	shalt  }
0x45: {  	_ =	shalt  }
0x46: {  	_ =	shalt  }
0x47: {  	_ =	shalt  }
0x48: {  	_ =	shalt  }
0x49: {  	_ =	shalt  }
0x4a: {  	_ =	shalt  }
0x4b: {  	_ =	shalt  }
0x4c: {  	_ =	shalt  }
0x4d: {  	_ =	shalt  }
0x4e: {  	_ =	shalt  }
0x4f: {  	_ =	shalt  }
0x50: {  	_ =	shalt  }
0x51: {  	_ =	shalt  }
0x52: {  	_ =	shalt  }
0x53: {  	_ =	shalt  }
0x54: {  	_ =	shalt  }
0x55: {  	_ =	shalt  }
0x56: {  	_ =	shalt  }
0x57: {  	_ =	shalt  }
0x58: {  	_ =	shalt  }
0x59: {  	_ =	shalt  }
0x5a: {  	_ =	shalt  }
0x5b: {  	_ =	shalt  }
0x5c: {  	_ =	shalt  }
0x5d: {  	_ =	shalt  }
0x5e: {  	_ =	shalt  }
0x5f: {  	_ =	shalt  }
0x60: {  	_ =	shalt  }
0x61: {  	_ =	shalt  }
0x62: {  	_ =	shalt  }
0x63: {  	_ =	shalt  }
0x64: {  	_ =	shalt  }
0x65: {  	_ =	shalt  }
0x66: {  	_ =	shalt  }
0x67: {  	_ =	shalt  }
0x68: {  	_ =	shalt  }
0x69: {  	_ =	shalt  }
0x6a: {  	_ =	shalt  }
0x6b: {  	_ =	shalt  }
0x6c: {  	_ =	shalt  }
0x6d: {  	_ =	shalt  }
0x6e: {  	_ =	shalt  }
0x6f: {  	_ =	shalt  }
0x70: {  	_ =	shalt  }
0x71: {  	_ =	shalt  }
0x72: {  	_ =	shalt  }
0x73: {  	_ =	shalt  }
0x74: {  	_ =	shalt  }
0x75: {  	_ =	shalt  }
0x76: {  	_ =	shalt  }
0x77: {  	_ =	shalt  }
0x78: {  	_ =	shalt  }
0x79: {  	_ =	shalt  }
0x7a: {  	_ =	shalt  }
0x7b: {  	_ =	shalt  }
0x7c: {  	_ =	shalt  }
0x7d: {  	_ =	shalt  }
0x7e: {  	_ =	shalt  }
0x7f: {  	_ =	shalt  }
0x80: {  	_ =	shalt  }
0x81: {  	_ =	shalt  }
0x82: {  	_ =	shalt  }
0x83: {  	_ =	shalt  }
0x84: {  	_ =	shalt  }
0x85: {  	_ =	shalt  }
0x86: {  	_ =	shalt  }
0x87: {  	_ =	shalt  }
.Lfunc_end0:
.L_simem_size_0:
called_computation.1_lowered:
.L_overlay_start_0:
0x88: {  	s2 =	sld [smem:$0x3FD9]  }
0x89: {  	s3 =	sld [smem:$0x3FFE];
	_ =	sdelay $0x1  }
0x8a: {  	s1 =	srdreg.scid  }
0x8b: {  	s0 =	sand.u32 $0x1, s1  }
0x8c: {  	s17 =	sshll.u32 s0, $0xA;
	s2 =	sadd.s32 s3, s2  }
0x8d: {  	s2 =	sadd.s32 s2, s17  }
0x8e: {  	[smem:$0x3FAF] =	sst s2  }
0x8f: {  	_ = 	snop  }
0x90: {  	s2 =	sld [smem:$0x3FD0];
	(tm) =	ssettm $0x1  }
0x91: {  	s18 =	sld [smem:$0x3FFB];
	_ =	sdelay $0x3  }
0x92: {  	_ =	strace s18  }
0x93: {  	s3 =	sld [smem:$0x3FFC];
	_ =	sdelay $0x3  }
0x94: {  	_ =	strace s3  }
0x95: {  	s3 =	sld [smem:$0x3FFD];
	_ =	sdelay $0x3  }
0x96: {  	_ =	strace s3  }
0x97: {  	_ =	strace $0x8FFFFFFF  }
0x98: {  	s19 =	sld [smem:$0x3FDB];
	_ =	sdelay $0x1  }
0x99: {  	s4 =	simm.s32 $_scs_section_size  }
0x9a: {  	s5 =	simm.s32 $_size__tile_overlayer_lowered;
	s6 =	simm.s32 $_tile_overlayer_lowered  }
0x9b: {  	s22 =	simm.s32 $0x1BFF;
	s21 =	sshll.u32 s6, $0x1;
	s3 =	sadd.s32 s4, s19  }
0x9c: {  	s7 =	simm.s32 $0x0;
	s20 =	sshll.u32 s5, $0x1;
	s5 =	sadd.s32 s21, s3  }
0x9d: {  	[timem:s7], [sflag:s22] =	dma.local [hbm:s5], s20  }
0x9e: {  	_ =	swait.ge [sflag:s22], s20  }
0x9f: {  	s4 =	ssub.s32 $0x0, s20;
	[sflag:s22] =	ssyncset.done $0x0  }
0xa0: {  	[sflag:s22] =	ssyncadd.s32 s4;
	_ =	sdelay $0x1  }
0xa1: {  	s23 =	simm.s32 $0x1B8B  }
0xa2: {  	_ =	swait.ge [sflag:s23], $0x1  }
0xa3: {  	[sflag:s23] =	ssyncset.done $0x0  }
0xa4: {  	s25 =	simm.s32 $0x1B8E;
	s24 =	sld [smem:$0x3FFE];
	[sflag:s23] =	ssyncadd.s32 $0xFFFFFFFF  }
0xa5: {  	s26 =	simm.s32 $execute0_lowered;
	[smem:$0x3FD2] =	sst s25  }
0xa6: {  	s5 =	sshll.u32 s26, $0x1;
	_ =	strace $0x80000049;
	[dreg:$0x1] =	wrdreg $0xFFFFFFFF  }
0xa7: {  	s28 =	simm.s32 $_size_execute0_lowered;
	s3 =	sadd.s32 s3, s5;
	[dreg:$0x0] =	wrdreg $0x0  }
0xa8: {  	s5 =	sshll.u32 s28, $0x1;
	[dreg:$0x2] =	wrdreg s3  }
0xa9: {  	[dreg:$0x3] =	wrdreg s5  }
0xaa: {  	[dreg:$0x4] =	wrdreg $0xC0  }
0xab: {  	_ =	task [dreg:s7], $0x5FFFF  }
0xac: {  	[dreg:$0x1] =	wrdreg $0xFFFFFFFF  }
0xad: {  	[dreg:$0x0] =	wrdreg $0x60  }
0xae: {  	[dreg:$0x2] =	wrdreg s24  }
0xaf: {  	[dreg:$0x3] =	wrdreg s2  }
0xb0: {  	[dreg:$0x4] =	wrdreg $0xA0000  }
0xb1: {  	[dreg:$0x5] =	wrdreg $0x9  }
0xb2: {  	_ =	task.clear_ibuf [dreg:s7], $0x6FFFF;
	_ =	strace $0x90000049  }
0xb3: {  	s29 =	simm.s32 $0x9;
	_ =	strace $0x8000004B  }
0xb4: {  	_ =	swait.ge [sflag:s29], $0x1  }
0xb5: {  	[sflag:s29] =	ssyncadd.s32 $0xFFFFFFFF  }
0xb6: {  	_ =	strace $0x9000004B  }
0xb7: {  	_ =	sfence  }
0xb8: {  	s30 =	sld [smem:$0x0];
	_ =	sdelay $0x2  }
0xb9: {  	s31 =	sshll.u32 s1, $0xD;
	s1 =	sshrl.u32 s1, $0x2  }
0xba: {  	s3 =	sand.u32 $0x4000, s31;
	s1 =	sadd.s32 s1, s30  }
0xbb: {  	s0 =	sor.u32 s3, s0;
	s1 =	sshll.u32 s1, $0x11  }
0xbc: {  	s0 =	sor.u32 s1, s0  }
0xbd: {  	s0 =	sadd.s32 $0x8F2B, s0  }
0xbe: {  	[sflag:s0] =	ssyncadd.remote.s32 $0x1  }
0xbf: {  	_ =	sfence.sel $0xFFFF  }
0xc0: {  	[dreg:$0x0] =	wrdreg $0xFFFFFFFF;
	(pc) =	sbr.abs _section_cstart, $3  }
0xc1: {  	[dreg:$0x1] =	wrdreg $0xFFFFFFFF  }
0xc2: {  	_ =	task.clear_ibuf [dreg:s7], $0x2FFFF;
	_ =	strace $0x9FFFFFFF  }
0xc3: {  	(tm) =	ssettm $0x7FFFFFFF  }
tec
execute0_lowered:
.L_overlay_start_1:
0x0: {  	(tag) =	ssettag $0x1  }
0x1: {  	s1 =	srdreg.scid;
	s6 =	rddreg [dreg:$0x0]  }
0x2: {  	s0 =	stileid.u32;
	s10 =	rddreg [dreg:$0x1]  }
0x3: {  	s2 =	rddreg [dreg:$0x2];
	s4 =	simm.s32 $0x0;
	s15 =	simm.s32 $0x2800  }
0x4: {  	s16 =	simm.s32 $0x2;
	s17 =	simm.s32 $0x5000;
	s18 =	simm.s32 $0x1  }
0x5: {  	s19 =	simm.s32 $0x80;
	s20 =	simm.s32 $0x400;
	s21 =	simm.s32 $0x7800  }
0x6: {  	s22 =	simm.s32 $0x0;
	s7 =	sand.u32 $0x1, s1;
	s29 =	sshll.u32 s0, $0x1  }
0x7: {  	[smem:$0x7FF] =	sst s4;
	s5 =	sadd.s32 $0x515E00, s6;
	s30 =	smul.u32 $0x2800, s0  }
0x8: {  	s12 =	sshrl.u32 s0, $0x2;
	s8 =	sor.u32 s7, s29;
	s11 =	smul.u32 $0x28000, s7  }
0x9: {  	_ =	strace $0x8000004A;
	s7 =	ssub.s32 $0x2, s7;
	s12 =	smul.u32 $0x14000, s12  }
0xa: {  	s3 =	smul.u32 $0x2710, s8;
	s13 =	sshll.u32 s8, $0x7;
	s14 =	sshrl.u32 s7, $0x1  }
0xb: {  	s8 =	smul.u32 $0x27100, s8;
	s11 =	sadd.s32 s11, s6;
	s13 =	sand.u32 $0x380, s13  }
0xc: {  	s14 =	ssub.s32 s7, s14;
	s9 =	sshrl.u32 s3, $0x3;
	s12 =	sor.u32 s12, s13  }
0xd: {  	s8 =	sadd.s32 s5, s8;
	s31 =	sadd.s32 s30, s11;
	s11 =	smax.u32 s14, $0x1  }
0xe: {  	s13 =	simm.s32 $0x50;
	s14 =	simm.s32 $0x2780;
	s9 =	sadd.s32 s9, s6  }
0xf: {  	v0 =	vimm.f32 $0.0e+00;
	vm0 =	vcmask $0x300;
	s6 =	smul.u32 $0x280, s0;
	s12 =	sshrl.u32 s12, $0x3;
	s7 =	sadd.s32 $0x2000, s9  }
0x10: {  	v1 =	vlaneseq.u32;
	v2 =	vsel vm0, $0x3F800000, v0;
	s9 =	sadd.s32 $0xA0, s3;
	s10 =	sadd.s32 s10, s12;
	s12 =	sadd.s32 $0xBE00, s31  }
.LBB2_1:
0x11: {  	s23 =	simm.s32 $0x0;
	s24 =	simm.s32 $0x200  }
.LBB2_2:
0x12: {  	p0 =	sne.s32 s24, $0x9E00;
	[tilespmem:s23+$0x2870] =	vst v0  }
0x13: {  	[tilespmem:s23+$0x2800] =	vst v0  }
0x14: {  	[tilespmem:s23+$0x2810] =	vst v0  }
.Ltmp0:
0x15: {  	[tilespmem:s23+$0x2820] =	vst v0;
	(pc) =	sbr.rel @p0 .LBB2_2-.Ltmp0, $4  }
0x16: {  	[tilespmem:s23+$0x2830] =	vst v0  }
0x17: {  	[tilespmem:s23+$0x2840] =	vst v0  }
0x18: {  	[tilespmem:s23+$0x2850] =	vst v0  }
0x19: {  	[tilespmem:s23+$0x2860] =	vst v0;
	s23 =	sshra.s32 s24, $0x2;
	s24 =	sadd.s32 $0x200, s24  }
0x1a: {  	[tilespmem:s23+$0x2870] =	vst v0  }
0x1b: {  	[tilespmem:s23+$0x2800] =	vst v0  }
0x1c: {  	[tilespmem:s23+$0x2810] =	vst v0  }
0x1d: {  	[tilespmem:s23+$0x2820] =	vst v0  }
0x1e: {  	[tilespmem:s23+$0x2830] =	vst v0  }
0x1f: {  	[tilespmem:s23+$0x2840] =	vst v0  }
0x20: {  	[tilespmem:s23+$0x2850] =	vst v0  }
0x21: {  	[tilespmem:s23+$0x2860] =	vst v0;
	s23 =	simm.s32 $0x40;
	s24 =	simm.s32 $0x0  }
.LBB2_4:
0x22: {  	p0 =	sne.s32 s23, $0x9FC0;
	[tilespmem:s24+$0x7800] =	vst v0;
	s24 =	smov.u32 s23;
	s23 =	sadd.s32 $0x40, s23  }
.Ltmp1:
0x23: {  	(pc) =	sbr.rel @p0 .LBB2_4-.Ltmp1, $2  }
0x24: {  	_ =	sdelay $0x2  }
0x25: {  	s24 =	sshra.s32 s24, $0x2  }
0x26: {  	s23 =	sadd.s32 $0x0, s6  }
0x27: {  	[tilespmem:s24+$0x7800] =	vst v0;
	v3 =	vor.u32 s23, v1;
	s31 =	sadd.s32 $0x40, s23  }
0x28: {  	s25 =	sadd.s32 $0x30, s23;
	[tilespmem:$0x2780] =	vst v3;
	v3 =	vor.u32 s31, v1  }
0x29: {  	s26 =	sadd.s32 $0x20, s23;
	v4 =	vor.u32 s25, v1;
	[tilespmem:$0x27C0] =	vst v3  }
0x2a: {  	s24 =	sadd.s32 $0x10, s23;
	s23 =	simm.s32 $0x50;
	v3 =	vor.u32 s26, v1;
	[tilespmem:$0x27B0] =	vst v4  }
.LBB2_6:
0x2b: {  	p0 =	sne.s32 s23, $0x230;
	v4 =	vor.u32 s24, v1;
	[tilespmem:$0x27A0] =	vst v3  }
0x2c: {  	[tilespmem:$0x2790] =	vst v4;
	[spmem:s2] =	stream.indirect.scatter [tilespmem:s15], [sflag:$0x2], $0x80, s14, s13, $0xb8  }
0x2d: {  	_ =	swait.ge [sflag:s16], $0x2800  }
.Ltmp2:
0x2e: {  	s24 =	sadd.s32 s23, s6;
	[sflag:s16] =	ssyncset.done $0x0;
	(pc) =	sbr.rel @p0 .LBB2_6-.Ltmp2, $4  }
0x2f: {  	v3 =	vor.u32 s24, v1;
	s25 =	sadd.s32 $0x40, s24;
	[sflag:s16] =	ssyncadd.s32 $0xFFFFD800  }
0x30: {  	s26 =	sadd.s32 $0x30, s24;
	[tilespmem:$0x2780] =	vst v3;
	v3 =	vor.u32 s25, v1  }
0x31: {  	v4 =	vor.u32 s26, v1;
	s25 =	sadd.s32 $0x20, s24;
	[tilespmem:$0x27C0] =	vst v3  }
0x32: {  	s23 =	sadd.s32 $0x50, s23;
	s24 =	sadd.s32 $0x10, s24;
	v3 =	vor.u32 s25, v1;
	[tilespmem:$0x27B0] =	vst v4  }
0x33: {  	v4 =	vor.u32 s24, v1;
	[tilespmem:$0x27A0] =	vst v3  }
0x34: {  	[tilespmem:$0x2790] =	vst v4  }
0x35: {  	[spmem:s2] =	stream.indirect.scatter [tilespmem:s15], [sflag:$0x2], $0x80, s14, s13, $0xb8;
	[tilespmem:$0x1E000] =	vst v63  }
0x36: {  	_ =	swait.ge [sflag:s16], $0x2800  }
0x37: {  	[sflag:s16] =	ssyncset.done $0x0  }
0x38: {  	s23 =	simm.s32 $0x0;
	[sflag:s16] =	ssyncadd.s32 $0xFFFFD800  }
0x39: {  	[tilespmem:s23], [sflag:$0x2] =	stream.linear.gather [hbm4b:s7+s23], $0x2710, $0x38;
	[tilespmem:$0x1E000] =	vst v63  }
0x3a: {  	_ =	swait.ge [sflag:s16], $0x2710  }
0x3b: {  	[sflag:s16] =	ssyncset.done $0x0  }
0x3c: {  	s24 =	simm.s32 $0x50;
	[sflag:s16] =	ssyncadd.s32 $0xFFFFD8F0  }
0x3d: {  	s25 =	simm.s32 $0x0;
	s26 =	simm.s32 $0x0;
	[bflag:$0x0] =	sbarrier.arrive $0xFFFF  }
0x3e: {  	[tilespmem:s15], [sflag:$0x1] =	stream.linear.gather [hbm4b:s8+s23], $0x2800, $0x38;
	[tilespmem:$0x1E000] =	vst v63  }
.LBB2_8:
0x3f: {  	s28 =	smul.u32 $0xA0, s26;
	_ =	sdelay $0x1  }
0x40: {  	s29 =	sadd.s32 s3, s28  }
0x41: {  	v3 =	vmov s25;
	s29 =	sshll.u32 s29, $0x4  }
0x42: {  	s29 =	sadd.s32 s5, s29  }
0x43: {  	s29 =	sadd.s32 $0x500, s29  }
0x44: {  	[tilespmem:s17], [sflag:$0x1] =	stream.linear.gather [hbm4b:s29+s23], $0x2800, $0x38;
	[tilespmem:$0x1E000] =	vst v63  }
0x45: {  	s29 =	simm.s32 $0x0  }
0x46: {  	v4 =	vld.idx.msk [tilespmem:v3+s29+$0x0 ss:$0x1], $0xffff;
	_ =	sdelay $0x4  }
0x47: {  	v5 =	vadd.s32 $0x7800, v4  }
0x48: {  	(v2sf) =	vpush v5, $0x0;
	_ =	sdelay $0x7  }
0x49: {  	(v2sf) =	vpush v5, $0x1;
	_ =	sdelay $0x6  }
0x4a: {  	[tilespmem:s29+$0x2780] =	vst v4;
	s29 =	spop (v2sf)  }
0x4b: {  	(v2sf) =	vpush v5, $0x2;
	v4 =	vld [tilespmem:s29+$0x0];
	_ =	sdelay $0x4  }
0x4c: {  	v4 =	vadd.f32 v2, v4;
	_ =	sdelay $0x1  }
0x4d: {  	[tilespmem:s29+$0x0] =	vst v4;
	s29 =	spop (v2sf)  }
0x4e: {  	(v2sf) =	vpush v5, $0x3;
	v4 =	vld [tilespmem:s29+$0x0];
	_ =	sdelay $0x4  }
0x4f: {  	v4 =	vadd.f32 v2, v4;
	_ =	sdelay $0x1  }
0x50: {  	[tilespmem:s29+$0x0] =	vst v4;
	s29 =	spop (v2sf)  }
0x51: {  	(v2sf) =	vpush v5, $0x4;
	v4 =	vld [tilespmem:s29+$0x0];
	_ =	sdelay $0x4  }
0x52: {  	v4 =	vadd.f32 v2, v4;
	_ =	sdelay $0x1  }
0x53: {  	[tilespmem:s29+$0x0] =	vst v4;
	s29 =	spop (v2sf)  }
0x54: {  	(v2sf) =	vpush v5, $0x5;
	v4 =	vld [tilespmem:s29+$0x0];
	_ =	sdelay $0x4  }
0x55: {  	v4 =	vadd.f32 v2, v4;
	_ =	sdelay $0x1  }
0x56: {  	[tilespmem:s29+$0x0] =	vst v4;
	s29 =	spop (v2sf)  }
0x57: {  	(v2sf) =	vpush v5, $0x6;
	v4 =	vld [tilespmem:s29+$0x0];
	_ =	sdelay $0x4  }
0x58: {  	v4 =	vadd.f32 v2, v4;
	_ =	sdelay $0x1  }
0x59: {  	[tilespmem:s29+$0x0] =	vst v4;
	s29 =	spop (v2sf)  }
0x5a: {  	(v2sf) =	vpush v5, $0x7;
	v4 =	vld [tilespmem:s29+$0x0];
	_ =	sdelay $0x4  }
0x5b: {  	v4 =	vadd.f32 v2, v4;
	_ =	sdelay $0x1  }
0x5c: {  	[tilespmem:s29+$0x0] =	vst v4;
	s29 =	spop (v2sf)  }
0x5d: {  	(v2sf) =	vpush v5, $0x8;
	v4 =	vld [tilespmem:s29+$0x0];
	_ =	sdelay $0x4  }
0x5e: {  	v4 =	vadd.f32 v2, v4;
	_ =	sdelay $0x1  }
0x5f: {  	[tilespmem:s29+$0x0] =	vst v4;
	s29 =	spop (v2sf)  }
0x60: {  	(v2sf) =	vpush v5, $0x9;
	v4 =	vld [tilespmem:s29+$0x0];
	_ =	sdelay $0x4  }
0x61: {  	v4 =	vadd.f32 v2, v4;
	_ =	sdelay $0x1  }
0x62: {  	[tilespmem:s29+$0x0] =	vst v4;
	s29 =	spop (v2sf)  }
0x63: {  	(v2sf) =	vpush v5, $0xA;
	v4 =	vld [tilespmem:s29+$0x0];
	_ =	sdelay $0x4  }
0x64: {  	v4 =	vadd.f32 v2, v4;
	_ =	sdelay $0x1  }
0x65: {  	[tilespmem:s29+$0x0] =	vst v4;
	s29 =	spop (v2sf)  }
0x66: {  	(v2sf) =	vpush v5, $0xB;
	v4 =	vld [tilespmem:s29+$0x0];
	_ =	sdelay $0x4  }
0x67: {  	v4 =	vadd.f32 v2, v4;
	_ =	sdelay $0x1  }
0x68: {  	[tilespmem:s29+$0x0] =	vst v4;
	s29 =	spop (v2sf)  }
0x69: {  	(v2sf) =	vpush v5, $0xC;
	v4 =	vld [tilespmem:s29+$0x0];
	_ =	sdelay $0x4  }
0x6a: {  	v4 =	vadd.f32 v2, v4;
	_ =	sdelay $0x1  }
0x6b: {  	[tilespmem:s29+$0x0] =	vst v4;
	s29 =	spop (v2sf)  }
0x6c: {  	(v2sf) =	vpush v5, $0xD;
	v4 =	vld [tilespmem:s29+$0x0];
	_ =	sdelay $0x4  }
0x6d: {  	v4 =	vadd.f32 v2, v4;
	_ =	sdelay $0x1  }
0x6e: {  	[tilespmem:s29+$0x0] =	vst v4;
	s29 =	spop (v2sf)  }
0x6f: {  	(v2sf) =	vpush v5, $0xE;
	v4 =	vld [tilespmem:s29+$0x0];
	_ =	sdelay $0x4  }
0x70: {  	v4 =	vadd.f32 v2, v4;
	_ =	sdelay $0x1  }
0x71: {  	[tilespmem:s29+$0x0] =	vst v4;
	s29 =	spop (v2sf)  }
0x72: {  	(v2sf) =	vpush v5, $0xF;
	v4 =	vld [tilespmem:s29+$0x0];
	_ =	sdelay $0x4  }
0x73: {  	v4 =	vadd.f32 v2, v4;
	_ =	sdelay $0x1  }
0x74: {  	[tilespmem:s29+$0x0] =	vst v4;
	s29 =	spop (v2sf)  }
0x75: {  	v4 =	vld [tilespmem:s29+$0x0];
	_ =	sdelay $0x4  }
0x76: {  	v4 =	vadd.f32 v2, v4;
	_ =	sdelay $0x1  }
0x77: {  	s31 =	spop (v2sf);
	[tilespmem:s29+$0x0] =	vst v4  }
0x78: {  	v4 =	vld [tilespmem:s31+$0x0];
	_ =	sdelay $0x4  }
0x79: {  	s30 =	simm.s32 $0x80;
	s29 =	simm.s32 $0x40;
	v4 =	vadd.f32 v2, v4  }
.LBB2_9:
0x7a: {  	p0 =	sne.s32 s30, $0x100  }
0x7b: {  	s1 =	sshra.s32 s29, $0x2;
	s29 =	smov.u32 s30;
	s30 =	sadd.s32 $0x40, s30;
	[tilespmem:s31+$0x0] =	vst v4  }
0x7c: {  	v5 =	vld.idx.msk [tilespmem:v3+s1+$0x0 ss:$0x1], $0xffff;
	_ =	sdelay $0x5  }
0x7d: {  	v4 =	vadd.s32 $0x7800, v5  }
0x7e: {  	(v2sf) =	vpush v4, $0x0;
	_ =	sdelay $0x7  }
0x7f: {  	(v2sf) =	vpush v4, $0x1;
	_ =	sdelay $0x6  }
0x80: {  	[tilespmem:s1+$0x2780] =	vst v5;
	s1 =	spop (v2sf)  }
0x81: {  	v5 =	vld [tilespmem:s1+$0x0];
	(v2sf) =	vpush v4, $0x2;
	_ =	sdelay $0x4  }
0x82: {  	v5 =	vadd.f32 v2, v5;
	_ =	sdelay $0x1  }
0x83: {  	[tilespmem:s1+$0x0] =	vst v5;
	s1 =	spop (v2sf)  }
0x84: {  	v5 =	vld [tilespmem:s1+$0x0];
	(v2sf) =	vpush v4, $0x3;
	_ =	sdelay $0x4  }
0x85: {  	v5 =	vadd.f32 v2, v5;
	_ =	sdelay $0x1  }
0x86: {  	[tilespmem:s1+$0x0] =	vst v5;
	s1 =	spop (v2sf)  }
0x87: {  	v5 =	vld [tilespmem:s1+$0x0];
	(v2sf) =	vpush v4, $0x4;
	_ =	sdelay $0x4  }
0x88: {  	v5 =	vadd.f32 v2, v5;
	_ =	sdelay $0x1  }
0x89: {  	[tilespmem:s1+$0x0] =	vst v5;
	s1 =	spop (v2sf)  }
0x8a: {  	v5 =	vld [tilespmem:s1+$0x0];
	(v2sf) =	vpush v4, $0x5;
	_ =	sdelay $0x4  }
0x8b: {  	v5 =	vadd.f32 v2, v5;
	_ =	sdelay $0x1  }
0x8c: {  	[tilespmem:s1+$0x0] =	vst v5;
	s1 =	spop (v2sf)  }
0x8d: {  	v5 =	vld [tilespmem:s1+$0x0];
	(v2sf) =	vpush v4, $0x6;
	_ =	sdelay $0x4  }
0x8e: {  	v5 =	vadd.f32 v2, v5;
	_ =	sdelay $0x1  }
0x8f: {  	[tilespmem:s1+$0x0] =	vst v5;
	s1 =	spop (v2sf)  }
0x90: {  	v5 =	vld [tilespmem:s1+$0x0];
	(v2sf) =	vpush v4, $0x7;
	_ =	sdelay $0x4  }
0x91: {  	v5 =	vadd.f32 v2, v5;
	_ =	sdelay $0x1  }
0x92: {  	[tilespmem:s1+$0x0] =	vst v5;
	s1 =	spop (v2sf)  }
0x93: {  	v5 =	vld [tilespmem:s1+$0x0];
	(v2sf) =	vpush v4, $0x8;
	_ =	sdelay $0x4  }
0x94: {  	v5 =	vadd.f32 v2, v5;
	_ =	sdelay $0x1  }
0x95: {  	[tilespmem:s1+$0x0] =	vst v5;
	s1 =	spop (v2sf)  }
0x96: {  	v5 =	vld [tilespmem:s1+$0x0];
	(v2sf) =	vpush v4, $0x9;
	_ =	sdelay $0x4  }
0x97: {  	v5 =	vadd.f32 v2, v5;
	_ =	sdelay $0x1  }
0x98: {  	[tilespmem:s1+$0x0] =	vst v5;
	s1 =	spop (v2sf)  }
0x99: {  	v5 =	vld [tilespmem:s1+$0x0];
	(v2sf) =	vpush v4, $0xA;
	_ =	sdelay $0x4  }
0x9a: {  	v5 =	vadd.f32 v2, v5;
	_ =	sdelay $0x1  }
0x9b: {  	[tilespmem:s1+$0x0] =	vst v5;
	s1 =	spop (v2sf)  }
0x9c: {  	v5 =	vld [tilespmem:s1+$0x0];
	(v2sf) =	vpush v4, $0xB;
	_ =	sdelay $0x4  }
0x9d: {  	v5 =	vadd.f32 v2, v5;
	_ =	sdelay $0x1  }
0x9e: {  	[tilespmem:s1+$0x0] =	vst v5;
	s1 =	spop (v2sf)  }
0x9f: {  	v5 =	vld [tilespmem:s1+$0x0];
	(v2sf) =	vpush v4, $0xC;
	_ =	sdelay $0x4  }
0xa0: {  	v5 =	vadd.f32 v2, v5;
	_ =	sdelay $0x1  }
0xa1: {  	[tilespmem:s1+$0x0] =	vst v5;
	s1 =	spop (v2sf)  }
0xa2: {  	v5 =	vld [tilespmem:s1+$0x0];
	(v2sf) =	vpush v4, $0xD;
	_ =	sdelay $0x4  }
0xa3: {  	v5 =	vadd.f32 v2, v5;
	_ =	sdelay $0x1  }
0xa4: {  	[tilespmem:s1+$0x0] =	vst v5;
	s1 =	spop (v2sf)  }
0xa5: {  	v5 =	vld [tilespmem:s1+$0x0];
	(v2sf) =	vpush v4, $0xE;
	_ =	sdelay $0x4  }
0xa6: {  	v5 =	vadd.f32 v2, v5;
	_ =	sdelay $0x1  }
0xa7: {  	[tilespmem:s1+$0x0] =	vst v5;
	s1 =	spop (v2sf)  }
0xa8: {  	v5 =	vld [tilespmem:s1+$0x0];
	(v2sf) =	vpush v4, $0xF;
	_ =	sdelay $0x4  }
0xa9: {  	v4 =	vadd.f32 v2, v5;
	_ =	sdelay $0x1  }
0xaa: {  	[tilespmem:s1+$0x0] =	vst v4;
	s1 =	spop (v2sf)  }
0xab: {  	v4 =	vld [tilespmem:s1+$0x0];
	_ =	sdelay $0x4  }
0xac: {  	v4 =	vadd.f32 v2, v4;
	_ =	sdelay $0x1  }
0xad: {  	[tilespmem:s1+$0x0] =	vst v4;
	s31 =	spop (v2sf)  }
0xae: {  	v4 =	vld [tilespmem:s31+$0x0]  }
.Ltmp3:
0xaf: {  	(pc) =	sbr.rel @p0 .LBB2_9-.Ltmp3, $2  }
0xb0: {  	_ =	sdelay $0x2  }
0xb1: {  	v4 =	vadd.f32 v2, v4  }
0xb2: {  	_ =	sdelay $0x2  }
0xb3: {  	s1 =	sshra.s32 s29, $0x2;
	[tilespmem:s31+$0x0] =	vst v4  }
0xb4: {  	v3 =	vld.idx.msk [tilespmem:v3+s1+$0x0 ss:$0x1], $0xffff;
	_ =	sdelay $0x4  }
0xb5: {  	v4 =	vadd.s32 $0x7800, v3  }
0xb6: {  	(v2sf) =	vpush v4, $0x0;
	_ =	sdelay $0x7  }
0xb7: {  	(v2sf) =	vpush v4, $0x1;
	_ =	sdelay $0x6  }
0xb8: {  	[tilespmem:s1+$0x2780] =	vst v3;
	s31 =	spop (v2sf)  }
0xb9: {  	(v2sf) =	vpush v4, $0x2;
	v3 =	vld [tilespmem:s31+$0x0];
	_ =	sdelay $0x4  }
0xba: {  	v3 =	vadd.f32 v2, v3;
	_ =	sdelay $0x1  }
0xbb: {  	[tilespmem:s31+$0x0] =	vst v3;
	s31 =	spop (v2sf)  }
0xbc: {  	(v2sf) =	vpush v4, $0x3;
	v3 =	vld [tilespmem:s31+$0x0];
	_ =	sdelay $0x4  }
0xbd: {  	v3 =	vadd.f32 v2, v3;
	_ =	sdelay $0x1  }
0xbe: {  	[tilespmem:s31+$0x0] =	vst v3;
	s31 =	spop (v2sf)  }
0xbf: {  	(v2sf) =	vpush v4, $0x4;
	v3 =	vld [tilespmem:s31+$0x0];
	_ =	sdelay $0x4  }
0xc0: {  	v3 =	vadd.f32 v2, v3;
	_ =	sdelay $0x1  }
0xc1: {  	[tilespmem:s31+$0x0] =	vst v3;
	s31 =	spop (v2sf)  }
0xc2: {  	(v2sf) =	vpush v4, $0x5;
	v3 =	vld [tilespmem:s31+$0x0];
	_ =	sdelay $0x4  }
0xc3: {  	v3 =	vadd.f32 v2, v3;
	_ =	sdelay $0x1  }
0xc4: {  	[tilespmem:s31+$0x0] =	vst v3;
	s31 =	spop (v2sf)  }
0xc5: {  	(v2sf) =	vpush v4, $0x6;
	v3 =	vld [tilespmem:s31+$0x0];
	_ =	sdelay $0x4  }
0xc6: {  	v3 =	vadd.f32 v2, v3;
	_ =	sdelay $0x1  }
0xc7: {  	[tilespmem:s31+$0x0] =	vst v3;
	s31 =	spop (v2sf)  }
0xc8: {  	(v2sf) =	vpush v4, $0x7;
	v3 =	vld [tilespmem:s31+$0x0];
	_ =	sdelay $0x4  }
0xc9: {  	v3 =	vadd.f32 v2, v3;
	_ =	sdelay $0x1  }
0xca: {  	[tilespmem:s31+$0x0] =	vst v3;
	s31 =	spop (v2sf)  }
0xcb: {  	(v2sf) =	vpush v4, $0x8;
	v3 =	vld [tilespmem:s31+$0x0];
	_ =	sdelay $0x4  }
0xcc: {  	v3 =	vadd.f32 v2, v3;
	_ =	sdelay $0x1  }
0xcd: {  	[tilespmem:s31+$0x0] =	vst v3;
	s31 =	spop (v2sf)  }
0xce: {  	(v2sf) =	vpush v4, $0x9;
	v3 =	vld [tilespmem:s31+$0x0];
	_ =	sdelay $0x4  }
0xcf: {  	v3 =	vadd.f32 v2, v3;
	_ =	sdelay $0x1  }
0xd0: {  	[tilespmem:s31+$0x0] =	vst v3;
	s31 =	spop (v2sf)  }
0xd1: {  	(v2sf) =	vpush v4, $0xA;
	v3 =	vld [tilespmem:s31+$0x0];
	_ =	sdelay $0x4  }
0xd2: {  	v3 =	vadd.f32 v2, v3;
	_ =	sdelay $0x1  }
0xd3: {  	[tilespmem:s31+$0x0] =	vst v3;
	s31 =	spop (v2sf)  }
0xd4: {  	(v2sf) =	vpush v4, $0xB;
	v3 =	vld [tilespmem:s31+$0x0];
	_ =	sdelay $0x4  }
0xd5: {  	v3 =	vadd.f32 v2, v3;
	_ =	sdelay $0x1  }
0xd6: {  	[tilespmem:s31+$0x0] =	vst v3;
	s31 =	spop (v2sf)  }
0xd7: {  	(v2sf) =	vpush v4, $0xC;
	v3 =	vld [tilespmem:s31+$0x0];
	_ =	sdelay $0x4  }
0xd8: {  	v3 =	vadd.f32 v2, v3;
	_ =	sdelay $0x1  }
0xd9: {  	[tilespmem:s31+$0x0] =	vst v3;
	s31 =	spop (v2sf)  }
0xda: {  	(v2sf) =	vpush v4, $0xD;
	v3 =	vld [tilespmem:s31+$0x0];
	_ =	sdelay $0x4  }
0xdb: {  	v3 =	vadd.f32 v2, v3;
	_ =	sdelay $0x1  }
0xdc: {  	[tilespmem:s31+$0x0] =	vst v3;
	s31 =	spop (v2sf)  }
0xdd: {  	(v2sf) =	vpush v4, $0xE;
	v3 =	vld [tilespmem:s31+$0x0];
	_ =	sdelay $0x4  }
0xde: {  	v3 =	vadd.f32 v2, v3;
	_ =	sdelay $0x1  }
0xdf: {  	[tilespmem:s31+$0x0] =	vst v3;
	s31 =	spop (v2sf)  }
0xe0: {  	(v2sf) =	vpush v4, $0xF;
	v3 =	vld [tilespmem:s31+$0x0];
	_ =	sdelay $0x4  }
0xe1: {  	v3 =	vadd.f32 v2, v3;
	_ =	sdelay $0x1  }
0xe2: {  	[tilespmem:s31+$0x0] =	vst v3;
	s31 =	spop (v2sf)  }
0xe3: {  	v3 =	vld [tilespmem:s31+$0x0];
	_ =	sdelay $0x4  }
0xe4: {  	v3 =	vadd.f32 v2, v3;
	_ =	sdelay $0x1  }
0xe5: {  	[tilespmem:s31+$0x0] =	vst v3;
	s31 =	spop (v2sf)  }
0xe6: {  	v3 =	vld [tilespmem:s31+$0x0];
	_ =	sdelay $0x4  }
0xe7: {  	v3 =	vadd.f32 v2, v3;
	_ =	sdelay $0x1  }
0xe8: {  	[tilespmem:s31+$0x0] =	vst v3  }
0xe9: {  	_ =	swait.ge [sflag:s18], $0x2800  }
0xea: {  	[sflag:s18] =	ssyncset.done $0x0  }
0xeb: {  	[sflag:s18] =	ssyncadd.s32 $0xFFFFD800  }
0xec: {  	v3 =	vmov s24;
	[spmem:s2] =	stream.indirect.scatter.add.f32 [tilespmem:s15], [sflag:$0x2], $0x80, s14, s13, $0xb8;
	[tilespmem:$0x1E000] =	vst v63  }
0xed: {  	s31 =	sadd.s32 s28, s9;
	_ =	swait.ge [sflag:s16], $0x2800  }
0xee: {  	s28 =	simm.s32 $0x0;
	s1 =	sshll.u32 s31, $0x4;
	[sflag:s16] =	ssyncset.done $0x0  }
0xef: {  	s31 =	simm.s32 $0x0;
	s1 =	sadd.s32 s5, s1;
	[sflag:s16] =	ssyncadd.s32 $0xFFFFD800  }
0xf0: {  	[tilespmem:s15], [sflag:$0x1] =	stream.linear.gather [hbm4b:s1+s28], $0x2800, $0x38;
	[tilespmem:$0x1E000] =	vst v63  }
0xf1: {  	v4 =	vld.idx.msk [tilespmem:v3+s31+$0x0 ss:$0x1], $0xffff;
	_ =	sdelay $0x4  }
0xf2: {  	v5 =	vadd.s32 $0x7800, v4  }
0xf3: {  	(v2sf) =	vpush v5, $0x0;
	_ =	sdelay $0x7  }
0xf4: {  	(v2sf) =	vpush v5, $0x1;
	_ =	sdelay $0x6  }
0xf5: {  	[tilespmem:s31+$0x2780] =	vst v4;
	s31 =	spop (v2sf)  }
0xf6: {  	(v2sf) =	vpush v5, $0x2;
	v4 =	vld [tilespmem:s31+$0x0];
	_ =	sdelay $0x4  }
0xf7: {  	v4 =	vadd.f32 v2, v4;
	_ =	sdelay $0x1  }
0xf8: {  	[tilespmem:s31+$0x0] =	vst v4;
	s31 =	spop (v2sf)  }
0xf9: {  	(v2sf) =	vpush v5, $0x3;
	v4 =	vld [tilespmem:s31+$0x0];
	_ =	sdelay $0x4  }
0xfa: {  	v4 =	vadd.f32 v2, v4;
	_ =	sdelay $0x1  }
0xfb: {  	[tilespmem:s31+$0x0] =	vst v4;
	s31 =	spop (v2sf)  }
0xfc: {  	(v2sf) =	vpush v5, $0x4;
	v4 =	vld [tilespmem:s31+$0x0];
	_ =	sdelay $0x4  }
0xfd: {  	v4 =	vadd.f32 v2, v4;
	_ =	sdelay $0x1  }
0xfe: {  	[tilespmem:s31+$0x0] =	vst v4;
	s31 =	spop (v2sf)  }
0xff: {  	(v2sf) =	vpush v5, $0x5;
	v4 =	vld [tilespmem:s31+$0x0];
	_ =	sdelay $0x4  }
0x100: {  	v4 =	vadd.f32 v2, v4;
	_ =	sdelay $0x1  }
0x101: {  	[tilespmem:s31+$0x0] =	vst v4;
	s31 =	spop (v2sf)  }
0x102: {  	(v2sf) =	vpush v5, $0x6;
	v4 =	vld [tilespmem:s31+$0x0];
	_ =	sdelay $0x4  }
0x103: {  	v4 =	vadd.f32 v2, v4;
	_ =	sdelay $0x1  }
0x104: {  	[tilespmem:s31+$0x0] =	vst v4;
	s31 =	spop (v2sf)  }
0x105: {  	(v2sf) =	vpush v5, $0x7;
	v4 =	vld [tilespmem:s31+$0x0];
	_ =	sdelay $0x4  }
0x106: {  	v4 =	vadd.f32 v2, v4;
	_ =	sdelay $0x1  }
0x107: {  	[tilespmem:s31+$0x0] =	vst v4;
	s31 =	spop (v2sf)  }
0x108: {  	(v2sf) =	vpush v5, $0x8;
	v4 =	vld [tilespmem:s31+$0x0];
	_ =	sdelay $0x4  }
0x109: {  	v4 =	vadd.f32 v2, v4;
	_ =	sdelay $0x1  }
0x10a: {  	[tilespmem:s31+$0x0] =	vst v4;
	s31 =	spop (v2sf)  }
0x10b: {  	(v2sf) =	vpush v5, $0x9;
	v4 =	vld [tilespmem:s31+$0x0];
	_ =	sdelay $0x4  }
0x10c: {  	v4 =	vadd.f32 v2, v4;
	_ =	sdelay $0x1  }
0x10d: {  	[tilespmem:s31+$0x0] =	vst v4;
	s31 =	spop (v2sf)  }
0x10e: {  	(v2sf) =	vpush v5, $0xA;
	v4 =	vld [tilespmem:s31+$0x0];
	_ =	sdelay $0x4  }
0x10f: {  	v4 =	vadd.f32 v2, v4;
	_ =	sdelay $0x1  }
0x110: {  	[tilespmem:s31+$0x0] =	vst v4;
	s31 =	spop (v2sf)  }
0x111: {  	(v2sf) =	vpush v5, $0xB;
	v4 =	vld [tilespmem:s31+$0x0];
	_ =	sdelay $0x4  }
0x112: {  	v4 =	vadd.f32 v2, v4;
	_ =	sdelay $0x1  }
0x113: {  	[tilespmem:s31+$0x0] =	vst v4;
	s31 =	spop (v2sf)  }
0x114: {  	(v2sf) =	vpush v5, $0xC;
	v4 =	vld [tilespmem:s31+$0x0];
	_ =	sdelay $0x4  }
0x115: {  	v4 =	vadd.f32 v2, v4;
	_ =	sdelay $0x1  }
0x116: {  	[tilespmem:s31+$0x0] =	vst v4;
	s31 =	spop (v2sf)  }
0x117: {  	(v2sf) =	vpush v5, $0xD;
	v4 =	vld [tilespmem:s31+$0x0];
	_ =	sdelay $0x4  }
0x118: {  	v4 =	vadd.f32 v2, v4;
	_ =	sdelay $0x1  }
0x119: {  	[tilespmem:s31+$0x0] =	vst v4;
	s31 =	spop (v2sf)  }
0x11a: {  	(v2sf) =	vpush v5, $0xE;
	v4 =	vld [tilespmem:s31+$0x0];
	_ =	sdelay $0x4  }
0x11b: {  	v4 =	vadd.f32 v2, v4;
	_ =	sdelay $0x1  }
0x11c: {  	[tilespmem:s31+$0x0] =	vst v4;
	s31 =	spop (v2sf)  }
0x11d: {  	(v2sf) =	vpush v5, $0xF;
	v4 =	vld [tilespmem:s31+$0x0];
	_ =	sdelay $0x4  }
0x11e: {  	v4 =	vadd.f32 v2, v4;
	_ =	sdelay $0x1  }
0x11f: {  	[tilespmem:s31+$0x0] =	vst v4;
	s31 =	spop (v2sf)  }
0x120: {  	v4 =	vld [tilespmem:s31+$0x0];
	_ =	sdelay $0x4  }
0x121: {  	v4 =	vadd.f32 v2, v4;
	_ =	sdelay $0x1  }
0x122: {  	s30 =	spop (v2sf);
	[tilespmem:s31+$0x0] =	vst v4  }
0x123: {  	v4 =	vld [tilespmem:s30+$0x0];
	_ =	sdelay $0x4  }
0x124: {  	s29 =	simm.s32 $0x80;
	s28 =	simm.s32 $0x40;
	v4 =	vadd.f32 v2, v4  }
.LBB2_11:
0x125: {  	p0 =	sne.s32 s29, $0x100  }
0x126: {  	s1 =	sshra.s32 s28, $0x2;
	s28 =	smov.u32 s29;
	s29 =	sadd.s32 $0x40, s29;
	[tilespmem:s30+$0x0] =	vst v4  }
0x127: {  	v5 =	vld.idx.msk [tilespmem:v3+s1+$0x0 ss:$0x1], $0xffff;
	_ =	sdelay $0x5  }
0x128: {  	v4 =	vadd.s32 $0x7800, v5  }
0x129: {  	(v2sf) =	vpush v4, $0x0;
	_ =	sdelay $0x7  }
0x12a: {  	(v2sf) =	vpush v4, $0x1;
	_ =	sdelay $0x6  }
0x12b: {  	[tilespmem:s1+$0x2780] =	vst v5;
	s1 =	spop (v2sf)  }
0x12c: {  	v5 =	vld [tilespmem:s1+$0x0];
	(v2sf) =	vpush v4, $0x2;
	_ =	sdelay $0x4  }
0x12d: {  	v5 =	vadd.f32 v2, v5;
	_ =	sdelay $0x1  }
0x12e: {  	[tilespmem:s1+$0x0] =	vst v5;
	s1 =	spop (v2sf)  }
0x12f: {  	v5 =	vld [tilespmem:s1+$0x0];
	(v2sf) =	vpush v4, $0x3;
	_ =	sdelay $0x4  }
0x130: {  	v5 =	vadd.f32 v2, v5;
	_ =	sdelay $0x1  }
0x131: {  	[tilespmem:s1+$0x0] =	vst v5;
	s1 =	spop (v2sf)  }
0x132: {  	v5 =	vld [tilespmem:s1+$0x0];
	(v2sf) =	vpush v4, $0x4;
	_ =	sdelay $0x4  }
0x133: {  	v5 =	vadd.f32 v2, v5;
	_ =	sdelay $0x1  }
0x134: {  	[tilespmem:s1+$0x0] =	vst v5;
	s1 =	spop (v2sf)  }
0x135: {  	v5 =	vld [tilespmem:s1+$0x0];
	(v2sf) =	vpush v4, $0x5;
	_ =	sdelay $0x4  }
0x136: {  	v5 =	vadd.f32 v2, v5;
	_ =	sdelay $0x1  }
0x137: {  	[tilespmem:s1+$0x0] =	vst v5;
	s1 =	spop (v2sf)  }
0x138: {  	v5 =	vld [tilespmem:s1+$0x0];
	(v2sf) =	vpush v4, $0x6;
	_ =	sdelay $0x4  }
0x139: {  	v5 =	vadd.f32 v2, v5;
	_ =	sdelay $0x1  }
0x13a: {  	[tilespmem:s1+$0x0] =	vst v5;
	s1 =	spop (v2sf)  }
0x13b: {  	v5 =	vld [tilespmem:s1+$0x0];
	(v2sf) =	vpush v4, $0x7;
	_ =	sdelay $0x4  }
0x13c: {  	v5 =	vadd.f32 v2, v5;
	_ =	sdelay $0x1  }
0x13d: {  	[tilespmem:s1+$0x0] =	vst v5;
	s1 =	spop (v2sf)  }
0x13e: {  	v5 =	vld [tilespmem:s1+$0x0];
	(v2sf) =	vpush v4, $0x8;
	_ =	sdelay $0x4  }
0x13f: {  	v5 =	vadd.f32 v2, v5;
	_ =	sdelay $0x1  }
0x140: {  	[tilespmem:s1+$0x0] =	vst v5;
	s1 =	spop (v2sf)  }
0x141: {  	v5 =	vld [tilespmem:s1+$0x0];
	(v2sf) =	vpush v4, $0x9;
	_ =	sdelay $0x4  }
0x142: {  	v5 =	vadd.f32 v2, v5;
	_ =	sdelay $0x1  }
0x143: {  	[tilespmem:s1+$0x0] =	vst v5;
	s1 =	spop (v2sf)  }
0x144: {  	v5 =	vld [tilespmem:s1+$0x0];
	(v2sf) =	vpush v4, $0xA;
	_ =	sdelay $0x4  }
0x145: {  	v5 =	vadd.f32 v2, v5;
	_ =	sdelay $0x1  }
0x146: {  	[tilespmem:s1+$0x0] =	vst v5;
	s1 =	spop (v2sf)  }
0x147: {  	v5 =	vld [tilespmem:s1+$0x0];
	(v2sf) =	vpush v4, $0xB;
	_ =	sdelay $0x4  }
0x148: {  	v5 =	vadd.f32 v2, v5;
	_ =	sdelay $0x1  }
0x149: {  	[tilespmem:s1+$0x0] =	vst v5;
	s1 =	spop (v2sf)  }
0x14a: {  	v5 =	vld [tilespmem:s1+$0x0];
	(v2sf) =	vpush v4, $0xC;
	_ =	sdelay $0x4  }
0x14b: {  	v5 =	vadd.f32 v2, v5;
	_ =	sdelay $0x1  }
0x14c: {  	[tilespmem:s1+$0x0] =	vst v5;
	s1 =	spop (v2sf)  }
0x14d: {  	v5 =	vld [tilespmem:s1+$0x0];
	(v2sf) =	vpush v4, $0xD;
	_ =	sdelay $0x4  }
0x14e: {  	v5 =	vadd.f32 v2, v5;
	_ =	sdelay $0x1  }
0x14f: {  	[tilespmem:s1+$0x0] =	vst v5;
	s1 =	spop (v2sf)  }
0x150: {  	v5 =	vld [tilespmem:s1+$0x0];
	(v2sf) =	vpush v4, $0xE;
	_ =	sdelay $0x4  }
0x151: {  	v5 =	vadd.f32 v2, v5;
	_ =	sdelay $0x1  }
0x152: {  	[tilespmem:s1+$0x0] =	vst v5;
	s1 =	spop (v2sf)  }
0x153: {  	v5 =	vld [tilespmem:s1+$0x0];
	(v2sf) =	vpush v4, $0xF;
	_ =	sdelay $0x4  }
0x154: {  	v4 =	vadd.f32 v2, v5;
	_ =	sdelay $0x1  }
0x155: {  	[tilespmem:s1+$0x0] =	vst v4;
	s1 =	spop (v2sf)  }
0x156: {  	v4 =	vld [tilespmem:s1+$0x0];
	_ =	sdelay $0x4  }
0x157: {  	v4 =	vadd.f32 v2, v4;
	_ =	sdelay $0x1  }
0x158: {  	[tilespmem:s1+$0x0] =	vst v4;
	s30 =	spop (v2sf)  }
0x159: {  	v4 =	vld [tilespmem:s30+$0x0]  }
.Ltmp4:
0x15a: {  	(pc) =	sbr.rel @p0 .LBB2_11-.Ltmp4, $2  }
0x15b: {  	_ =	sdelay $0x2  }
0x15c: {  	v4 =	vadd.f32 v2, v4  }
0x15d: {  	_ =	sdelay $0x2  }
0x15e: {  	s1 =	sshra.s32 s28, $0x2;
	[tilespmem:s30+$0x0] =	vst v4  }
0x15f: {  	v3 =	vld.idx.msk [tilespmem:v3+s1+$0x0 ss:$0x1], $0xffff;
	_ =	sdelay $0x4  }
0x160: {  	v63 =	vadd.s32 $0x7800, v3  }
0x161: {  	(v2sf) =	vpush v63, $0x0;
	_ =	sdelay $0x7  }
0x162: {  	(v2sf) =	vpush v63, $0x1;
	_ =	sdelay $0x6  }
0x163: {  	[tilespmem:s1+$0x2780] =	vst v3;
	s28 =	spop (v2sf)  }
0x164: {  	(v2sf) =	vpush v63, $0x2;
	v3 =	vld [tilespmem:s28+$0x0];
	_ =	sdelay $0x4  }
0x165: {  	v3 =	vadd.f32 v2, v3;
	_ =	sdelay $0x1  }
0x166: {  	s29 =	spop (v2sf);
	[tilespmem:s28+$0x0] =	vst v3  }
0x167: {  	(v2sf) =	vpush v63, $0x3;
	v3 =	vld [tilespmem:s29+$0x0];
	_ =	sdelay $0x4  }
0x168: {  	v3 =	vadd.f32 v2, v3;
	_ =	sdelay $0x1  }
0x169: {  	s30 =	spop (v2sf);
	[tilespmem:s29+$0x0] =	vst v3  }
0x16a: {  	(v2sf) =	vpush v63, $0x4;
	v3 =	vld [tilespmem:s30+$0x0];
	_ =	sdelay $0x4  }
0x16b: {  	v3 =	vadd.f32 v2, v3;
	_ =	sdelay $0x1  }
0x16c: {  	s31 =	spop (v2sf);
	[tilespmem:s30+$0x0] =	vst v3  }
0x16d: {  	(v2sf) =	vpush v63, $0x5;
	v3 =	vld [tilespmem:s31+$0x0];
	_ =	sdelay $0x4  }
0x16e: {  	v3 =	vadd.f32 v2, v3;
	_ =	sdelay $0x1  }
0x16f: {  	s28 =	spop (v2sf);
	[tilespmem:s31+$0x0] =	vst v3  }
0x170: {  	(v2sf) =	vpush v63, $0x6;
	v3 =	vld [tilespmem:s28+$0x0];
	_ =	sdelay $0x4  }
0x171: {  	v3 =	vadd.f32 v2, v3;
	_ =	sdelay $0x1  }
0x172: {  	s29 =	spop (v2sf);
	[tilespmem:s28+$0x0] =	vst v3  }
0x173: {  	(v2sf) =	vpush v63, $0x7;
	v3 =	vld [tilespmem:s29+$0x0];
	_ =	sdelay $0x4  }
0x174: {  	v3 =	vadd.f32 v2, v3;
	_ =	sdelay $0x1  }
0x175: {  	s30 =	spop (v2sf);
	[tilespmem:s29+$0x0] =	vst v3  }
0x176: {  	(v2sf) =	vpush v63, $0x8;
	v3 =	vld [tilespmem:s30+$0x0];
	_ =	sdelay $0x4  }
0x177: {  	v3 =	vadd.f32 v2, v3;
	_ =	sdelay $0x1  }
0x178: {  	s31 =	spop (v2sf);
	[tilespmem:s30+$0x0] =	vst v3  }
0x179: {  	(v2sf) =	vpush v63, $0x9;
	v3 =	vld [tilespmem:s31+$0x0];
	_ =	sdelay $0x4  }
0x17a: {  	v3 =	vadd.f32 v2, v3;
	_ =	sdelay $0x1  }
0x17b: {  	s28 =	spop (v2sf);
	[tilespmem:s31+$0x0] =	vst v3  }
0x17c: {  	(v2sf) =	vpush v63, $0xA;
	v3 =	vld [tilespmem:s28+$0x0];
	_ =	sdelay $0x4  }
0x17d: {  	v3 =	vadd.f32 v2, v3;
	_ =	sdelay $0x1  }
0x17e: {  	s29 =	spop (v2sf);
	[tilespmem:s28+$0x0] =	vst v3  }
0x17f: {  	(v2sf) =	vpush v63, $0xB;
	v3 =	vld [tilespmem:s29+$0x0];
	_ =	sdelay $0x4  }
0x180: {  	v3 =	vadd.f32 v2, v3;
	_ =	sdelay $0x1  }
0x181: {  	s30 =	spop (v2sf);
	[tilespmem:s29+$0x0] =	vst v3  }
0x182: {  	(v2sf) =	vpush v63, $0xC;
	v3 =	vld [tilespmem:s30+$0x0];
	_ =	sdelay $0x4  }
0x183: {  	v3 =	vadd.f32 v2, v3;
	_ =	sdelay $0x1  }
0x184: {  	s31 =	spop (v2sf);
	[tilespmem:s30+$0x0] =	vst v3  }
0x185: {  	(v2sf) =	vpush v63, $0xD;
	v3 =	vld [tilespmem:s31+$0x0];
	_ =	sdelay $0x4  }
0x186: {  	v3 =	vadd.f32 v2, v3;
	_ =	sdelay $0x1  }
0x187: {  	s28 =	spop (v2sf);
	[tilespmem:s31+$0x0] =	vst v3  }
0x188: {  	(v2sf) =	vpush v63, $0xE;
	v3 =	vld [tilespmem:s28+$0x0];
	_ =	sdelay $0x4  }
0x189: {  	v3 =	vadd.f32 v2, v3;
	_ =	sdelay $0x1  }
0x18a: {  	s29 =	spop (v2sf);
	[tilespmem:s28+$0x0] =	vst v3  }
0x18b: {  	(v2sf) =	vpush v63, $0xF;
	v3 =	vld [tilespmem:s29+$0x0];
	_ =	sdelay $0x4  }
0x18c: {  	v3 =	vadd.f32 v2, v3;
	_ =	sdelay $0x1  }
0x18d: {  	s30 =	spop (v2sf);
	[tilespmem:s29+$0x0] =	vst v3  }
0x18e: {  	v3 =	vld [tilespmem:s30+$0x0];
	_ =	sdelay $0x4  }
0x18f: {  	v3 =	vadd.f32 v2, v3;
	_ =	sdelay $0x1  }
0x190: {  	s31 =	spop (v2sf);
	[tilespmem:s30+$0x0] =	vst v3  }
0x191: {  	v3 =	vld [tilespmem:s31+$0x0];
	_ =	sdelay $0x4  }
0x192: {  	v3 =	vadd.f32 v2, v3;
	_ =	sdelay $0x1  }
0x193: {  	[tilespmem:s31+$0x0] =	vst v3  }
0x194: {  	s26 =	sadd.s32 $0x1, s26;
	_ =	swait.ge [sflag:s18], $0x2800  }
0x195: {  	p0 =	sne.s32 s26, $0x3E;
	[sflag:s18] =	ssyncset.done $0x0  }
.Ltmp5:
0x196: {  	[sflag:s18] =	ssyncadd.s32 $0xFFFFD800;
	(pc) =	sbr.rel @p0 .LBB2_8-.Ltmp5, $4  }
0x197: {  	[spmem:s2] =	stream.indirect.scatter.add.f32 [tilespmem:s17], [sflag:$0x2], $0x80, s14, s13, $0xb8;
	[tilespmem:$0x1E000] =	vst v63  }
0x198: {  	_ =	swait.ge [sflag:s16], $0x2800  }
0x199: {  	[sflag:s16] =	ssyncset.done $0x0  }
0x19a: {  	s25 =	sadd.s32 $0xA0, s25;
	s24 =	sadd.s32 $0xA0, s24;
	[sflag:s16] =	ssyncadd.s32 $0xFFFFD800  }
0x19b: {  	s1 =	simm.s32 $0x0  }
0x19c: {  	v3 =	vld [tilespmem:s1+$0x26C0];
	_ =	sdelay $0x4  }
0x19d: {  	v4 =	vadd.s32 $0x7800, v3  }
0x19e: {  	(v2sf) =	vpush v4, $0x0;
	_ =	sdelay $0x7  }
0x19f: {  	(v2sf) =	vpush v4, $0x1;
	_ =	sdelay $0x6  }
0x1a0: {  	[tilespmem:s1+$0x2780] =	vst v3;
	s24 =	spop (v2sf)  }
0x1a1: {  	(v2sf) =	vpush v4, $0x2;
	v3 =	vld [tilespmem:s24+$0x0];
	_ =	sdelay $0x4  }
0x1a2: {  	v3 =	vadd.f32 v2, v3;
	_ =	sdelay $0x1  }
0x1a3: {  	s25 =	spop (v2sf);
	[tilespmem:s24+$0x0] =	vst v3  }
0x1a4: {  	(v2sf) =	vpush v4, $0x3;
	v3 =	vld [tilespmem:s25+$0x0];
	_ =	sdelay $0x4  }
0x1a5: {  	v3 =	vadd.f32 v2, v3;
	_ =	sdelay $0x1  }
0x1a6: {  	s26 =	spop (v2sf);
	[tilespmem:s25+$0x0] =	vst v3  }
0x1a7: {  	(v2sf) =	vpush v4, $0x4;
	v3 =	vld [tilespmem:s26+$0x0];
	_ =	sdelay $0x4  }
0x1a8: {  	v3 =	vadd.f32 v2, v3;
	_ =	sdelay $0x1  }
0x1a9: {  	s28 =	spop (v2sf);
	[tilespmem:s26+$0x0] =	vst v3  }
0x1aa: {  	(v2sf) =	vpush v4, $0x5;
	v3 =	vld [tilespmem:s28+$0x0];
	_ =	sdelay $0x4  }
0x1ab: {  	v3 =	vadd.f32 v2, v3;
	_ =	sdelay $0x1  }
0x1ac: {  	s29 =	spop (v2sf);
	[tilespmem:s28+$0x0] =	vst v3  }
0x1ad: {  	(v2sf) =	vpush v4, $0x6;
	v3 =	vld [tilespmem:s29+$0x0];
	_ =	sdelay $0x4  }
0x1ae: {  	v3 =	vadd.f32 v2, v3;
	_ =	sdelay $0x1  }
0x1af: {  	s30 =	spop (v2sf);
	[tilespmem:s29+$0x0] =	vst v3  }
0x1b0: {  	(v2sf) =	vpush v4, $0x7;
	v3 =	vld [tilespmem:s30+$0x0];
	_ =	sdelay $0x4  }
0x1b1: {  	v3 =	vadd.f32 v2, v3;
	_ =	sdelay $0x1  }
0x1b2: {  	s31 =	spop (v2sf);
	[tilespmem:s30+$0x0] =	vst v3  }
0x1b3: {  	(v2sf) =	vpush v4, $0x8;
	v3 =	vld [tilespmem:s31+$0x0];
	_ =	sdelay $0x4  }
0x1b4: {  	v3 =	vadd.f32 v2, v3;
	_ =	sdelay $0x1  }
0x1b5: {  	s23 =	spop (v2sf);
	[tilespmem:s31+$0x0] =	vst v3  }
0x1b6: {  	(v2sf) =	vpush v4, $0x9;
	v3 =	vld [tilespmem:s23+$0x0];
	_ =	sdelay $0x4  }
0x1b7: {  	v3 =	vadd.f32 v2, v3;
	_ =	sdelay $0x1  }
0x1b8: {  	s24 =	spop (v2sf);
	[tilespmem:s23+$0x0] =	vst v3  }
0x1b9: {  	(v2sf) =	vpush v4, $0xA;
	v3 =	vld [tilespmem:s24+$0x0];
	_ =	sdelay $0x4  }
0x1ba: {  	v3 =	vadd.f32 v2, v3;
	_ =	sdelay $0x1  }
0x1bb: {  	s25 =	spop (v2sf);
	[tilespmem:s24+$0x0] =	vst v3  }
0x1bc: {  	(v2sf) =	vpush v4, $0xB;
	v3 =	vld [tilespmem:s25+$0x0];
	_ =	sdelay $0x4  }
0x1bd: {  	v3 =	vadd.f32 v2, v3;
	_ =	sdelay $0x1  }
0x1be: {  	s26 =	spop (v2sf);
	[tilespmem:s25+$0x0] =	vst v3  }
0x1bf: {  	(v2sf) =	vpush v4, $0xC;
	v3 =	vld [tilespmem:s26+$0x0];
	_ =	sdelay $0x4  }
0x1c0: {  	v3 =	vadd.f32 v2, v3;
	_ =	sdelay $0x1  }
0x1c1: {  	s28 =	spop (v2sf);
	[tilespmem:s26+$0x0] =	vst v3  }
0x1c2: {  	(v2sf) =	vpush v4, $0xD;
	v3 =	vld [tilespmem:s28+$0x0];
	_ =	sdelay $0x4  }
0x1c3: {  	v3 =	vadd.f32 v2, v3;
	_ =	sdelay $0x1  }
0x1c4: {  	s29 =	spop (v2sf);
	[tilespmem:s28+$0x0] =	vst v3  }
0x1c5: {  	(v2sf) =	vpush v4, $0xE;
	v3 =	vld [tilespmem:s29+$0x0];
	_ =	sdelay $0x4  }
0x1c6: {  	v3 =	vadd.f32 v2, v3;
	_ =	sdelay $0x1  }
0x1c7: {  	s30 =	spop (v2sf);
	[tilespmem:s29+$0x0] =	vst v3  }
0x1c8: {  	(v2sf) =	vpush v4, $0xF;
	v3 =	vld [tilespmem:s30+$0x0];
	_ =	sdelay $0x4  }
0x1c9: {  	v3 =	vadd.f32 v2, v3;
	_ =	sdelay $0x1  }
0x1ca: {  	s31 =	spop (v2sf);
	[tilespmem:s30+$0x0] =	vst v3  }
0x1cb: {  	v3 =	vld [tilespmem:s31+$0x0];
	_ =	sdelay $0x4  }
0x1cc: {  	v3 =	vadd.f32 v2, v3;
	_ =	sdelay $0x1  }
0x1cd: {  	s25 =	spop (v2sf);
	[tilespmem:s31+$0x0] =	vst v3  }
0x1ce: {  	v3 =	vld [tilespmem:s25+$0x0];
	_ =	sdelay $0x4  }
0x1cf: {  	s23 =	simm.s32 $0x40;
	s24 =	simm.s32 $0x80;
	v3 =	vadd.f32 v2, v3  }
.LBB2_14:
0x1d0: {  	p0 =	sne.s32 s24, $0x100  }
0x1d1: {  	s1 =	sshra.s32 s23, $0x2;
	s23 =	smov.u32 s24;
	s24 =	sadd.s32 $0x40, s24;
	[tilespmem:s25+$0x0] =	vst v3  }
0x1d2: {  	v4 =	vld [tilespmem:s1+$0x26C0];
	_ =	sdelay $0x4  }
0x1d3: {  	v3 =	vadd.s32 $0x7800, v4  }
0x1d4: {  	(v2sf) =	vpush v3, $0x0;
	_ =	sdelay $0x7  }
0x1d5: {  	(v2sf) =	vpush v3, $0x1;
	_ =	sdelay $0x6  }
0x1d6: {  	[tilespmem:s1+$0x2780] =	vst v4;
	s1 =	spop (v2sf)  }
0x1d7: {  	v4 =	vld [tilespmem:s1+$0x0];
	(v2sf) =	vpush v3, $0x2;
	_ =	sdelay $0x4  }
0x1d8: {  	v4 =	vadd.f32 v2, v4;
	_ =	sdelay $0x1  }
0x1d9: {  	[tilespmem:s1+$0x0] =	vst v4;
	s1 =	spop (v2sf)  }
0x1da: {  	v4 =	vld [tilespmem:s1+$0x0];
	(v2sf) =	vpush v3, $0x3;
	_ =	sdelay $0x4  }
0x1db: {  	v4 =	vadd.f32 v2, v4;
	_ =	sdelay $0x1  }
0x1dc: {  	[tilespmem:s1+$0x0] =	vst v4;
	s1 =	spop (v2sf)  }
0x1dd: {  	v4 =	vld [tilespmem:s1+$0x0];
	(v2sf) =	vpush v3, $0x4;
	_ =	sdelay $0x4  }
0x1de: {  	v4 =	vadd.f32 v2, v4;
	_ =	sdelay $0x1  }
0x1df: {  	[tilespmem:s1+$0x0] =	vst v4;
	s1 =	spop (v2sf)  }
0x1e0: {  	v4 =	vld [tilespmem:s1+$0x0];
	(v2sf) =	vpush v3, $0x5;
	_ =	sdelay $0x4  }
0x1e1: {  	v4 =	vadd.f32 v2, v4;
	_ =	sdelay $0x1  }
0x1e2: {  	[tilespmem:s1+$0x0] =	vst v4;
	s1 =	spop (v2sf)  }
0x1e3: {  	v4 =	vld [tilespmem:s1+$0x0];
	(v2sf) =	vpush v3, $0x6;
	_ =	sdelay $0x4  }
0x1e4: {  	v4 =	vadd.f32 v2, v4;
	_ =	sdelay $0x1  }
0x1e5: {  	[tilespmem:s1+$0x0] =	vst v4;
	s1 =	spop (v2sf)  }
0x1e6: {  	v4 =	vld [tilespmem:s1+$0x0];
	(v2sf) =	vpush v3, $0x7;
	_ =	sdelay $0x4  }
0x1e7: {  	v4 =	vadd.f32 v2, v4;
	_ =	sdelay $0x1  }
0x1e8: {  	[tilespmem:s1+$0x0] =	vst v4;
	s1 =	spop (v2sf)  }
0x1e9: {  	v4 =	vld [tilespmem:s1+$0x0];
	(v2sf) =	vpush v3, $0x8;
	_ =	sdelay $0x4  }
0x1ea: {  	v4 =	vadd.f32 v2, v4;
	_ =	sdelay $0x1  }
0x1eb: {  	[tilespmem:s1+$0x0] =	vst v4;
	s1 =	spop (v2sf)  }
0x1ec: {  	v4 =	vld [tilespmem:s1+$0x0];
	(v2sf) =	vpush v3, $0x9;
	_ =	sdelay $0x4  }
0x1ed: {  	v4 =	vadd.f32 v2, v4;
	_ =	sdelay $0x1  }
0x1ee: {  	[tilespmem:s1+$0x0] =	vst v4;
	s1 =	spop (v2sf)  }
0x1ef: {  	v4 =	vld [tilespmem:s1+$0x0];
	(v2sf) =	vpush v3, $0xA;
	_ =	sdelay $0x4  }
0x1f0: {  	v4 =	vadd.f32 v2, v4;
	_ =	sdelay $0x1  }
0x1f1: {  	[tilespmem:s1+$0x0] =	vst v4;
	s1 =	spop (v2sf)  }
0x1f2: {  	v4 =	vld [tilespmem:s1+$0x0];
	(v2sf) =	vpush v3, $0xB;
	_ =	sdelay $0x4  }
0x1f3: {  	v4 =	vadd.f32 v2, v4;
	_ =	sdelay $0x1  }
0x1f4: {  	[tilespmem:s1+$0x0] =	vst v4;
	s1 =	spop (v2sf)  }
0x1f5: {  	v4 =	vld [tilespmem:s1+$0x0];
	(v2sf) =	vpush v3, $0xC;
	_ =	sdelay $0x4  }
0x1f6: {  	v4 =	vadd.f32 v2, v4;
	_ =	sdelay $0x1  }
0x1f7: {  	[tilespmem:s1+$0x0] =	vst v4;
	s1 =	spop (v2sf)  }
0x1f8: {  	v4 =	vld [tilespmem:s1+$0x0];
	(v2sf) =	vpush v3, $0xD;
	_ =	sdelay $0x4  }
0x1f9: {  	v4 =	vadd.f32 v2, v4;
	_ =	sdelay $0x1  }
0x1fa: {  	[tilespmem:s1+$0x0] =	vst v4;
	s1 =	spop (v2sf)  }
0x1fb: {  	v4 =	vld [tilespmem:s1+$0x0];
	(v2sf) =	vpush v3, $0xE;
	_ =	sdelay $0x4  }
0x1fc: {  	v4 =	vadd.f32 v2, v4;
	_ =	sdelay $0x1  }
0x1fd: {  	[tilespmem:s1+$0x0] =	vst v4;
	s1 =	spop (v2sf)  }
0x1fe: {  	v4 =	vld [tilespmem:s1+$0x0];
	(v2sf) =	vpush v3, $0xF;
	_ =	sdelay $0x4  }
0x1ff: {  	v3 =	vadd.f32 v2, v4;
	_ =	sdelay $0x1  }
0x200: {  	[tilespmem:s1+$0x0] =	vst v3;
	s1 =	spop (v2sf)  }
0x201: {  	v3 =	vld [tilespmem:s1+$0x0];
	_ =	sdelay $0x4  }
0x202: {  	v3 =	vadd.f32 v2, v3;
	_ =	sdelay $0x1  }
0x203: {  	[tilespmem:s1+$0x0] =	vst v3;
	s25 =	spop (v2sf)  }
0x204: {  	v3 =	vld [tilespmem:s25+$0x0]  }
.Ltmp6:
0x205: {  	(pc) =	sbr.rel @p0 .LBB2_14-.Ltmp6, $2  }
0x206: {  	_ =	sdelay $0x2  }
0x207: {  	v3 =	vadd.f32 v2, v3  }
0x208: {  	_ = 	snop  }
0x209: {  	s1 =	sshra.s32 s23, $0x2;
	[tilespmem:s25+$0x0] =	vst v3  }
0x20a: {  	v3 =	vld [tilespmem:s1+$0x26C0];
	_ =	sdelay $0x4  }
0x20b: {  	v4 =	vadd.s32 $0x7800, v3  }
0x20c: {  	(v2sf) =	vpush v4, $0x0;
	_ =	sdelay $0x7  }
0x20d: {  	(v2sf) =	vpush v4, $0x1;
	_ =	sdelay $0x6  }
0x20e: {  	[tilespmem:s1+$0x2780] =	vst v3;
	s29 =	spop (v2sf)  }
0x20f: {  	(v2sf) =	vpush v4, $0x2;
	v3 =	vld [tilespmem:s29+$0x0];
	_ =	sdelay $0x4  }
0x210: {  	v3 =	vadd.f32 v2, v3;
	_ =	sdelay $0x1  }
0x211: {  	s30 =	spop (v2sf);
	[tilespmem:s29+$0x0] =	vst v3  }
0x212: {  	(v2sf) =	vpush v4, $0x3;
	v3 =	vld [tilespmem:s30+$0x0];
	_ =	sdelay $0x4  }
0x213: {  	v3 =	vadd.f32 v2, v3;
	_ =	sdelay $0x1  }
0x214: {  	s31 =	spop (v2sf);
	[tilespmem:s30+$0x0] =	vst v3  }
0x215: {  	(v2sf) =	vpush v4, $0x4;
	v3 =	vld [tilespmem:s31+$0x0];
	_ =	sdelay $0x4  }
0x216: {  	v3 =	vadd.f32 v2, v3;
	_ =	sdelay $0x1  }
0x217: {  	s23 =	spop (v2sf);
	[tilespmem:s31+$0x0] =	vst v3  }
0x218: {  	(v2sf) =	vpush v4, $0x5;
	v3 =	vld [tilespmem:s23+$0x0];
	_ =	sdelay $0x4  }
0x219: {  	v3 =	vadd.f32 v2, v3;
	_ =	sdelay $0x1  }
0x21a: {  	s24 =	spop (v2sf);
	[tilespmem:s23+$0x0] =	vst v3  }
0x21b: {  	(v2sf) =	vpush v4, $0x6;
	v3 =	vld [tilespmem:s24+$0x0];
	_ =	sdelay $0x4  }
0x21c: {  	v3 =	vadd.f32 v2, v3;
	_ =	sdelay $0x1  }
0x21d: {  	s25 =	spop (v2sf);
	[tilespmem:s24+$0x0] =	vst v3  }
0x21e: {  	(v2sf) =	vpush v4, $0x7;
	v3 =	vld [tilespmem:s25+$0x0];
	_ =	sdelay $0x4  }
0x21f: {  	v3 =	vadd.f32 v2, v3;
	_ =	sdelay $0x1  }
0x220: {  	s26 =	spop (v2sf);
	[tilespmem:s25+$0x0] =	vst v3  }
0x221: {  	(v2sf) =	vpush v4, $0x8;
	v3 =	vld [tilespmem:s26+$0x0];
	_ =	sdelay $0x4  }
0x222: {  	v3 =	vadd.f32 v2, v3;
	_ =	sdelay $0x1  }
0x223: {  	s28 =	spop (v2sf);
	[tilespmem:s26+$0x0] =	vst v3  }
0x224: {  	(v2sf) =	vpush v4, $0x9;
	v3 =	vld [tilespmem:s28+$0x0];
	_ =	sdelay $0x4  }
0x225: {  	v3 =	vadd.f32 v2, v3;
	_ =	sdelay $0x1  }
0x226: {  	s29 =	spop (v2sf);
	[tilespmem:s28+$0x0] =	vst v3  }
0x227: {  	(v2sf) =	vpush v4, $0xA;
	v3 =	vld [tilespmem:s29+$0x0];
	_ =	sdelay $0x4  }
0x228: {  	v3 =	vadd.f32 v2, v3;
	_ =	sdelay $0x1  }
0x229: {  	s30 =	spop (v2sf);
	[tilespmem:s29+$0x0] =	vst v3  }
0x22a: {  	(v2sf) =	vpush v4, $0xB;
	v3 =	vld [tilespmem:s30+$0x0];
	_ =	sdelay $0x4  }
0x22b: {  	v3 =	vadd.f32 v2, v3;
	_ =	sdelay $0x1  }
0x22c: {  	s31 =	spop (v2sf);
	[tilespmem:s30+$0x0] =	vst v3  }
0x22d: {  	(v2sf) =	vpush v4, $0xC;
	v3 =	vld [tilespmem:s31+$0x0];
	_ =	sdelay $0x4  }
0x22e: {  	v3 =	vadd.f32 v2, v3;
	_ =	sdelay $0x1  }
0x22f: {  	s23 =	spop (v2sf);
	[tilespmem:s31+$0x0] =	vst v3  }
0x230: {  	(v2sf) =	vpush v4, $0xD;
	v3 =	vld [tilespmem:s23+$0x0];
	_ =	sdelay $0x4  }
0x231: {  	v3 =	vadd.f32 v2, v3;
	_ =	sdelay $0x1  }
0x232: {  	s24 =	spop (v2sf);
	[tilespmem:s23+$0x0] =	vst v3  }
0x233: {  	(v2sf) =	vpush v4, $0xE;
	v3 =	vld [tilespmem:s24+$0x0];
	_ =	sdelay $0x4  }
0x234: {  	v3 =	vadd.f32 v2, v3;
	_ =	sdelay $0x1  }
0x235: {  	s25 =	spop (v2sf);
	[tilespmem:s24+$0x0] =	vst v3  }
0x236: {  	(v2sf) =	vpush v4, $0xF;
	v3 =	vld [tilespmem:s25+$0x0];
	_ =	sdelay $0x4  }
0x237: {  	v3 =	vadd.f32 v2, v3;
	_ =	sdelay $0x1  }
0x238: {  	s26 =	spop (v2sf);
	[tilespmem:s25+$0x0] =	vst v3  }
0x239: {  	v3 =	vld [tilespmem:s26+$0x0];
	_ =	sdelay $0x4  }
0x23a: {  	v3 =	vadd.f32 v2, v3;
	_ =	sdelay $0x1  }
0x23b: {  	s28 =	spop (v2sf);
	[tilespmem:s26+$0x0] =	vst v3  }
0x23c: {  	v3 =	vld [tilespmem:s28+$0x0];
	_ =	sdelay $0x4  }
0x23d: {  	v3 =	vadd.f32 v2, v3;
	_ =	sdelay $0x1  }
0x23e: {  	[tilespmem:s28+$0x0] =	vst v3  }
0x23f: {  	_ =	swait.ge [sflag:s18], $0x2800  }
0x240: {  	[sflag:s18] =	ssyncset.done $0x0  }
0x241: {  	[sflag:s18] =	ssyncadd.s32 $0xFFFFD800  }
0x242: {  	[spmem:s2] =	stream.indirect.scatter.add.f32 [tilespmem:s15], [sflag:$0x2], $0x80, s14, s13, $0xb8;
	[tilespmem:$0x1E000] =	vst v63  }
0x243: {  	_ =	swait.ge [sflag:s16], $0x2800  }
0x244: {  	[sflag:s16] =	ssyncset.done $0x0  }
0x245: {  	s29 =	sadd.s32 $0x0, s6;
	[sflag:s16] =	ssyncadd.s32 $0xFFFFD800  }
0x246: {  	s24 =	sadd.s32 $0x40, s29;
	v3 =	vor.u32 s29, v1;
	[bflag:$0x0] =	sbarrier.arrive $0xFFFF  }
0x247: {  	s30 =	sadd.s32 $0x10, s29;
	v63 =	vor.u32 s24, v1;
	[tilespmem:$0x2780] =	vst v3  }
0x248: {  	s31 =	sadd.s32 $0x30, s29;
	v3 =	vor.u32 s30, v1;
	[tilespmem:$0x27C0] =	vst v63  }
0x249: {  	s1 =	sadd.s32 $0x20, s29;
	[tilespmem:$0x2790] =	vst v3;
	v3 =	vor.u32 s31, v1  }
0x24a: {  	[tilespmem:$0x27B0] =	vst v3;
	v3 =	vor.u32 s1, v1  }
0x24b: {  	[tilespmem:$0x27A0] =	vst v3  }
0x24c: {  	[tilespmem:s15], [sflag:$0x1] =	stream.indirect.gather [spmem:s2], $0x80, s14, s13, $0xb8;
	[tilespmem:$0x1E000] =	vst v63  }
0x24d: {  	_ =	swait.ge [sflag:s18], $0x2800  }
0x24e: {  	s23 =	simm.s32 $0x50;
	[sflag:s18] =	ssyncset.done $0x0  }
0x24f: {  	s24 =	sadd.s32 $0x500, s12;
	s25 =	smov.u32 s12;
	[sflag:s18] =	ssyncadd.s32 $0xFFFFD800  }
.LBB2_16:
0x250: {  	[hbm4b:s25+s4] =	stream.linear.scatter [tilespmem:s15], [sflag:$0x2], $0x2800, $0x38;
	[tilespmem:$0x1E000] =	vst v63  }
0x251: {  	s1 =	smov.u32 s23;
	s25 =	smov.u32 s24  }
0x252: {  	p0 =	sne.s32 s23, $0x230;
	s23 =	sadd.s32 $0x50, s23;
	_ =	swait.ge [sflag:s16], $0x2800  }
0x253: {  	s1 =	sadd.s32 s1, s6;
	[sflag:s16] =	ssyncset.done $0x0  }
0x254: {  	v3 =	vor.u32 s1, v1;
	s26 =	sadd.s32 $0x10, s1;
	s28 =	sadd.s32 $0x20, s1;
	[sflag:s16] =	ssyncadd.s32 $0xFFFFD800  }
0x255: {  	v4 =	vor.u32 s28, v1;
	[tilespmem:$0x2780] =	vst v3;
	v3 =	vor.u32 s26, v1;
	s26 =	sadd.s32 $0x30, s1;
	s1 =	sadd.s32 $0x40, s1  }
0x256: {  	[tilespmem:$0x2790] =	vst v3;
	v3 =	vor.u32 s26, v1;
	v5 =	vor.u32 s1, v1  }
0x257: {  	[tilespmem:$0x27B0] =	vst v3  }
0x258: {  	[tilespmem:$0x27C0] =	vst v5  }
.Ltmp7:
0x259: {  	[tilespmem:$0x27A0] =	vst v4;
	(pc) =	sbr.rel @p0 .LBB2_16-.Ltmp7, $4  }
0x25a: {  	[tilespmem:s15], [sflag:$0x1] =	stream.indirect.gather [spmem:s2], $0x80, s14, s13, $0xb8;
	[tilespmem:$0x1E000] =	vst v63  }
0x25b: {  	_ =	swait.ge [sflag:s18], $0x2800  }
0x25c: {  	[sflag:s18] =	ssyncset.done $0x0  }
0x25d: {  	s24 =	sadd.s32 $0x500, s24;
	[sflag:s18] =	ssyncadd.s32 $0xFFFFD800  }
0x25e: {  	[hbm4b:s25+s4] =	stream.linear.scatter [tilespmem:s15], [sflag:$0x2], $0x2800, $0x38;
	[tilespmem:$0x1E000] =	vst v63  }
0x25f: {  	s22 =	sadd.s32 $0x1, s22;
	_ =	swait.ge [sflag:s16], $0x2800  }
0x260: {  	p0 =	sne.s32 s22, s11;
	[sflag:s16] =	ssyncset.done $0x0  }
.Ltmp8:
0x261: {  	[sflag:s16] =	ssyncadd.s32 $0xFFFFD800;
	(pc) =	sbr.rel @p0 .LBB2_1-.Ltmp8, $4  }
0x262: {  	[hbm4b:s10+s19] =	stream.strided.scatter [tilespmem:s21], [sflag:$0x2], $0x2800, s20, s19, $0x38;
	[tilespmem:$0x1E000] =	vst v63  }
0x263: {  	_ =	swait.ge [sflag:s16], $0x2800  }
0x264: {  	[sflag:s16] =	ssyncset.done $0x0  }
0x265: {  	[sflag:s16] =	ssyncadd.s32 $0xFFFFD800  }
0x266: {  	_ =	sfence.sel $0x180000  }
0x267: {  	[bflag:$0x0] =	sbarrier.arrive $0xFFFF  }
0x268: {  	_ =	strace $0x9000004A  }
0x269: {  	[bflag:$0x2] =	sbarrier.arrive $0xFFFF  }
0x26a: {  	p0 =	sne.s32 s0, $0x0;
	s0 =	rddreg [dreg:$0x3]  }
0x26b: {  	s0 =	sadd.s32 @!p0 $0x100000, s0  }
0x26c: {  	[sflag:s0] =	ssyncadd.tile.s32 @!p0 $0x1;
	_ =	shalt  }
.Lfunc_end2:
_tile_overlayer_lowered:
.L_overlay_start_2:
0x26d: {  	(tag) =	ssettag $0x2  }
0x26e: {  	s0 =	rddreg [dreg:$0x0];
	s2 =	stileid.u32  }
0x26f: {  	s1 =	rddreg [dreg:$0x1];
	p0 =	sne.s32 s2, $0x0  }
0x270: {  	s3 =	rddreg [dreg:$0x2];
	[bflag:$0x3] =	sbarrier.arrive $0xFFFF;
	s2 =	simm.s32 @!p0 $0x1C02  }
0x271: {  	[timem:s3], [sflag:s2] =	dma.local @!p0 [hbm:s0], s1  }
0x272: {  	s0 =	simm.s32 @!p0 $0x2  }
0x273: {  	_ =	swait.ge @!p0 [sflag:s0], s1  }
0x274: {  	s1 =	ssub.s32 @!p0 $0x0, s1;
	[sflag:s0] =	ssyncset.done @!p0 $0x0  }
0x275: {  	[sflag:s0] =	ssyncadd.s32 @!p0 s1  }
0x276: {  	[bflag:$0x3] =	sbarrier.arrive $0xFFFF  }
0x277: {  	_ =	shalt  }

// kernel: kernel.7.cloned.1.call-start
scs
__scs_entry_jumppad:
0x0: {  	(pc) =	sbr.rel $0x88, $3  }
0x1: {  	(tag) =	ssettag $0x0;
	lr =	simm.s32 $0x1  }
0x2: {  	[smem:$0x3F88] =	sst lr;
	_ =	strace $0xD0000000  }
0x3: {  	_ = 	snop  }
0x4: {  	_ = 	snop  }
0x5: {  	_ = 	snop  }
0x6: {  	_ = 	snop  }
0x7: {  	_ = 	snop  }
__scs_overlays_trampoline_lowered:
0x8: {  	[smem:$0x3F97] =	sst s0  }
0x9: {  	[smem:$0x3F98] =	sst s1  }
0xa: {  	[smem:$0x3F99] =	sst s2  }
0xb: {  	[smem:$0x3F9A] =	sst s3  }
0xc: {  	[smem:$0x3F9B] =	sst s4  }
0xd: {  	[smem:$0x3F9C] =	sst s5  }
0xe: {  	[smem:$0x3F9D] =	sst s6  }
0xf: {  	[smem:$0x3F9E] =	sst s7  }
0x10: {  	[smem:$0x3F9F] =	sst s8  }
0x11: {  	[smem:$0x3FA0] =	sst s9;
	s0 =	simm.s32 @!p0 $0x0  }
0x12: {  	s1 =	sld [smem:$0x3F86];
	s0 =	simm.s32 @p0 $0x1  }
0x13: {  	[smem:$0x3FA1] =	sst s0;
	s0 =	simm.s32 @!p1 $0x0  }
0x14: {  	s2 =	sld [smem:$0x3F85];
	s0 =	simm.s32 @p1 $0x1  }
0x15: {  	[smem:$0x3FA2] =	sst s0;
	s0 =	simm.s32 @!p2 $0x0  }
0x16: {  	s3 =	sld [smem:$0x3FDB];
	s0 =	simm.s32 @p2 $0x1  }
0x17: {  	s4 =	simm.s32 $0x1BF5;
	[smem:$0x3FA4] =	sst s0  }
0x18: {  	s0 =	sld [smem:$0x3F87];
	_ =	swait.ge [sflag:s4], $0x0  }
0x19: {  	s7 =	sld [smem:$0x3F88]  }
0x1a: {  	s8 =	sadd.s32 $0xFFFFE003, lr  }
0x1b: {  	s9 =	sadd.s32 $0xFFFFFEF7, lr;
	s5 =	simm.s32 $0xFFFFFFFF;
	p2 =	slt.u32 s8, $0xFFFFF086  }
0x1c: {  	p1 =	slt.u32 s9, $0xF7A;
	s5 =	simm.s32 @!p2 $0x0  }
0x1d: {  	s5 =	simm.s32 @p1 $0x1;
	p0 =	seq.s32 s7, s2  }
0x1e: {  	s7 =	smul.u32 @!p0 $0xF7A, s2;
	p2 =	seq.s32 @!p0 s5, $0x0  }
0x1f: {  	s9 =	smul.u32 $0xF7A, s1;
	s8 =	simm.s32 @!p0 $0x1BF5;
	p2 =	por !p2, p0  }
0x20: {  	[sflag:s8] =	ssyncset.s32 @!p0 $0xFFFFF086;
	s6 =	sadd.s32 @!p0 s3, s7;
	s7 =	simm.s32 @!p0 $0x108  }
0x21: {  	s3 =	sadd.s32 s3, s9;
	s6 =	sadd.s32 @!p0 $0x88, s6;
	s7 =	simm.s32 @p2 $0x1082  }
0x22: {  	[simem:s7], [sflag:s8] =	dma.local @!p0 [hbm:s6], $0xF7A  }
0x23: {  	s9 =	sor.u32 $0xD0000000, s2;
	s6 =	simm.s32 $0x108;
	_ =	swait.ge @!p0 [sflag:s8], $0x0  }
0x24: {  	s3 =	sadd.s32 $0x88, s3;
	s6 =	simm.s32 @!p1 $0x1082;
	[sflag:s4] =	ssyncset.s32 $0xFFFFF086  }
0x25: {  	[simem:s6], [sflag:s4] =	dma.local [hbm:s3], $0xF7A  }
0x26: {  	[smem:$0x3F88] =	sst s1;
	(tag) =	ssettag s2;
	_ =	strace s9  }
0x27: {  	s1 =	sld [smem:$0x3F98]  }
0x28: {  	s2 =	sld [smem:$0x3F99]  }
0x29: {  	s4 =	sld [smem:$0x3F9B]  }
0x2a: {  	p0 =	seq.s32 s5, $0x0;
	s5 =	sld [smem:$0x3F9C]  }
0x2b: {  	s6 =	sld [smem:$0x3F9D]  }
0x2c: {  	s7 =	sld [smem:$0x3F9E]  }
0x2d: {  	s3 =	simm.s32 $0x108;
	s8 =	sld [smem:$0x3F9F]  }
0x2e: {  	s3 =	simm.s32 @!p0 $0x1082;
	s9 =	sld [smem:$0x3FA0]  }
0x2f: {  	lr =	sadd.s32 s0, s3;
	s0 =	sld [smem:$0x3F97]  }
0x30: {  	s3 =	sld [smem:$0x3F9A]  }
0x31: {  	[smem:$0x3FA3] =	sst s10  }
0x32: {  	s10 =	sld [smem:$0x3FA1];
	_ =	sdelay $0x3  }
0x33: {  	p0 =	seq.s32 s10, $0x1;
	s10 =	sld [smem:$0x3FA3];
	_ =	sdelay $0x3  }
0x34: {  	[smem:$0x3FA3] =	sst s10  }
0x35: {  	s10 =	sld [smem:$0x3FA2];
	_ =	sdelay $0x3  }
0x36: {  	p1 =	seq.s32 s10, $0x1;
	s10 =	sld [smem:$0x3FA3];
	_ =	sdelay $0x3  }
0x37: {  	[smem:$0x3FA3] =	sst s10  }
0x38: {  	s10 =	sld [smem:$0x3FA4]  }
0x39: {  	_ = 	snop;
	(pc) =	sbr.ind lr, $3  }
0x3a: {  	_ = 	snop  }
0x3b: {  	_ = 	snop  }
0x3c: {  	p2 =	seq.s32 s10, $0x1;
	s10 =	sld [smem:$0x3FA3]  }
0x3d: {  	_ =	shalt  }
0x3e: {  	_ =	shalt  }
0x3f: {  	_ =	shalt  }
0x40: {  	_ =	shalt  }
0x41: {  	_ =	shalt  }
0x42: {  	_ =	shalt  }
0x43: {  	_ =	shalt  }
0x44: {  	_ =	shalt  }
0x45: {  	_ =	shalt  }
0x46: {  	_ =	shalt  }
0x47: {  	_ =	shalt  }
0x48: {  	_ =	shalt  }
0x49: {  	_ =	shalt  }
0x4a: {  	_ =	shalt  }
0x4b: {  	_ =	shalt  }
0x4c: {  	_ =	shalt  }
0x4d: {  	_ =	shalt  }
0x4e: {  	_ =	shalt  }
0x4f: {  	_ =	shalt  }
0x50: {  	_ =	shalt  }
0x51: {  	_ =	shalt  }
0x52: {  	_ =	shalt  }
0x53: {  	_ =	shalt  }
0x54: {  	_ =	shalt  }
0x55: {  	_ =	shalt  }
0x56: {  	_ =	shalt  }
0x57: {  	_ =	shalt  }
0x58: {  	_ =	shalt  }
0x59: {  	_ =	shalt  }
0x5a: {  	_ =	shalt  }
0x5b: {  	_ =	shalt  }
0x5c: {  	_ =	shalt  }
0x5d: {  	_ =	shalt  }
0x5e: {  	_ =	shalt  }
0x5f: {  	_ =	shalt  }
0x60: {  	_ =	shalt  }
0x61: {  	_ =	shalt  }
0x62: {  	_ =	shalt  }
0x63: {  	_ =	shalt  }
0x64: {  	_ =	shalt  }
0x65: {  	_ =	shalt  }
0x66: {  	_ =	shalt  }
0x67: {  	_ =	shalt  }
0x68: {  	_ =	shalt  }
0x69: {  	_ =	shalt  }
0x6a: {  	_ =	shalt  }
0x6b: {  	_ =	shalt  }
0x6c: {  	_ =	shalt  }
0x6d: {  	_ =	shalt  }
0x6e: {  	_ =	shalt  }
0x6f: {  	_ =	shalt  }
0x70: {  	_ =	shalt  }
0x71: {  	_ =	shalt  }
0x72: {  	_ =	shalt  }
0x73: {  	_ =	shalt  }
0x74: {  	_ =	shalt  }
0x75: {  	_ =	shalt  }
0x76: {  	_ =	shalt  }
0x77: {  	_ =	shalt  }
0x78: {  	_ =	shalt  }
0x79: {  	_ =	shalt  }
0x7a: {  	_ =	shalt  }
0x7b: {  	_ =	shalt  }
0x7c: {  	_ =	shalt  }
0x7d: {  	_ =	shalt  }
0x7e: {  	_ =	shalt  }
0x7f: {  	_ =	shalt  }
0x80: {  	_ =	shalt  }
0x81: {  	_ =	shalt  }
0x82: {  	_ =	shalt  }
0x83: {  	_ =	shalt  }
0x84: {  	_ =	shalt  }
0x85: {  	_ =	shalt  }
0x86: {  	_ =	shalt  }
0x87: {  	_ =	shalt  }
.Lfunc_end0:
.L_simem_size_0:
called_computation_lowered:
.L_overlay_start_0:
0x88: {  	s2 =	sld [smem:$0x3FD9]  }
0x89: {  	s3 =	sld [smem:$0x3FFE];
	_ =	sdelay $0x1  }
0x8a: {  	s1 =	srdreg.scid  }
0x8b: {  	s0 =	sand.u32 $0x1, s1  }
0x8c: {  	s17 =	sshll.u32 s0, $0xA;
	s2 =	sadd.s32 s3, s2  }
0x8d: {  	s2 =	sadd.s32 s2, s17  }
0x8e: {  	[smem:$0x3FAF] =	sst s2  }
0x8f: {  	_ = 	snop  }
0x90: {  	s2 =	sld [smem:$0x3FC8]  }
0x91: {  	s18 =	sld [smem:$0x3FD0];
	(tm) =	ssettm $0x1  }
0x92: {  	s4 =	sld [smem:$0x3FFB];
	_ =	sdelay $0x3  }
0x93: {  	_ =	strace s4  }
0x94: {  	s4 =	sld [smem:$0x3FFC];
	_ =	sdelay $0x3  }
0x95: {  	_ =	strace s4  }
0x96: {  	s4 =	sld [smem:$0x3FFD];
	_ =	sdelay $0x3  }
0x97: {  	_ =	strace s4  }
0x98: {  	_ =	strace $0x8FFFFFFF  }
0x99: {  	s19 =	sld [smem:$0x3FDB];
	_ =	sdelay $0x1  }
0x9a: {  	s5 =	simm.s32 $_scs_section_size  }
0x9b: {  	s6 =	simm.s32 $_size__tile_overlayer_lowered;
	s7 =	simm.s32 $_tile_overlayer_lowered  }
0x9c: {  	s22 =	simm.s32 $0x1BFF;
	s21 =	sshll.u32 s7, $0x1;
	s4 =	sadd.s32 s5, s19  }
0x9d: {  	s8 =	simm.s32 $0x0;
	s20 =	sshll.u32 s6, $0x1;
	s6 =	sadd.s32 s21, s4  }
0x9e: {  	[timem:s8], [sflag:s22] =	dma.local [hbm:s6], s20  }
0x9f: {  	_ =	swait.ge [sflag:s22], s20  }
0xa0: {  	s5 =	ssub.s32 $0x0, s20;
	[sflag:s22] =	ssyncset.done $0x0  }
0xa1: {  	[sflag:s22] =	ssyncadd.s32 s5;
	_ =	sdelay $0x1  }
0xa2: {  	s23 =	simm.s32 $0x1B8B  }
0xa3: {  	_ =	swait.ge [sflag:s23], $0x1  }
0xa4: {  	[sflag:s23] =	ssyncset.done $0x0  }
0xa5: {  	s25 =	simm.s32 $0x1B8E;
	s24 =	sld [smem:$0x3FFE];
	[sflag:s23] =	ssyncadd.s32 $0xFFFFFFFF  }
0xa6: {  	s26 =	simm.s32 $execute0_lowered;
	[smem:$0x3FD2] =	sst s25  }
0xa7: {  	s6 =	sshll.u32 s26, $0x1;
	_ =	strace $0x80000046;
	[dreg:$0x1] =	wrdreg $0xFFFFFFFF  }
0xa8: {  	s28 =	simm.s32 $_size_execute0_lowered;
	s4 =	sadd.s32 s4, s6;
	[dreg:$0x0] =	wrdreg $0x0  }
0xa9: {  	s6 =	sshll.u32 s28, $0x1;
	[dreg:$0x2] =	wrdreg s4  }
0xaa: {  	[dreg:$0x3] =	wrdreg s6  }
0xab: {  	[dreg:$0x4] =	wrdreg $0xC0  }
0xac: {  	_ =	task [dreg:s8], $0x5FFFF  }
0xad: {  	[dreg:$0x1] =	wrdreg $0xFFFFFFFF  }
0xae: {  	[dreg:$0x0] =	wrdreg $0x60  }
0xaf: {  	[dreg:$0x2] =	wrdreg s24  }
0xb0: {  	[dreg:$0x3] =	wrdreg s18  }
0xb1: {  	[dreg:$0x4] =	wrdreg s2  }
0xb2: {  	[dreg:$0x5] =	wrdreg $0x9  }
0xb3: {  	_ =	task.clear_ibuf [dreg:s8], $0x6FFFF;
	_ =	strace $0x90000046  }
0xb4: {  	s29 =	simm.s32 $0x9;
	_ =	strace $0x80000048  }
0xb5: {  	_ =	swait.ge [sflag:s29], $0x1  }
0xb6: {  	[sflag:s29] =	ssyncadd.s32 $0xFFFFFFFF  }
0xb7: {  	_ =	strace $0x90000048  }
0xb8: {  	_ =	sfence  }
0xb9: {  	s30 =	sld [smem:$0x0];
	_ =	sdelay $0x2  }
0xba: {  	s31 =	sshll.u32 s1, $0xD;
	s1 =	sshrl.u32 s1, $0x2  }
0xbb: {  	s3 =	sand.u32 $0x4000, s31;
	s1 =	sadd.s32 s1, s30  }
0xbc: {  	s0 =	sor.u32 s3, s0;
	s1 =	sshll.u32 s1, $0x11  }
0xbd: {  	s0 =	sor.u32 s1, s0  }
0xbe: {  	s0 =	sadd.s32 $0x8F2B, s0  }
0xbf: {  	[sflag:s0] =	ssyncadd.remote.s32 $0x1  }
0xc0: {  	_ =	sfence.sel $0xFFFF  }
0xc1: {  	[dreg:$0x0] =	wrdreg $0xFFFFFFFF;
	(pc) =	sbr.abs _section_cstart, $3  }
0xc2: {  	[dreg:$0x1] =	wrdreg $0xFFFFFFFF  }
0xc3: {  	_ =	task.clear_ibuf [dreg:s8], $0x2FFFF;
	_ =	strace $0x9FFFFFFF  }
0xc4: {  	(tm) =	ssettm $0x7FFFFFFF  }
0xc5: {  	_ =	shalt  }
tec
execute0_lowered:
.L_overlay_start_1:
0x0: {  	(tag) =	ssettag $0x1  }
0x1: {  	s6 =	rddreg [dreg:$0x0]  }
0x2: {  	s7 =	rddreg [dreg:$0x1]  }
0x3: {  	s8 =	rddreg [dreg:$0x2]  }
0x4: {  	s0 =	rddreg [dreg:$0x3]  }
0x5: {  	s3 =	srdreg.scid;
	s1 =	stileid.u32;
	s2 =	simm.s32 $0x0  }
0x6: {  	s12 =	simm.s32 $0x2780;
	s13 =	simm.s32 $0x50;
	s14 =	simm.s32 $0x4F00  }
0x7: {  	s15 =	simm.s32 $0x9F00;
	s16 =	simm.s32 $0x7700;
	s17 =	simm.s32 $0xC700  }
0x8: {  	s18 =	simm.s32 $0x1;
	s5 =	sand.u32 $0x1, s3;
	s30 =	sshll.u32 s1, $0x1  }
0x9: {  	s19 =	simm.s32 $0x2;
	s20 =	simm.s32 $0x0;
	s9 =	sor.u32 s5, s30  }
0xa: {  	[smem:$0x7FF] =	sst s2;
	s4 =	sadd.s32 $0xBE00, s6;
	s3 =	smul.u32 $0x2710, s9  }
0xb: {  	_ =	strace $0x80000047;
	s10 =	ssub.s32 $0x2, s5;
	s9 =	smul.u32 $0x138800, s9  }
0xc: {  	s5 =	sadd.s32 $0x33000, s6;
	s6 =	sadd.s32 $0x33E00, s6;
	s11 =	sshrl.u32 s10, $0x1  }
0xd: {  	s10 =	ssub.s32 s10, s11;
	s11 =	simm.s32 $0x3;
	s9 =	sshrl.u32 s9, $0x3  }
0xe: {  	s31 =	sshrl.u32 s3, $0x3;
	s10 =	smax.u32 s10, $0x1;
	s9 =	sadd.s32 s6, s9  }
0xf: {  	s7 =	sadd.s32 s7, s31;
	s8 =	sadd.s32 s8, s31;
	s9 =	sadd.s32 $0x26C00, s9  }
.LBB2_1:
0x10: {  	[tilespmem:s2], [sflag:$0x3] =	stream.linear.gather [hbm4b:s7+s2], $0x2710, $0x38;
	[tilespmem:$0xEF00] =	vst v63  }
0x11: {  	_ =	swait.ge [sflag:s11], $0x2710  }
0x12: {  	[sflag:s11] =	ssyncset.done $0x0  }
0x13: {  	[sflag:s11] =	ssyncadd.s32 $0xFFFFD8F0  }
0x14: {  	[tilespmem:s12], [sflag:$0x3] =	stream.linear.gather [hbm4b:s8+s2], $0x2710, $0x38;
	[tilespmem:$0xEF00] =	vst v63  }
0x15: {  	_ =	swait.ge [sflag:s11], $0x2710  }
0x16: {  	[sflag:s11] =	ssyncset.done $0x0  }
0x17: {  	[sflag:s11] =	ssyncadd.s32 $0xFFFFD8F0  }
0x18: {  	[tilespmem:s14], [sflag:$0x1] =	stream.indirect.gather [hbm4b:s4+s13], $0x80, s2, s13, $0xb8;
	[tilespmem:$0xEF00] =	vst v63  }
0x19: {  	s21 =	simm.s32 $0x0  }
0x1a: {  	[tilespmem:s15], [sflag:$0x2] =	stream.indirect.gather [hbm4b:s5+s13], $0x80, s12, s13, $0xb8;
	[tilespmem:$0xEF00] =	vst v63  }
.LBB2_2:
0x1b: {  	s23 =	smul.u32 $0xA0, s21;
	_ =	sdelay $0x1  }
0x1c: {  	s22 =	sadd.s32 $0x50, s23  }
0x1d: {  	[tilespmem:s16], [sflag:$0x1] =	stream.indirect.gather [hbm4b:s4+s13], $0x80, s22, s13, $0xb8;
	[tilespmem:$0xEF00] =	vst v63  }
0x1e: {  	s24 =	sadd.s32 $0x27D0, s23  }
0x1f: {  	[tilespmem:s17], [sflag:$0x2] =	stream.indirect.gather [hbm4b:s5+s13], $0x80, s24, s13, $0xb8;
	[tilespmem:$0xEF00] =	vst v63  }
0x20: {  	_ =	swait.ge [sflag:s18], $0x2800  }
0x21: {  	[sflag:s18] =	ssyncset.done $0x0  }
0x22: {  	[sflag:s18] =	ssyncadd.s32 $0xFFFFD800  }
0x23: {  	_ =	swait.ge [sflag:s19], $0x2800  }
0x24: {  	[sflag:s19] =	ssyncset.done $0x0  }
0x25: {  	s24 =	simm.s32 $0x0;
	[sflag:s19] =	ssyncadd.s32 $0xFFFFD800  }
0x26: {  	v7 =	vld [tilespmem:s24+$0x9F00]  }
0x27: {  	v11 =	vld [tilespmem:s24+$0x9F10]  }
0x28: {  	v5 =	vld [tilespmem:s24+$0x9F20]  }
0x29: {  	v4 =	vld [tilespmem:s24+$0x9F30]  }
0x2a: {  	v3 =	vld [tilespmem:s24+$0x9F40]  }
0x2b: {  	v2 =	vld [tilespmem:s24+$0x9F50]  }
0x2c: {  	v1 =	vld [tilespmem:s24+$0x9F60]  }
0x2d: {  	v0 =	vld [tilespmem:s24+$0x9F70]  }
0x2e: {  	v12 =	vld [tilespmem:s24+$0x4F00]  }
0x2f: {  	v13 =	vld [tilespmem:s24+$0x4F10]  }
0x30: {  	v10 =	vld [tilespmem:s24+$0x4F20]  }
0x31: {  	v9 =	vld [tilespmem:s24+$0x4F30]  }
0x32: {  	v8 =	vld [tilespmem:s24+$0x4F40]  }
0x33: {  	v6 =	vld [tilespmem:s24+$0x4F50];
	v12 =	vadd.f32 v7, v12  }
0x34: {  	s25 =	simm.s32 $0x200;
	v11 =	vadd.f32 v11, v13;
	v7 =	vld [tilespmem:s24+$0x4F60]  }
.LBB2_3:
0x35: {  	s26 =	sshra.s32 s25, $0x2;
	p0 =	sne.s32 s25, $0x9E00;
	[tilespmem:s24+$0x4F00] =	vst v12;
	v5 =	vadd.f32 v5, v10;
	v10 =	vld [tilespmem:s24+$0x4F70]  }
0x36: {  	v12 =	vld [tilespmem:s26+$0x9F00];
	[tilespmem:s24+$0x4F10] =	vst v11;
	v4 =	vadd.f32 v4, v9  }
0x37: {  	v11 =	vld [tilespmem:s26+$0x9F10];
	[tilespmem:s24+$0x4F20] =	vst v5;
	v3 =	vadd.f32 v3, v8  }
0x38: {  	v5 =	vld [tilespmem:s26+$0x9F20];
	[tilespmem:s24+$0x4F30] =	vst v4;
	v2 =	vadd.f32 v2, v6  }
0x39: {  	v4 =	vld [tilespmem:s26+$0x9F30];
	[tilespmem:s24+$0x4F40] =	vst v3;
	v1 =	vadd.f32 v1, v7  }
0x3a: {  	v3 =	vld [tilespmem:s26+$0x9F40];
	[tilespmem:s24+$0x4F50] =	vst v2;
	v0 =	vadd.f32 v0, v10  }
0x3b: {  	v2 =	vld [tilespmem:s26+$0x9F50];
	[tilespmem:s24+$0x4F60] =	vst v1  }
0x3c: {  	v1 =	vld [tilespmem:s26+$0x9F60];
	[tilespmem:s24+$0x4F70] =	vst v0;
	s24 =	smov.u32 s26  }
0x3d: {  	v0 =	vld [tilespmem:s24+$0x9F70]  }
0x3e: {  	v6 =	vld [tilespmem:s24+$0x4F00]  }
0x3f: {  	v7 =	vld [tilespmem:s24+$0x4F10]  }
.Ltmp0:
0x40: {  	v10 =	vld [tilespmem:s24+$0x4F20];
	(pc) =	sbr.rel @p0 .LBB2_3-.Ltmp0, $4  }
0x41: {  	v9 =	vld [tilespmem:s24+$0x4F30]  }
0x42: {  	v8 =	vld [tilespmem:s24+$0x4F40]  }
0x43: {  	v12 =	vadd.f32 v12, v6;
	v6 =	vld [tilespmem:s24+$0x4F50]  }
0x44: {  	s25 =	sadd.s32 $0x200, s25;
	v11 =	vadd.f32 v11, v7;
	v7 =	vld [tilespmem:s24+$0x4F60]  }
0x45: {  	[tilespmem:s24+$0x4F00] =	vst v12;
	v5 =	vadd.f32 v5, v10;
	v10 =	vld [tilespmem:s24+$0x4F70]  }
0x46: {  	[tilespmem:s24+$0x4F10] =	vst v11;
	v4 =	vadd.f32 v4, v9  }
0x47: {  	[tilespmem:s24+$0x4F20] =	vst v5;
	v3 =	vadd.f32 v3, v8  }
0x48: {  	[tilespmem:s24+$0x4F30] =	vst v4;
	v2 =	vadd.f32 v2, v6  }
0x49: {  	[tilespmem:s24+$0x4F40] =	vst v3;
	v1 =	vadd.f32 v1, v7  }
0x4a: {  	s25 =	sadd.s32 s3, s23;
	[tilespmem:s24+$0x4F50] =	vst v2;
	v0 =	vadd.f32 v0, v10  }
0x4b: {  	s25 =	sshll.u32 s25, $0x4;
	[tilespmem:s24+$0x4F60] =	vst v1  }
0x4c: {  	s29 =	simm.s32 $0x0;
	s28 =	sadd.s32 s6, s25;
	[tilespmem:s24+$0x4F70] =	vst v0  }
0x4d: {  	[hbm4b:s28+s29] =	stream.linear.scatter [tilespmem:s14], [sflag:$0x3], $0x2800, $0x38;
	[tilespmem:$0xEF00] =	vst v63  }
0x4e: {  	_ =	swait.ge [sflag:s11], $0x2800  }
0x4f: {  	[sflag:s11] =	ssyncset.done $0x0  }
0x50: {  	s30 =	sadd.s32 $0xA0, s23;
	[sflag:s11] =	ssyncadd.s32 $0xFFFFD800  }
0x51: {  	[tilespmem:s14], [sflag:$0x1] =	stream.indirect.gather [hbm4b:s4+s13], $0x80, s30, s13, $0xb8;
	[tilespmem:$0xEF00] =	vst v63  }
0x52: {  	s31 =	sadd.s32 $0x2820, s23  }
0x53: {  	[tilespmem:s15], [sflag:$0x2] =	stream.indirect.gather [hbm4b:s5+s13], $0x80, s31, s13, $0xb8;
	[tilespmem:$0xEF00] =	vst v63  }
0x54: {  	_ =	swait.ge [sflag:s18], $0x2800  }
0x55: {  	[sflag:s18] =	ssyncset.done $0x0  }
0x56: {  	[sflag:s18] =	ssyncadd.s32 $0xFFFFD800  }
0x57: {  	_ =	swait.ge [sflag:s19], $0x2800  }
0x58: {  	[sflag:s19] =	ssyncset.done $0x0  }
0x59: {  	s23 =	simm.s32 $0x0;
	[sflag:s19] =	ssyncadd.s32 $0xFFFFD800  }
0x5a: {  	v7 =	vld [tilespmem:s23+$0xC700]  }
0x5b: {  	v11 =	vld [tilespmem:s23+$0xC710]  }
0x5c: {  	v5 =	vld [tilespmem:s23+$0xC720]  }
0x5d: {  	v4 =	vld [tilespmem:s23+$0xC730]  }
0x5e: {  	v3 =	vld [tilespmem:s23+$0xC740]  }
0x5f: {  	v2 =	vld [tilespmem:s23+$0xC750]  }
0x60: {  	v1 =	vld [tilespmem:s23+$0xC760]  }
0x61: {  	v0 =	vld [tilespmem:s23+$0xC770]  }
0x62: {  	v12 =	vld [tilespmem:s23+$0x7700]  }
0x63: {  	v13 =	vld [tilespmem:s23+$0x7710]  }
0x64: {  	v10 =	vld [tilespmem:s23+$0x7720]  }
0x65: {  	v9 =	vld [tilespmem:s23+$0x7730]  }
0x66: {  	v8 =	vld [tilespmem:s23+$0x7740]  }
0x67: {  	v6 =	vld [tilespmem:s23+$0x7750];
	v12 =	vadd.f32 v7, v12  }
0x68: {  	s24 =	simm.s32 $0x200;
	v11 =	vadd.f32 v11, v13;
	v7 =	vld [tilespmem:s23+$0x7760]  }
.LBB2_5:
0x69: {  	s25 =	sshra.s32 s24, $0x2;
	p0 =	sne.s32 s24, $0x9E00;
	[tilespmem:s23+$0x7700] =	vst v12;
	v5 =	vadd.f32 v5, v10;
	v10 =	vld [tilespmem:s23+$0x7770]  }
0x6a: {  	v12 =	vld [tilespmem:s25+$0xC700];
	[tilespmem:s23+$0x7710] =	vst v11;
	v4 =	vadd.f32 v4, v9  }
0x6b: {  	v11 =	vld [tilespmem:s25+$0xC710];
	[tilespmem:s23+$0x7720] =	vst v5;
	v3 =	vadd.f32 v3, v8  }
0x6c: {  	v5 =	vld [tilespmem:s25+$0xC720];
	[tilespmem:s23+$0x7730] =	vst v4;
	v2 =	vadd.f32 v2, v6  }
0x6d: {  	v4 =	vld [tilespmem:s25+$0xC730];
	[tilespmem:s23+$0x7740] =	vst v3;
	v1 =	vadd.f32 v1, v7  }
0x6e: {  	v3 =	vld [tilespmem:s25+$0xC740];
	[tilespmem:s23+$0x7750] =	vst v2;
	v0 =	vadd.f32 v0, v10  }
0x6f: {  	v2 =	vld [tilespmem:s25+$0xC750];
	[tilespmem:s23+$0x7760] =	vst v1  }
0x70: {  	v1 =	vld [tilespmem:s25+$0xC760];
	[tilespmem:s23+$0x7770] =	vst v0;
	s23 =	smov.u32 s25  }
0x71: {  	v0 =	vld [tilespmem:s23+$0xC770]  }
0x72: {  	v6 =	vld [tilespmem:s23+$0x7700]  }
0x73: {  	v7 =	vld [tilespmem:s23+$0x7710]  }
.Ltmp1:
0x74: {  	v10 =	vld [tilespmem:s23+$0x7720];
	(pc) =	sbr.rel @p0 .LBB2_5-.Ltmp1, $4  }
0x75: {  	v9 =	vld [tilespmem:s23+$0x7730]  }
0x76: {  	v8 =	vld [tilespmem:s23+$0x7740]  }
0x77: {  	v12 =	vadd.f32 v12, v6;
	v6 =	vld [tilespmem:s23+$0x7750]  }
0x78: {  	s24 =	sadd.s32 $0x200, s24;
	v11 =	vadd.f32 v11, v7;
	v7 =	vld [tilespmem:s23+$0x7760]  }
0x79: {  	[tilespmem:s23+$0x7700] =	vst v12;
	v5 =	vadd.f32 v5, v10;
	v63 =	vld [tilespmem:s23+$0x7770]  }
0x7a: {  	[tilespmem:s23+$0x7710] =	vst v11;
	v4 =	vadd.f32 v4, v9  }
0x7b: {  	[tilespmem:s23+$0x7720] =	vst v5;
	v3 =	vadd.f32 v3, v8  }
0x7c: {  	[tilespmem:s23+$0x7730] =	vst v4;
	v2 =	vadd.f32 v2, v6  }
0x7d: {  	[tilespmem:s23+$0x7740] =	vst v3;
	v1 =	vadd.f32 v1, v7  }
0x7e: {  	s22 =	sadd.s32 s3, s22;
	s21 =	sadd.s32 $0x1, s21;
	[tilespmem:s23+$0x7750] =	vst v2;
	v0 =	vadd.f32 v0, v63  }
0x7f: {  	s22 =	sshll.u32 s22, $0x4;
	p0 =	sne.s32 s21, $0x3E;
	[tilespmem:s23+$0x7760] =	vst v1  }
.Ltmp2:
0x80: {  	s22 =	sadd.s32 s6, s22;
	[tilespmem:s23+$0x7770] =	vst v0;
	(pc) =	sbr.rel @p0 .LBB2_2-.Ltmp2, $4  }
0x81: {  	[hbm4b:s22+s2] =	stream.linear.scatter [tilespmem:s16], [sflag:$0x3], $0x2800, $0x38;
	[tilespmem:$0xEF00] =	vst v63  }
0x82: {  	_ =	swait.ge [sflag:s11], $0x2800  }
0x83: {  	[sflag:s11] =	ssyncset.done $0x0  }
0x84: {  	[sflag:s11] =	ssyncadd.s32 $0xFFFFD800  }
0x85: {  	_ =	swait.ge [sflag:s18], $0x2800  }
0x86: {  	[sflag:s18] =	ssyncset.done $0x0  }
0x87: {  	[sflag:s18] =	ssyncadd.s32 $0xFFFFD800  }
0x88: {  	_ =	swait.ge [sflag:s19], $0x2800  }
0x89: {  	[sflag:s19] =	ssyncset.done $0x0  }
0x8a: {  	s21 =	simm.s32 $0x0;
	[sflag:s19] =	ssyncadd.s32 $0xFFFFD800  }
0x8b: {  	v7 =	vld [tilespmem:s21+$0x9F00]  }
0x8c: {  	v11 =	vld [tilespmem:s21+$0x9F10]  }
0x8d: {  	v5 =	vld [tilespmem:s21+$0x9F20]  }
0x8e: {  	v4 =	vld [tilespmem:s21+$0x9F30]  }
0x8f: {  	v3 =	vld [tilespmem:s21+$0x9F40]  }
0x90: {  	v2 =	vld [tilespmem:s21+$0x9F50]  }
0x91: {  	v1 =	vld [tilespmem:s21+$0x9F60]  }
0x92: {  	v0 =	vld [tilespmem:s21+$0x9F70]  }
0x93: {  	v12 =	vld [tilespmem:s21+$0x4F00]  }
0x94: {  	v13 =	vld [tilespmem:s21+$0x4F10]  }
0x95: {  	v10 =	vld [tilespmem:s21+$0x4F20]  }
0x96: {  	v9 =	vld [tilespmem:s21+$0x4F30]  }
0x97: {  	v8 =	vld [tilespmem:s21+$0x4F40]  }
0x98: {  	v6 =	vld [tilespmem:s21+$0x4F50];
	v12 =	vadd.f32 v7, v12  }
0x99: {  	s22 =	simm.s32 $0x200;
	v11 =	vadd.f32 v11, v13;
	v7 =	vld [tilespmem:s21+$0x4F60]  }
.LBB2_8:
0x9a: {  	s23 =	sshra.s32 s22, $0x2;
	p0 =	sne.s32 s22, $0x9E00;
	[tilespmem:s21+$0x4F00] =	vst v12;
	v5 =	vadd.f32 v5, v10;
	v10 =	vld [tilespmem:s21+$0x4F70]  }
0x9b: {  	v12 =	vld [tilespmem:s23+$0x9F00];
	[tilespmem:s21+$0x4F10] =	vst v11;
	v4 =	vadd.f32 v4, v9  }
0x9c: {  	v11 =	vld [tilespmem:s23+$0x9F10];
	[tilespmem:s21+$0x4F20] =	vst v5;
	v3 =	vadd.f32 v3, v8  }
0x9d: {  	v5 =	vld [tilespmem:s23+$0x9F20];
	[tilespmem:s21+$0x4F30] =	vst v4;
	v2 =	vadd.f32 v2, v6  }
0x9e: {  	v4 =	vld [tilespmem:s23+$0x9F30];
	[tilespmem:s21+$0x4F40] =	vst v3;
	v1 =	vadd.f32 v1, v7  }
0x9f: {  	v3 =	vld [tilespmem:s23+$0x9F40];
	[tilespmem:s21+$0x4F50] =	vst v2;
	v0 =	vadd.f32 v0, v10  }
0xa0: {  	v2 =	vld [tilespmem:s23+$0x9F50];
	[tilespmem:s21+$0x4F60] =	vst v1  }
0xa1: {  	v1 =	vld [tilespmem:s23+$0x9F60];
	[tilespmem:s21+$0x4F70] =	vst v0;
	s21 =	smov.u32 s23  }
0xa2: {  	v0 =	vld [tilespmem:s21+$0x9F70]  }
0xa3: {  	v6 =	vld [tilespmem:s21+$0x4F00]  }
0xa4: {  	v7 =	vld [tilespmem:s21+$0x4F10]  }
.Ltmp3:
0xa5: {  	v10 =	vld [tilespmem:s21+$0x4F20];
	(pc) =	sbr.rel @p0 .LBB2_8-.Ltmp3, $4  }
0xa6: {  	v9 =	vld [tilespmem:s21+$0x4F30]  }
0xa7: {  	v8 =	vld [tilespmem:s21+$0x4F40]  }
0xa8: {  	v12 =	vadd.f32 v12, v6;
	v6 =	vld [tilespmem:s21+$0x4F50]  }
0xa9: {  	s22 =	sadd.s32 $0x200, s22;
	v11 =	vadd.f32 v11, v7;
	v7 =	vld [tilespmem:s21+$0x4F60]  }
0xaa: {  	[tilespmem:s21+$0x4F00] =	vst v12;
	v5 =	vadd.f32 v5, v10;
	v63 =	vld [tilespmem:s21+$0x4F70]  }
0xab: {  	[tilespmem:s21+$0x4F10] =	vst v11;
	v4 =	vadd.f32 v4, v9  }
0xac: {  	[tilespmem:s21+$0x4F20] =	vst v5;
	v3 =	vadd.f32 v3, v8  }
0xad: {  	[tilespmem:s21+$0x4F30] =	vst v4;
	v2 =	vadd.f32 v2, v6  }
0xae: {  	[tilespmem:s21+$0x4F40] =	vst v3;
	v1 =	vadd.f32 v1, v7  }
0xaf: {  	s20 =	sadd.s32 $0x1, s20;
	[tilespmem:s21+$0x4F50] =	vst v2;
	v0 =	vadd.f32 v0, v63  }
0xb0: {  	p0 =	sne.s32 s20, s10;
	[tilespmem:s21+$0x4F60] =	vst v1  }
.Ltmp4:
0xb1: {  	[tilespmem:s21+$0x4F70] =	vst v0;
	(pc) =	sbr.rel @p0 .LBB2_1-.Ltmp4, $4  }
0xb2: {  	[hbm4b:s9+s2] =	stream.linear.scatter [tilespmem:s14], [sflag:$0x3], $0x2800, $0x38;
	[tilespmem:$0xEF00] =	vst v63  }
0xb3: {  	_ =	swait.ge [sflag:s11], $0x2800  }
0xb4: {  	[sflag:s11] =	ssyncset.done $0x0  }
0xb5: {  	[sflag:s11] =	ssyncadd.s32 $0xFFFFD800  }
0xb6: {  	_ =	sfence.sel $0x180000  }
0xb7: {  	[bflag:$0x0] =	sbarrier.arrive $0xFFFF  }
0xb8: {  	p0 =	sne.s32 s1, $0x0;
	_ =	strace $0x90000047  }
0xb9: {  	s0 =	sadd.s32 @!p0 $0x100000, s0;
	[bflag:$0x2] =	sbarrier.arrive $0xFFFF  }
0xba: {  	[sflag:s0] =	ssyncadd.tile.s32 @!p0 $0x1;
	_ =	shalt  }
.Lfunc_end2:
_tile_overlayer_lowered:
.L_overlay_start_2:
0xbb: {  	(tag) =	ssettag $0x2  }
0xbc: {  	s0 =	rddreg [dreg:$0x0];
	s2 =	stileid.u32  }
0xbd: {  	s1 =	rddreg [dreg:$0x1];
	p0 =	sne.s32 s2, $0x0  }
0xbe: {  	s3 =	rddreg [dreg:$0x2];
	[bflag:$0x3] =	sbarrier.arrive $0xFFFF;
	s2 =	simm.s32 @!p0 $0x1C03  }
0xbf: {  	[timem:s3], [sflag:s2] =	dma.local @!p0 [hbm:s0], s1  }
0xc0: {  	s0 =	simm.s32 @!p0 $0x3  }
0xc1: {  	_ =	swait.ge @!p0 [sflag:s0], s1  }
0xc2: {  	s1 =	ssub.s32 @!p0 $0x0, s1;
	[sflag:s0] =	ssyncset.done @!p0 $0x0  }
0xc3: {  	[sflag:s0] =	ssyncadd.s32 @!p0 s1  }
0xc4: {  	[bflag:$0x3] =	sbarrier.arrive $0xFFFF  }
0xc5: {  	_ =	shalt  }

</sc_bundles>
